<compile_context>
chip_gen: v7x
topology: tpu7x:2x2x1
jax: 0.10.2.dev20260603
libtpu: 0.0.44.dev20260713+nightly
codegen_flags: <defaults>
</compile_context>

<pallas_src>
import functools

import jax
import jax.numpy as jnp
from jax import lax
from jax.experimental import pallas as pl
from jax.experimental.pallas import tpu as pltpu
from jax.experimental.pallas import tpu_sc as plsc

N = 10000
E = 320000
D = 128
R = 8
G = 64
C = 4

NC = 2
NS = 16
NW = NC * NS

CH = 80
EPW = E // NW
NCHUNK = EPW // CH
CNT_PAD = 81920
CNT_PT = CNT_PAD // NS
CNT_FB = 1280
N_PAD = 10240
NPT = N_PAD // NS
AFB = 128


def _mesh():
    return plsc.VectorSubcoreMesh(core_axis_name="c", subcore_axis_name="s")


def _count(seg):

    @functools.partial(
        pl.kernel,
        compiler_params=pltpu.CompilerParams(needs_layout_passes=False),
        out_type=jax.ShapeDtypeStruct((CNT_PAD,), jnp.float32),
        mesh=_mesh(),
        scratch_types=[
            pltpu.VMEM((CH,), jnp.int32),
            pltpu.VMEM((CH,), jnp.float32),
            pltpu.VMEM((CNT_FB,), jnp.float32),
            pltpu.VMEM_SHARED((CNT_PAD,), jnp.float32),
        ],
    )
    def k(seg_hbm, out_hbm, seg_v, ones_v, fb, cnt_sh):
        c = lax.axis_index("c")
        s = lax.axis_index("s")
        for g in range(CH // 16):
            ones_v[pl.ds(g * 16, 16)] = jnp.ones((16,), jnp.float32)

        def zb(t, cy):
            fb[pl.ds(t * 16, 16)] = jnp.zeros((16,), jnp.float32)
            return cy

        lax.fori_loop(0, CNT_FB // 16, zb, 0)

        @pl.when(c == 0)
        def _():
            for j in range(CNT_PT // CNT_FB):
                pltpu.sync_copy(fb, cnt_sh.at[pl.ds(s * CNT_PT + j * CNT_FB, CNT_FB)])

        plsc.subcore_barrier()

        @pl.when(c == 0)
        def _():
            base = s * (E // NS)

            def chunk(j, cy):
                pltpu.sync_copy(seg_hbm.at[pl.ds(base + j * CH, CH)], seg_v)
                pltpu.sync_copy(ones_v, cnt_sh.at[seg_v], add=True)
                return cy

            lax.fori_loop(0, E // NS // CH, chunk, 0)

        plsc.subcore_barrier()

        @pl.when(c == 0)
        def _():
            def fl(j, cy):
                off = s * CNT_PT + j * CNT_FB
                pltpu.sync_copy(cnt_sh.at[pl.ds(off, CNT_FB)], fb)
                pltpu.sync_copy(fb, out_hbm.at[pl.ds(off, CNT_FB)])
                return cy

            lax.fori_loop(0, CNT_PT // CNT_FB, fl, 0)

    return k(seg)


def _weights(cnt, seg):

    @functools.partial(
        pl.kernel,
        compiler_params=pltpu.CompilerParams(needs_layout_passes=False),
        out_type=jax.ShapeDtypeStruct((E,), jnp.float32),
        mesh=_mesh(),
        scratch_types=[
            pltpu.VMEM((N * R,), jnp.float32),
            pltpu.VMEM((CH,), jnp.int32),
            pltpu.VMEM((CH,), jnp.float32),
        ],
    )
    def k(cnt_hbm, seg_hbm, w_hbm, cnt_v, seg_v, w_v):
        c = lax.axis_index("c")
        s = lax.axis_index("s")
        wid = s * NC + c
        base = wid * EPW
        pltpu.sync_copy(cnt_hbm.at[pl.ds(0, N * R)], cnt_v)

        def chunk(j, cy):
            off = base + j * CH
            pltpu.sync_copy(seg_hbm.at[pl.ds(off, CH)], seg_v)
            for g in range(CH // 16):
                s16 = seg_v[pl.ds(g * 16, 16)]
                c16 = plsc.load_gather(cnt_v, [s16])
                w_v[pl.ds(g * 16, 16)] = 1.0 / jnp.maximum(c16, 1.0)
            pltpu.sync_copy(w_v, w_hbm.at[pl.ds(off, CH)])
            return cy

        lax.fori_loop(0, NCHUNK, chunk, 0)

    return k(cnt, seg)


def _agg(y, gidx, dst, w):

    @functools.partial(
        pl.kernel,
        compiler_params=pltpu.CompilerParams(needs_layout_passes=False),
        out_type=jax.ShapeDtypeStruct((NC * N_PAD, D), jnp.float32),
        mesh=_mesh(),
        scratch_types=[
            pltpu.VMEM((CH,), jnp.int32),
            pltpu.VMEM((CH,), jnp.int32),
            pltpu.VMEM((CH,), jnp.float32),
            pltpu.VMEM((CH, D), jnp.float32),
            pltpu.VMEM((AFB, D), jnp.float32),
            pltpu.VMEM_SHARED((N_PAD, D), jnp.float32),
            pltpu.SemaphoreType.DMA,
        ],
    )
    def k(y_hbm, gi_hbm, d_hbm, w_hbm, out_hbm, gi_v, d_v, w_v, rows_v, fbuf,
          acc_sh, sem):
        c = lax.axis_index("c")
        s = lax.axis_index("s")
        wid = s * NC + c

        def zb(t, cy):
            fbuf[t // 8, pl.ds((t % 8) * 16, 16)] = jnp.zeros((16,), jnp.float32)
            return cy

        lax.fori_loop(0, AFB * 8, zb, 0)
        for j in range(NPT // AFB):
            pltpu.sync_copy(fbuf, acc_sh.at[pl.ds(s * NPT + j * AFB, AFB)])
        plsc.subcore_barrier()

        base = wid * EPW

        def chunk(j, cy):
            off = base + j * CH
            pltpu.sync_copy(gi_hbm.at[pl.ds(off, CH)], gi_v)
            pltpu.sync_copy(d_hbm.at[pl.ds(off, CH)], d_v)
            pltpu.sync_copy(w_hbm.at[pl.ds(off, CH)], w_v)
            pltpu.async_copy(y_hbm.at[gi_v], rows_v, sem).wait()

            def edge(e, cy2):
                wb = plsc.load_gather(w_v, [jnp.zeros((16,), jnp.int32) + e])
                for kk in range(D // 16):
                    sl = pl.ds(kk * 16, 16)
                    rows_v[e, sl] = rows_v[e, sl] * wb
                return cy2

            lax.fori_loop(0, CH, edge, 0)
            pltpu.sync_copy(rows_v, acc_sh.at[d_v], add=True)
            return cy

        lax.fori_loop(0, NCHUNK, chunk, 0)
        plsc.subcore_barrier()

        def fl(j, cy):
            off = s * NPT + j * AFB
            pltpu.sync_copy(acc_sh.at[pl.ds(off, AFB)], fbuf)
            pltpu.sync_copy(fbuf, out_hbm.at[pl.ds(c * N_PAD + off, AFB)])
            return cy

        lax.fori_loop(0, NPT // AFB, fl, 0)

    return k(y, gidx, dst, w)


BN = 400
NB = N // BN


def _dense(x, acc, rw, rtw, rtb):
    with_acc = acc is not None

    def body(*refs):
        if with_acc:
            x_ref, acc_ref, rw_ref, rtw_ref, rtb_ref, y_ref, root_ref = refs
            h = jnp.maximum(x_ref[...] + acc_ref[0] + acc_ref[1], 0.0)
        else:
            x_ref, rw_ref, rtw_ref, rtb_ref, y_ref, root_ref = refs
            h = x_ref[...]
        root_ref[...] = (
            jnp.dot(h, rtw_ref[...], preferred_element_type=jnp.float32)
            + rtb_ref[...]
        )
        for r in range(R):
            y_ref[r] = jnp.dot(h, rw_ref[r], preferred_element_type=jnp.float32)

    in_specs = [pl.BlockSpec((BN, D), lambda i: (i, 0))]
    operands = [x]
    if with_acc:
        in_specs.append(pl.BlockSpec((NC, BN, D), lambda i: (0, i, 0)))
        operands.append(acc)
    in_specs += [
        pl.BlockSpec((R, D, D), lambda i: (0, 0, 0)),
        pl.BlockSpec((D, D), lambda i: (0, 0)),
        pl.BlockSpec((1, D), lambda i: (0, 0)),
    ]
    operands += [rw, rtw, rtb]
    return pl.pallas_call(
        body,
        grid=(NB,),
        in_specs=in_specs,
        out_specs=[
            pl.BlockSpec((R, BN, D), lambda i: (0, i, 0)),
            pl.BlockSpec((BN, D), lambda i: (i, 0)),
        ],
        out_shape=[
            jax.ShapeDtypeStruct((R, N, D), jnp.float32),
            jax.ShapeDtypeStruct((N, D), jnp.float32),
        ],
    )(*operands)


def _head(root, acc, batch2, w1, b1, w2, b2, w3, b3):

    def body(root_ref, acc_ref, b_ref, w1_ref, b1_ref, w2_ref, b2_ref, w3_ref,
             b3_ref, logits_ref, sums_ref, cnts_ref):
        i = pl.program_id(0)
        h = jnp.maximum(root_ref[...] + acc_ref[0] + acc_ref[1], 0.0)
        gids = lax.broadcasted_iota(jnp.int32, (1, G), 1)
        onehot = (b_ref[...] == gids).astype(jnp.float32)
        dnum = (((0,), (0,)), ((), ()))
        ssum = lax.dot_general(onehot, h, dnum,
                               preferred_element_type=jnp.float32)
        scnt = lax.dot_general(onehot, jnp.ones((BN, 1), jnp.float32), dnum,
                               preferred_element_type=jnp.float32)

        @pl.when(i == 0)
        def _():
            sums_ref[...] = ssum
            cnts_ref[...] = scnt

        @pl.when(i > 0)
        def _():
            sums_ref[...] += ssum
            cnts_ref[...] += scnt

        @pl.when(i == NB - 1)
        def _():
            pooled = sums_ref[...] / jnp.maximum(cnts_ref[...], 1.0)
            z = jnp.maximum(
                jnp.dot(pooled, w1_ref[...],
                        preferred_element_type=jnp.float32) + b1_ref[...], 0.0)
            z = jnp.maximum(
                jnp.dot(z, w2_ref[...],
                        preferred_element_type=jnp.float32) + b2_ref[...], 0.0)
            logits_ref[...] = (
                jnp.dot(z, w3_ref[...], preferred_element_type=jnp.float32)
                + b3_ref[...])

    logits, _, _ = pl.pallas_call(
        body,
        grid=(NB,),
        in_specs=[
            pl.BlockSpec((BN, D), lambda i: (i, 0)),
            pl.BlockSpec((NC, BN, D), lambda i: (0, i, 0)),
            pl.BlockSpec((BN, 1), lambda i: (i, 0)),
            pl.BlockSpec((D, D), lambda i: (0, 0)),
            pl.BlockSpec((1, D), lambda i: (0, 0)),
            pl.BlockSpec((D, D), lambda i: (0, 0)),
            pl.BlockSpec((1, D), lambda i: (0, 0)),
            pl.BlockSpec((D, C), lambda i: (0, 0)),
            pl.BlockSpec((1, C), lambda i: (0, 0)),
        ],
        out_specs=[
            pl.BlockSpec((G, C), lambda i: (0, 0)),
            pl.BlockSpec((G, D), lambda i: (0, 0)),
            pl.BlockSpec((G, 1), lambda i: (0, 0)),
        ],
        out_shape=[
            jax.ShapeDtypeStruct((G, C), jnp.float32),
            jax.ShapeDtypeStruct((G, D), jnp.float32),
            jax.ShapeDtypeStruct((G, 1), jnp.float32),
        ],
    )(root, acc, batch2, w1, b1, w2, b2, w3, b3)
    return logits


def kernel(x, edge_index, edge_type, batch, rel_w, root_w, root_b,
           mlp_w1, mlp_b1, mlp_w2, mlp_b2, mlp_w3, mlp_b3):
    src = edge_index[0]
    dst = edge_index[1]
    et = edge_type
    seg = dst * R + et
    gidx = et * N + src

    cnt = _count(seg)
    w = _weights(cnt, seg)

    y1, root1 = _dense(x, None, rel_w[0], root_w[0], root_b[0].reshape(1, D))
    acc1 = _agg(y1.reshape(R * N, D), gidx, dst, w)
    acc1 = acc1.reshape(NC, N_PAD, D)[:, :N]
    y2, root2 = _dense(root1, acc1, rel_w[1], root_w[1],
                       root_b[1].reshape(1, D))
    acc2 = _agg(y2.reshape(R * N, D), gidx, dst, w)
    acc2 = acc2.reshape(NC, N_PAD, D)[:, :N]
    logits = _head(root2, acc2, batch.reshape(N, 1),
                   mlp_w1, mlp_b1.reshape(1, D), mlp_w2, mlp_b2.reshape(1, D),
                   mlp_w3, mlp_b3.reshape(1, C))
    return logits

# --- scband reference (transcript-rebuilt; emitter-appended) ---
"""Pipeline reference for scband-rgnn-classifier-79826262164186 (READ-ONLY COPY).

The authoritative reference and input builder live on the scoring server;
editing this copy changes nothing except your own understanding.
"""

import jax, jax.numpy as jnp
import numpy as np

N = 10000
E = 320000
D = 128
R = 8
G = 64
L = 2
C = 4


def setup_inputs(seed: int = 0) -> dict:
    key = jax.random.key(seed)
    ks = jax.random.split(key, 16)
    x = jax.random.normal(ks[0], (N, D), dtype=jnp.float32)
    edge_index = jax.random.randint(ks[1], (2, E), 0, N, dtype=jnp.int32)
    edge_type = jax.random.randint(ks[2], (E,), 0, R, dtype=jnp.int32)
    batch = jnp.sort(jax.random.randint(ks[3], (N,), 0, G, dtype=jnp.int32))
    s = 1.0 / np.sqrt(D)
    rel_w = jax.random.normal(ks[4], (L, R, D, D), dtype=jnp.float32) * s
    root_w = jax.random.normal(ks[5], (L, D, D), dtype=jnp.float32) * s
    root_b = jnp.zeros((L, D), dtype=jnp.float32)
    mlp_w1 = jax.random.normal(ks[6], (D, D), dtype=jnp.float32) * s
    mlp_b1 = jnp.zeros((D,), dtype=jnp.float32)
    mlp_w2 = jax.random.normal(ks[7], (D, D), dtype=jnp.float32) * s
    mlp_b2 = jnp.zeros((D,), dtype=jnp.float32)
    mlp_w3 = jax.random.normal(ks[8], (D, C), dtype=jnp.float32) * s
    mlp_b3 = jnp.zeros((C,), dtype=jnp.float32)
    return {"x": x, "edge_index": edge_index, "edge_type": edge_type, "batch": batch,
            "rel_w": rel_w, "root_w": root_w, "root_b": root_b,
            "mlp_w1": mlp_w1, "mlp_b1": mlp_b1, "mlp_w2": mlp_w2, "mlp_b2": mlp_b2,
            "mlp_w3": mlp_w3, "mlp_b3": mlp_b3}


def _rgcn_layer(x, src, dst, edge_type, W, Wroot, b):
    # PyG RGCNConv (no decomposition): out = x @ root + bias + sum_r mean_agg_r(x_j) @ W_r
    xj = x[src]  # gather: [E, D]
    out = x @ Wroot + b
    for r in range(R):
        m = (edge_type == r).astype(x.dtype)
        msg = xj * m[:, None]
        agg = jax.ops.segment_sum(msg, dst, num_segments=N)
        cnt = jax.ops.segment_sum(m, dst, num_segments=N)
        h = agg / jnp.maximum(cnt, 1.0)[:, None]
        out = out + h @ W[r]
    return out


def reference(x, edge_index, edge_type, batch, rel_w, root_w, root_b,
              mlp_w1, mlp_b1, mlp_w2, mlp_b2, mlp_w3, mlp_b3):
    src = edge_index[0]
    dst = edge_index[1]
    h = x
    for i in range(L):
        h = _rgcn_layer(h, src, dst, edge_type, rel_w[i], root_w[i], root_b[i])
        h = jax.nn.relu(h)
        # dropout is identity in eval mode
    # global mean pool over batch assignment
    sums = jax.ops.segment_sum(h, batch, num_segments=G)
    cnts = jax.ops.segment_sum(jnp.ones((N,), h.dtype), batch, num_segments=G)
    pooled = sums / jnp.maximum(cnts, 1.0)[:, None]
    # MLP head: 3 layers, 128 -> 128 -> 128 -> 4
    z = jax.nn.relu(pooled @ mlp_w1 + mlp_b1)
    z = jax.nn.relu(z @ mlp_w2 + mlp_b2)
    logits = z @ mlp_w3 + mlp_b3
    return logits

if __name__ == "__main__":
    import jax
    _d = setup_inputs()
    print(jax.jit(kernel)(*tuple(_d.values())))

</pallas_src>

<mosaic_0001>
#map = affine_map<(d0, d1) -> (0)>
module attributes {stable_mosaic.version = 14 : i64} {
  func.func @k(%arg0: i32, %arg1: i32, %arg2: memref<81920xf32, #tpu.memory_space<hbm>>, %arg3: memref<320000xi32, #tpu.memory_space<hbm>>, %arg4: memref<320000xf32, #tpu.memory_space<hbm>>, %arg5: memref<80000xf32, #tpu.memory_space<vmem>>, %arg6: memref<80xi32, #tpu.memory_space<vmem>>, %arg7: memref<80xf32, #tpu.memory_space<vmem>>) attributes {dimension_semantics = [#tpu.dimension_semantics<core_parallel>, #tpu.dimension_semantics<subcore_parallel>], iteration_bounds = array<i64: 2, 16>, scalar_prefetch = 0 : i64, scratch_operands = 3 : i64, tpu.core_type = #tpu.core_type<sc_vector_subcore>, window_params = [{transform_indices = #map}, {transform_indices = #map}, {transform_indices = #map}]} {
    %mul3A = arith.constant 2 : i32
    %mul3A_0 = arith.muli %arg1, %mul3A : i32
    %add3A = arith.addi %mul3A_0, %arg0 : i32
    %mul3A_1 = arith.constant 10000 : i32
    %mul3A_2 = arith.muli %add3A, %mul3A_1 : i32
    "tpu.region"() ({
      %run_scoped3A = tpu.sem_alloc : memref<!tpu.dma_semaphore, #tpu.memory_space<semaphore_mem>>
      %dma_start3A = arith.constant 0 : i32
      %dma_start3A_8 = tpu.memref_slice %arg2[%dma_start3A] : memref<81920xf32, #tpu.memory_space<hbm>> -> memref<80000xf32, #tpu.memory_space<hbm>>
      %dma_start3A_9 = arith.constant 0 : i32
      %dma_start3A_10 = tpu.memref_slice %arg2[%dma_start3A_9] : memref<81920xf32, #tpu.memory_space<hbm>> -> memref<80000xf32, #tpu.memory_space<hbm>>
      tpu.enqueue_dma source(%dma_start3A_10 : memref<80000xf32, #tpu.memory_space<hbm>>) target(%arg5 : memref<80000xf32, #tpu.memory_space<vmem>>) target_semaphore(%run_scoped3A : memref<!tpu.dma_semaphore, #tpu.memory_space<semaphore_mem>>)
      %dma_wait3A = arith.constant 0 : i32
      %dma_wait3A_11 = tpu.memref_slice %arg2[%dma_wait3A] : memref<81920xf32, #tpu.memory_space<hbm>> -> memref<80000xf32, #tpu.memory_space<hbm>>
      %dma_wait3A_12 = arith.constant 0 : i32
      %dma_wait3A_13 = tpu.memref_slice %arg2[%dma_wait3A_12] : memref<81920xf32, #tpu.memory_space<hbm>> -> memref<80000xf32, #tpu.memory_space<hbm>>
      tpu.wait_dma2 semaphore(%run_scoped3A : memref<!tpu.dma_semaphore, #tpu.memory_space<semaphore_mem>>) src(%dma_wait3A_13 : memref<80000xf32, #tpu.memory_space<hbm>>) dst(%arg5 : memref<80000xf32, #tpu.memory_space<vmem>>)
      tpu.yield
    }) : () -> ()
    %scan3A = arith.constant 0 : i32
    %scan3A_3 = arith.constant 0 : i32
    %scan3A_4 = arith.constant 125 : i32
    %scan3A_5 = arith.addi %scan3A_3, %scan3A_4 : i32
    %scan3A_6 = arith.constant 1 : i32
    scf.for %scan3A_8 = %scan3A_3 to %scan3A_5 step %scan3A_6  : i32 {
      %mul3A_9 = arith.constant 80 : i32
      %mul3A_10 = arith.muli %scan3A_8, %mul3A_9 : i32
      %add3A_11 = arith.addi %mul3A_2, %mul3A_10 : i32
      "tpu.region"() ({
        %run_scoped3A = tpu.sem_alloc : memref<!tpu.dma_semaphore, #tpu.memory_space<semaphore_mem>>
        %dma_start3A = tpu.memref_slice %arg3[%add3A_11] : memref<320000xi32, #tpu.memory_space<hbm>> -> memref<80xi32, #tpu.memory_space<hbm>>
        %dma_start3A_62 = tpu.memref_slice %arg3[%add3A_11] : memref<320000xi32, #tpu.memory_space<hbm>> -> memref<80xi32, #tpu.memory_space<hbm>>
        tpu.enqueue_dma source(%dma_start3A_62 : memref<80xi32, #tpu.memory_space<hbm>>) target(%arg6 : memref<80xi32, #tpu.memory_space<vmem>>) target_semaphore(%run_scoped3A : memref<!tpu.dma_semaphore, #tpu.memory_space<semaphore_mem>>)
        %dma_wait3A = tpu.memref_slice %arg3[%add3A_11] : memref<320000xi32, #tpu.memory_space<hbm>> -> memref<80xi32, #tpu.memory_space<hbm>>
        %dma_wait3A_63 = tpu.memref_slice %arg3[%add3A_11] : memref<320000xi32, #tpu.memory_space<hbm>> -> memref<80xi32, #tpu.memory_space<hbm>>
        tpu.wait_dma2 semaphore(%run_scoped3A : memref<!tpu.dma_semaphore, #tpu.memory_space<semaphore_mem>>) src(%dma_wait3A_63 : memref<80xi32, #tpu.memory_space<hbm>>) dst(%arg6 : memref<80xi32, #tpu.memory_space<vmem>>)
        tpu.yield
      }) : () -> ()
      %get3A = arith.constant 0 : index
      %get3A_12 = tpu.vector_load %arg6[%get3A] {strides = array<i32>} : memref<80xi32, #tpu.memory_space<vmem>>, vector<16xi32>,
      %gather3A = tpu.vector_load_idx %arg5[%get3A_12] : memref<80000xf32, #tpu.memory_space<vmem>>[vector<16xi32>], vector<16xf32>,
      %max3A = arith.constant 1.000000e+00 : f32
      %max3A_13 = vector.broadcast %max3A : f32 to vector<16xf32>
      %max3A_14 = arith.maximumf %gather3A, %max3A_13 : vector<16xf32>
      %div3A = arith.constant 1.000000e+00 : f32
      %div3A_15 = vector.broadcast %div3A : f32 to vector<16xf32>
      %div3A_16 = arith.divf %div3A_15, %max3A_14 : vector<16xf32>
      %swap3A = arith.constant 0 : index
      %swap3A_17 = tpu.vector_load %arg7[%swap3A] {strides = array<i32>} : memref<80xf32, #tpu.memory_space<vmem>>, vector<16xf32>,
      tpu.vector_store %arg7[%swap3A], %div3A_16 {strides = array<i32>} : memref<80xf32, #tpu.memory_space<vmem>>, vector<16xf32>,
      %get3A_18 = arith.constant 16 : index
      %get3A_19 = tpu.vector_load %arg6[%get3A_18] {strides = array<i32>} : memref<80xi32, #tpu.memory_space<vmem>>, vector<16xi32>,
      %gather3A_20 = tpu.vector_load_idx %arg5[%get3A_19] : memref<80000xf32, #tpu.memory_space<vmem>>[vector<16xi32>], vector<16xf32>,
      %max3A_21 = arith.constant 1.000000e+00 : f32
      %max3A_22 = vector.broadcast %max3A_21 : f32 to vector<16xf32>
      %max3A_23 = arith.maximumf %gather3A_20, %max3A_22 : vector<16xf32>
      %div3A_24 = arith.constant 1.000000e+00 : f32
      %div3A_25 = vector.broadcast %div3A_24 : f32 to vector<16xf32>
      %div3A_26 = arith.divf %div3A_25, %max3A_23 : vector<16xf32>
      %swap3A_27 = arith.constant 16 : index
      %swap3A_28 = tpu.vector_load %arg7[%swap3A_27] {strides = array<i32>} : memref<80xf32, #tpu.memory_space<vmem>>, vector<16xf32>,
      tpu.vector_store %arg7[%swap3A_27], %div3A_26 {strides = array<i32>} : memref<80xf32, #tpu.memory_space<vmem>>, vector<16xf32>,
      %get3A_29 = arith.constant 32 : index
      %get3A_30 = tpu.vector_load %arg6[%get3A_29] {strides = array<i32>} : memref<80xi32, #tpu.memory_space<vmem>>, vector<16xi32>,
      %gather3A_31 = tpu.vector_load_idx %arg5[%get3A_30] : memref<80000xf32, #tpu.memory_space<vmem>>[vector<16xi32>], vector<16xf32>,
      %max3A_32 = arith.constant 1.000000e+00 : f32
      %max3A_33 = vector.broadcast %max3A_32 : f32 to vector<16xf32>
      %max3A_34 = arith.maximumf %gather3A_31, %max3A_33 : vector<16xf32>
      %div3A_35 = arith.constant 1.000000e+00 : f32
      %div3A_36 = vector.broadcast %div3A_35 : f32 to vector<16xf32>
      %div3A_37 = arith.divf %div3A_36, %max3A_34 : vector<16xf32>
      %swap3A_38 = arith.constant 32 : index
      %swap3A_39 = tpu.vector_load %arg7[%swap3A_38] {strides = array<i32>} : memref<80xf32, #tpu.memory_space<vmem>>, vector<16xf32>,
      tpu.vector_store %arg7[%swap3A_38], %div3A_37 {strides = array<i32>} : memref<80xf32, #tpu.memory_space<vmem>>, vector<16xf32>,
      %get3A_40 = arith.constant 48 : index
      %get3A_41 = tpu.vector_load %arg6[%get3A_40] {strides = array<i32>} : memref<80xi32, #tpu.memory_space<vmem>>, vector<16xi32>,
      %gather3A_42 = tpu.vector_load_idx %arg5[%get3A_41] : memref<80000xf32, #tpu.memory_space<vmem>>[vector<16xi32>], vector<16xf32>,
      %max3A_43 = arith.constant 1.000000e+00 : f32
      %max3A_44 = vector.broadcast %max3A_43 : f32 to vector<16xf32>
      %max3A_45 = arith.maximumf %gather3A_42, %max3A_44 : vector<16xf32>
      %div3A_46 = arith.constant 1.000000e+00 : f32
      %div3A_47 = vector.broadcast %div3A_46 : f32 to vector<16xf32>
      %div3A_48 = arith.divf %div3A_47, %max3A_45 : vector<16xf32>
      %swap3A_49 = arith.constant 48 : index
      %swap3A_50 = tpu.vector_load %arg7[%swap3A_49] {strides = array<i32>} : memref<80xf32, #tpu.memory_space<vmem>>, vector<16xf32>,
      tpu.vector_store %arg7[%swap3A_49], %div3A_48 {strides = array<i32>} : memref<80xf32, #tpu.memory_space<vmem>>, vector<16xf32>,
      %get3A_51 = arith.constant 64 : index
      %get3A_52 = tpu.vector_load %arg6[%get3A_51] {strides = array<i32>} : memref<80xi32, #tpu.memory_space<vmem>>, vector<16xi32>,
      %gather3A_53 = tpu.vector_load_idx %arg5[%get3A_52] : memref<80000xf32, #tpu.memory_space<vmem>>[vector<16xi32>], vector<16xf32>,
      %max3A_54 = arith.constant 1.000000e+00 : f32
      %max3A_55 = vector.broadcast %max3A_54 : f32 to vector<16xf32>
      %max3A_56 = arith.maximumf %gather3A_53, %max3A_55 : vector<16xf32>
      %div3A_57 = arith.constant 1.000000e+00 : f32
      %div3A_58 = vector.broadcast %div3A_57 : f32 to vector<16xf32>
      %div3A_59 = arith.divf %div3A_58, %max3A_56 : vector<16xf32>
      %swap3A_60 = arith.constant 64 : index
      %swap3A_61 = tpu.vector_load %arg7[%swap3A_60] {strides = array<i32>} : memref<80xf32, #tpu.memory_space<vmem>>, vector<16xf32>,
      tpu.vector_store %arg7[%swap3A_60], %div3A_59 {strides = array<i32>} : memref<80xf32, #tpu.memory_space<vmem>>, vector<16xf32>,
      "tpu.region"() ({
        %run_scoped3A = tpu.sem_alloc : memref<!tpu.dma_semaphore, #tpu.memory_space<semaphore_mem>>
        %dma_start3A = tpu.memref_slice %arg4[%add3A_11] : memref<320000xf32, #tpu.memory_space<hbm>> -> memref<80xf32, #tpu.memory_space<hbm>>
        %dma_start3A_62 = tpu.memref_slice %arg4[%add3A_11] : memref<320000xf32, #tpu.memory_space<hbm>> -> memref<80xf32, #tpu.memory_space<hbm>>
        tpu.enqueue_dma source(%arg7 : memref<80xf32, #tpu.memory_space<vmem>>) target(%dma_start3A_62 : memref<80xf32, #tpu.memory_space<hbm>>) target_semaphore(%run_scoped3A : memref<!tpu.dma_semaphore, #tpu.memory_space<semaphore_mem>>)
        %dma_wait3A = tpu.memref_slice %arg4[%add3A_11] : memref<320000xf32, #tpu.memory_space<hbm>> -> memref<80xf32, #tpu.memory_space<hbm>>
        %dma_wait3A_63 = tpu.memref_slice %arg4[%add3A_11] : memref<320000xf32, #tpu.memory_space<hbm>> -> memref<80xf32, #tpu.memory_space<hbm>>
        tpu.wait_dma2 semaphore(%run_scoped3A : memref<!tpu.dma_semaphore, #tpu.memory_space<semaphore_mem>>) src(%arg7 : memref<80xf32, #tpu.memory_space<vmem>>) dst(%dma_wait3A_63 : memref<80xf32, #tpu.memory_space<hbm>>)
        tpu.yield
      }) : () -> ()
    }
    %scan3A_7 = arith.constant 125 : i32
    return
  }
}

#map = affine_map<(d0, d1) -> (0)>
module attributes {stable_mosaic.version = 14 : i64} {
  func.func @k(%arg0: i32, %arg1: i32, %arg2: memref<320000xi32, #tpu.memory_space<hbm>>, %arg3: memref<81920xf32, #tpu.memory_space<hbm>>, %arg4: memref<80xi32, #tpu.memory_space<vmem>>, %arg5: memref<80xf32, #tpu.memory_space<vmem>>, %arg6: memref<1280xf32, #tpu.memory_space<vmem>>, %arg7: memref<81920xf32, #tpu.memory_space<vmem_shared>>) attributes {dimension_semantics = [#tpu.dimension_semantics<core_parallel>, #tpu.dimension_semantics<subcore_parallel>], iteration_bounds = array<i64: 2, 16>, scalar_prefetch = 0 : i64, scratch_operands = 4 : i64, tpu.core_type = #tpu.core_type<sc_vector_subcore>, window_params = [{transform_indices = #map}, {transform_indices = #map}]} {
    %broadcast_in_dim3A = arith.constant 1.000000e+00 : f32
    %broadcast_in_dim3A_0 = vector.broadcast %broadcast_in_dim3A : f32 to vector<16xf32>
    %swap3A = arith.constant 0 : index
    %swap3A_1 = tpu.vector_load %arg5[%swap3A] {strides = array<i32>} : memref<80xf32, #tpu.memory_space<vmem>>, vector<16xf32>,
    tpu.vector_store %arg5[%swap3A], %broadcast_in_dim3A_0 {strides = array<i32>} : memref<80xf32, #tpu.memory_space<vmem>>, vector<16xf32>,
    %broadcast_in_dim3A_2 = arith.constant 1.000000e+00 : f32
    %broadcast_in_dim3A_3 = vector.broadcast %broadcast_in_dim3A_2 : f32 to vector<16xf32>
    %swap3A_4 = arith.constant 16 : index
    %swap3A_5 = tpu.vector_load %arg5[%swap3A_4] {strides = array<i32>} : memref<80xf32, #tpu.memory_space<vmem>>, vector<16xf32>,
    tpu.vector_store %arg5[%swap3A_4], %broadcast_in_dim3A_3 {strides = array<i32>} : memref<80xf32, #tpu.memory_space<vmem>>, vector<16xf32>,
    %broadcast_in_dim3A_6 = arith.constant 1.000000e+00 : f32
    %broadcast_in_dim3A_7 = vector.broadcast %broadcast_in_dim3A_6 : f32 to vector<16xf32>
    %swap3A_8 = arith.constant 32 : index
    %swap3A_9 = tpu.vector_load %arg5[%swap3A_8] {strides = array<i32>} : memref<80xf32, #tpu.memory_space<vmem>>, vector<16xf32>,
    tpu.vector_store %arg5[%swap3A_8], %broadcast_in_dim3A_7 {strides = array<i32>} : memref<80xf32, #tpu.memory_space<vmem>>, vector<16xf32>,
    %broadcast_in_dim3A_10 = arith.constant 1.000000e+00 : f32
    %broadcast_in_dim3A_11 = vector.broadcast %broadcast_in_dim3A_10 : f32 to vector<16xf32>
    %swap3A_12 = arith.constant 48 : index
    %swap3A_13 = tpu.vector_load %arg5[%swap3A_12] {strides = array<i32>} : memref<80xf32, #tpu.memory_space<vmem>>, vector<16xf32>,
    tpu.vector_store %arg5[%swap3A_12], %broadcast_in_dim3A_11 {strides = array<i32>} : memref<80xf32, #tpu.memory_space<vmem>>, vector<16xf32>,
    %broadcast_in_dim3A_14 = arith.constant 1.000000e+00 : f32
    %broadcast_in_dim3A_15 = vector.broadcast %broadcast_in_dim3A_14 : f32 to vector<16xf32>
    %swap3A_16 = arith.constant 64 : index
    %swap3A_17 = tpu.vector_load %arg5[%swap3A_16] {strides = array<i32>} : memref<80xf32, #tpu.memory_space<vmem>>, vector<16xf32>,
    tpu.vector_store %arg5[%swap3A_16], %broadcast_in_dim3A_15 {strides = array<i32>} : memref<80xf32, #tpu.memory_space<vmem>>, vector<16xf32>,
    %scan3A = arith.constant 0 : i32
    %scan3A_18 = arith.constant 0 : i32
    %scan3A_19 = arith.constant 80 : i32
    %scan3A_20 = arith.addi %scan3A_18, %scan3A_19 : i32
    %scan3A_21 = arith.constant 1 : i32
    scf.for %scan3A_36 = %scan3A_18 to %scan3A_20 step %scan3A_21  : i32 {
      %broadcast_in_dim3A_37 = arith.constant 0.000000e+00 : f32
      %broadcast_in_dim3A_38 = vector.broadcast %broadcast_in_dim3A_37 : f32 to vector<16xf32>
      %mul3A = arith.constant 16 : i32
      %mul3A_39 = arith.muli %scan3A_36, %mul3A : i32
      %swap3A_40 = arith.index_cast %mul3A_39 : i32 to index
      %swap3A_41 = tpu.vector_load %arg6[%swap3A_40] {strides = array<i32>} : memref<1280xf32, #tpu.memory_space<vmem>>, vector<16xf32>,
      tpu.vector_store %arg6[%swap3A_40], %broadcast_in_dim3A_38 {strides = array<i32>} : memref<1280xf32, #tpu.memory_space<vmem>>, vector<16xf32>,
    }
    %scan3A_22 = arith.constant 80 : i32
    %eq3A = arith.constant 0 : i32
    %eq3A_23 = arith.cmpi eq, %arg0, %eq3A : i32
    %convert_element_type3A = arith.extui %eq3A_23 : i1 to i32
    %cond3A = arith.constant 0 : i32
    %cond3A_24 = arith.cmpi ne, %convert_element_type3A, %cond3A : i32
    scf.if %cond3A_24 {
      %mul3A = arith.constant 5120 : i32
      %mul3A_36 = arith.muli %arg1, %mul3A : i32
      %add3A = arith.constant 0 : i32
      %add3A_37 = arith.addi %mul3A_36, %add3A : i32
      "tpu.region"() ({
        %run_scoped3A = tpu.sem_alloc : memref<!tpu.dma_semaphore, #tpu.memory_space<semaphore_mem>>
        %dma_start3A = tpu.memref_slice %arg7[%add3A_37] : memref<81920xf32, #tpu.memory_space<vmem_shared>> -> memref<1280xf32, #tpu.memory_space<vmem_shared>>
        %dma_start3A_50 = tpu.memref_slice %arg7[%add3A_37] : memref<81920xf32, #tpu.memory_space<vmem_shared>> -> memref<1280xf32, #tpu.memory_space<vmem_shared>>
        tpu.enqueue_dma source(%arg6 : memref<1280xf32, #tpu.memory_space<vmem>>) target(%dma_start3A_50 : memref<1280xf32, #tpu.memory_space<vmem_shared>>) target_semaphore(%run_scoped3A : memref<!tpu.dma_semaphore, #tpu.memory_space<semaphore_mem>>)
        %dma_wait3A = tpu.memref_slice %arg7[%add3A_37] : memref<81920xf32, #tpu.memory_space<vmem_shared>> -> memref<1280xf32, #tpu.memory_space<vmem_shared>>
        %dma_wait3A_51 = tpu.memref_slice %arg7[%add3A_37] : memref<81920xf32, #tpu.memory_space<vmem_shared>> -> memref<1280xf32, #tpu.memory_space<vmem_shared>>
        tpu.wait_dma2 semaphore(%run_scoped3A : memref<!tpu.dma_semaphore, #tpu.memory_space<semaphore_mem>>) src(%arg6 : memref<1280xf32, #tpu.memory_space<vmem>>) dst(%dma_wait3A_51 : memref<1280xf32, #tpu.memory_space<vmem_shared>>)
        tpu.yield
      }) : () -> ()
      %mul3A_38 = arith.constant 5120 : i32
      %mul3A_39 = arith.muli %arg1, %mul3A_38 : i32
      %add3A_40 = arith.constant 1280 : i32
      %add3A_41 = arith.addi %mul3A_39, %add3A_40 : i32
      "tpu.region"() ({
        %run_scoped3A = tpu.sem_alloc : memref<!tpu.dma_semaphore, #tpu.memory_space<semaphore_mem>>
        %dma_start3A = tpu.memref_slice %arg7[%add3A_41] : memref<81920xf32, #tpu.memory_space<vmem_shared>> -> memref<1280xf32, #tpu.memory_space<vmem_shared>>
        %dma_start3A_50 = tpu.memref_slice %arg7[%add3A_41] : memref<81920xf32, #tpu.memory_space<vmem_shared>> -> memref<1280xf32, #tpu.memory_space<vmem_shared>>
        tpu.enqueue_dma source(%arg6 : memref<1280xf32, #tpu.memory_space<vmem>>) target(%dma_start3A_50 : memref<1280xf32, #tpu.memory_space<vmem_shared>>) target_semaphore(%run_scoped3A : memref<!tpu.dma_semaphore, #tpu.memory_space<semaphore_mem>>)
        %dma_wait3A = tpu.memref_slice %arg7[%add3A_41] : memref<81920xf32, #tpu.memory_space<vmem_shared>> -> memref<1280xf32, #tpu.memory_space<vmem_shared>>
        %dma_wait3A_51 = tpu.memref_slice %arg7[%add3A_41] : memref<81920xf32, #tpu.memory_space<vmem_shared>> -> memref<1280xf32, #tpu.memory_space<vmem_shared>>
        tpu.wait_dma2 semaphore(%run_scoped3A : memref<!tpu.dma_semaphore, #tpu.memory_space<semaphore_mem>>) src(%arg6 : memref<1280xf32, #tpu.memory_space<vmem>>) dst(%dma_wait3A_51 : memref<1280xf32, #tpu.memory_space<vmem_shared>>)
        tpu.yield
      }) : () -> ()
      %mul3A_42 = arith.constant 5120 : i32
      %mul3A_43 = arith.muli %arg1, %mul3A_42 : i32
      %add3A_44 = arith.constant 2560 : i32
      %add3A_45 = arith.addi %mul3A_43, %add3A_44 : i32
      "tpu.region"() ({
        %run_scoped3A = tpu.sem_alloc : memref<!tpu.dma_semaphore, #tpu.memory_space<semaphore_mem>>
        %dma_start3A = tpu.memref_slice %arg7[%add3A_45] : memref<81920xf32, #tpu.memory_space<vmem_shared>> -> memref<1280xf32, #tpu.memory_space<vmem_shared>>
        %dma_start3A_50 = tpu.memref_slice %arg7[%add3A_45] : memref<81920xf32, #tpu.memory_space<vmem_shared>> -> memref<1280xf32, #tpu.memory_space<vmem_shared>>
        tpu.enqueue_dma source(%arg6 : memref<1280xf32, #tpu.memory_space<vmem>>) target(%dma_start3A_50 : memref<1280xf32, #tpu.memory_space<vmem_shared>>) target_semaphore(%run_scoped3A : memref<!tpu.dma_semaphore, #tpu.memory_space<semaphore_mem>>)
        %dma_wait3A = tpu.memref_slice %arg7[%add3A_45] : memref<81920xf32, #tpu.memory_space<vmem_shared>> -> memref<1280xf32, #tpu.memory_space<vmem_shared>>
        %dma_wait3A_51 = tpu.memref_slice %arg7[%add3A_45] : memref<81920xf32, #tpu.memory_space<vmem_shared>> -> memref<1280xf32, #tpu.memory_space<vmem_shared>>
        tpu.wait_dma2 semaphore(%run_scoped3A : memref<!tpu.dma_semaphore, #tpu.memory_space<semaphore_mem>>) src(%arg6 : memref<1280xf32, #tpu.memory_space<vmem>>) dst(%dma_wait3A_51 : memref<1280xf32, #tpu.memory_space<vmem_shared>>)
        tpu.yield
      }) : () -> ()
      %mul3A_46 = arith.constant 5120 : i32
      %mul3A_47 = arith.muli %arg1, %mul3A_46 : i32
      %add3A_48 = arith.constant 3840 : i32
      %add3A_49 = arith.addi %mul3A_47, %add3A_48 : i32
      "tpu.region"() ({
        %run_scoped3A = tpu.sem_alloc : memref<!tpu.dma_semaphore, #tpu.memory_space<semaphore_mem>>
        %dma_start3A = tpu.memref_slice %arg7[%add3A_49] : memref<81920xf32, #tpu.memory_space<vmem_shared>> -> memref<1280xf32, #tpu.memory_space<vmem_shared>>
        %dma_start3A_50 = tpu.memref_slice %arg7[%add3A_49] : memref<81920xf32, #tpu.memory_space<vmem_shared>> -> memref<1280xf32, #tpu.memory_space<vmem_shared>>
        tpu.enqueue_dma source(%arg6 : memref<1280xf32, #tpu.memory_space<vmem>>) target(%dma_start3A_50 : memref<1280xf32, #tpu.memory_space<vmem_shared>>) target_semaphore(%run_scoped3A : memref<!tpu.dma_semaphore, #tpu.memory_space<semaphore_mem>>)
        %dma_wait3A = tpu.memref_slice %arg7[%add3A_49] : memref<81920xf32, #tpu.memory_space<vmem_shared>> -> memref<1280xf32, #tpu.memory_space<vmem_shared>>
        %dma_wait3A_51 = tpu.memref_slice %arg7[%add3A_49] : memref<81920xf32, #tpu.memory_space<vmem_shared>> -> memref<1280xf32, #tpu.memory_space<vmem_shared>>
        tpu.wait_dma2 semaphore(%run_scoped3A : memref<!tpu.dma_semaphore, #tpu.memory_space<semaphore_mem>>) src(%arg6 : memref<1280xf32, #tpu.memory_space<vmem>>) dst(%dma_wait3A_51 : memref<1280xf32, #tpu.memory_space<vmem_shared>>)
        tpu.yield
      }) : () -> ()
    } else {
    }
    %barrier3A = arith.constant 0 : index
    tpu.barrier barrier_id(%barrier3A)
    %eq3A_25 = arith.constant 0 : i32
    %eq3A_26 = arith.cmpi eq, %arg0, %eq3A_25 : i32
    %convert_element_type3A_27 = arith.extui %eq3A_26 : i1 to i32
    %cond3A_28 = arith.constant 0 : i32
    %cond3A_29 = arith.cmpi ne, %convert_element_type3A_27, %cond3A_28 : i32
    scf.if %cond3A_29 {
      %mul3A = arith.constant 20000 : i32
      %mul3A_36 = arith.muli %arg1, %mul3A : i32
      %scan3A_37 = arith.constant 0 : i32
      %scan3A_38 = arith.constant 0 : i32
      %scan3A_39 = arith.constant 250 : i32
      %scan3A_40 = arith.addi %scan3A_38, %scan3A_39 : i32
      %scan3A_41 = arith.constant 1 : i32
      scf.for %scan3A_43 = %scan3A_38 to %scan3A_40 step %scan3A_41  : i32 {
        %mul3A_44 = arith.constant 80 : i32
        %mul3A_45 = arith.muli %scan3A_43, %mul3A_44 : i32
        %add3A = arith.addi %mul3A_36, %mul3A_45 : i32
        "tpu.region"() ({
          %run_scoped3A = tpu.sem_alloc : memref<!tpu.dma_semaphore, #tpu.memory_space<semaphore_mem>>
          %dma_start3A = tpu.memref_slice %arg2[%add3A] : memref<320000xi32, #tpu.memory_space<hbm>> -> memref<80xi32, #tpu.memory_space<hbm>>
          %dma_start3A_46 = tpu.memref_slice %arg2[%add3A] : memref<320000xi32, #tpu.memory_space<hbm>> -> memref<80xi32, #tpu.memory_space<hbm>>
          tpu.enqueue_dma source(%dma_start3A_46 : memref<80xi32, #tpu.memory_space<hbm>>) target(%arg4 : memref<80xi32, #tpu.memory_space<vmem>>) target_semaphore(%run_scoped3A : memref<!tpu.dma_semaphore, #tpu.memory_space<semaphore_mem>>)
          %dma_wait3A = tpu.memref_slice %arg2[%add3A] : memref<320000xi32, #tpu.memory_space<hbm>> -> memref<80xi32, #tpu.memory_space<hbm>>
          %dma_wait3A_47 = tpu.memref_slice %arg2[%add3A] : memref<320000xi32, #tpu.memory_space<hbm>> -> memref<80xi32, #tpu.memory_space<hbm>>
          tpu.wait_dma2 semaphore(%run_scoped3A : memref<!tpu.dma_semaphore, #tpu.memory_space<semaphore_mem>>) src(%dma_wait3A_47 : memref<80xi32, #tpu.memory_space<hbm>>) dst(%arg4 : memref<80xi32, #tpu.memory_space<vmem>>)
          tpu.yield
        }) : () -> ()
        "tpu.region"() ({
          %run_scoped3A = tpu.sem_alloc : memref<!tpu.dma_semaphore, #tpu.memory_space<semaphore_mem>>
          %dma_start3A = arith.constant 0 : i32
          %dma_start3A_46 = tpu.memref_slice %arg7[%dma_start3A] : memref<81920xf32, #tpu.memory_space<vmem_shared>> -> memref<81920xf32, #tpu.memory_space<vmem_shared>>
          tpu.enqueue_indirect_dma source(%arg5 : memref<80xf32, #tpu.memory_space<vmem>>) target(%dma_start3A_46 : memref<81920xf32, #tpu.memory_space<vmem_shared>>) offsets(%arg4 : memref<80xi32, #tpu.memory_space<vmem>>) semaphore(%run_scoped3A : memref<!tpu.dma_semaphore, #tpu.memory_space<semaphore_mem>>) {add = true}
          %dma_wait3A = arith.constant 0 : i32
          %dma_wait3A_47 = tpu.memref_slice %arg7[%dma_wait3A] : memref<81920xf32, #tpu.memory_space<vmem_shared>> -> memref<81920xf32, #tpu.memory_space<vmem_shared>>
          tpu.wait_indirect_dma semaphore(%run_scoped3A : memref<!tpu.dma_semaphore, #tpu.memory_space<semaphore_mem>>) src(%arg5 : memref<80xf32, #tpu.memory_space<vmem>>) dst(%dma_wait3A_47 : memref<81920xf32, #tpu.memory_space<vmem_shared>>)
          tpu.yield
        }) : () -> ()
      }
      %scan3A_42 = arith.constant 250 : i32
    } else {
    }
    %barrier3A_30 = arith.constant 0 : index
    tpu.barrier barrier_id(%barrier3A_30)
    %eq3A_31 = arith.constant 0 : i32
    %eq3A_32 = arith.cmpi eq, %arg0, %eq3A_31 : i32
    %convert_element_type3A_33 = arith.extui %eq3A_32 : i1 to i32
    %cond3A_34 = arith.constant 0 : i32
    %cond3A_35 = arith.cmpi ne, %convert_element_type3A_33, %cond3A_34 : i32
    scf.if %cond3A_35 {
      %scan3A_36 = arith.constant 0 : i32
      %scan3A_37 = arith.constant 0 : i32
      %scan3A_38 = arith.constant 4 : i32
      %scan3A_39 = arith.addi %scan3A_37, %scan3A_38 : i32
      %scan3A_40 = arith.constant 1 : i32
      scf.for %scan3A_42 = %scan3A_37 to %scan3A_39 step %scan3A_40  : i32 {
        %mul3A = arith.constant 5120 : i32
        %mul3A_43 = arith.muli %arg1, %mul3A : i32
        %mul3A_44 = arith.constant 1280 : i32
        %mul3A_45 = arith.muli %scan3A_42, %mul3A_44 : i32
        %add3A = arith.addi %mul3A_43, %mul3A_45 : i32
        "tpu.region"() ({
          %run_scoped3A = tpu.sem_alloc : memref<!tpu.dma_semaphore, #tpu.memory_space<semaphore_mem>>
          %dma_start3A = tpu.memref_slice %arg7[%add3A] : memref<81920xf32, #tpu.memory_space<vmem_shared>> -> memref<1280xf32, #tpu.memory_space<vmem_shared>>
          %dma_start3A_46 = tpu.memref_slice %arg7[%add3A] : memref<81920xf32, #tpu.memory_space<vmem_shared>> -> memref<1280xf32, #tpu.memory_space<vmem_shared>>
          tpu.enqueue_dma source(%dma_start3A_46 : memref<1280xf32, #tpu.memory_space<vmem_shared>>) target(%arg6 : memref<1280xf32, #tpu.memory_space<vmem>>) target_semaphore(%run_scoped3A : memref<!tpu.dma_semaphore, #tpu.memory_space<semaphore_mem>>)
          %dma_wait3A = tpu.memref_slice %arg7[%add3A] : memref<81920xf32, #tpu.memory_space<vmem_shared>> -> memref<1280xf32, #tpu.memory_space<vmem_shared>>
          %dma_wait3A_47 = tpu.memref_slice %arg7[%add3A] : memref<81920xf32, #tpu.memory_space<vmem_shared>> -> memref<1280xf32, #tpu.memory_space<vmem_shared>>
          tpu.wait_dma2 semaphore(%run_scoped3A : memref<!tpu.dma_semaphore, #tpu.memory_space<semaphore_mem>>) src(%dma_wait3A_47 : memref<1280xf32, #tpu.memory_space<vmem_shared>>) dst(%arg6 : memref<1280xf32, #tpu.memory_space<vmem>>)
          tpu.yield
        }) : () -> ()
        "tpu.region"() ({
          %run_scoped3A = tpu.sem_alloc : memref<!tpu.dma_semaphore, #tpu.memory_space<semaphore_mem>>
          %dma_start3A = tpu.memref_slice %arg3[%add3A] : memref<81920xf32, #tpu.memory_space<hbm>> -> memref<1280xf32, #tpu.memory_space<hbm>>
          %dma_start3A_46 = tpu.memref_slice %arg3[%add3A] : memref<81920xf32, #tpu.memory_space<hbm>> -> memref<1280xf32, #tpu.memory_space<hbm>>
          tpu.enqueue_dma source(%arg6 : memref<1280xf32, #tpu.memory_space<vmem>>) target(%dma_start3A_46 : memref<1280xf32, #tpu.memory_space<hbm>>) target_semaphore(%run_scoped3A : memref<!tpu.dma_semaphore, #tpu.memory_space<semaphore_mem>>)
          %dma_wait3A = tpu.memref_slice %arg3[%add3A] : memref<81920xf32, #tpu.memory_space<hbm>> -> memref<1280xf32, #tpu.memory_space<hbm>>
          %dma_wait3A_47 = tpu.memref_slice %arg3[%add3A] : memref<81920xf32, #tpu.memory_space<hbm>> -> memref<1280xf32, #tpu.memory_space<hbm>>
          tpu.wait_dma2 semaphore(%run_scoped3A : memref<!tpu.dma_semaphore, #tpu.memory_space<semaphore_mem>>) src(%arg6 : memref<1280xf32, #tpu.memory_space<vmem>>) dst(%dma_wait3A_47 : memref<1280xf32, #tpu.memory_space<hbm>>)
          tpu.yield
        }) : () -> ()
      }
      %scan3A_41 = arith.constant 4 : i32
    } else {
    }
    return
  }
}

#map = affine_map<(d0, d1) -> (0, 0)>
#map1 = affine_map<(d0, d1) -> (0)>
module attributes {stable_mosaic.version = 14 : i64} {
  func.func @k(%arg0: i32, %arg1: i32, %arg2: memref<80000x128xf32, #tpu.memory_space<hbm>>, %arg3: memref<320000xi32, #tpu.memory_space<hbm>>, %arg4: memref<320000xi32, #tpu.memory_space<hbm>>, %arg5: memref<320000xf32, #tpu.memory_space<hbm>>, %arg6: memref<20480x128xf32, #tpu.memory_space<hbm>>, %arg7: memref<80xi32, #tpu.memory_space<vmem>>, %arg8: memref<80xi32, #tpu.memory_space<vmem>>, %arg9: memref<80xf32, #tpu.memory_space<vmem>>, %arg10: memref<80x128xf32, #tpu.memory_space<vmem>>, %arg11: memref<128x128xf32, #tpu.memory_space<vmem>>, %arg12: memref<10240x128xf32, #tpu.memory_space<vmem_shared>>, %arg13: memref<!tpu.dma_semaphore, #tpu.memory_space<semaphore_mem>>) attributes {dimension_semantics = [#tpu.dimension_semantics<core_parallel>, #tpu.dimension_semantics<subcore_parallel>], iteration_bounds = array<i64: 2, 16>, scalar_prefetch = 0 : i64, scratch_operands = 7 : i64, tpu.core_type = #tpu.core_type<sc_vector_subcore>, window_params = [{transform_indices = #map}, {transform_indices = #map1}, {transform_indices = #map1}, {transform_indices = #map1}, {transform_indices = #map}]} {
    %mul3A = arith.constant 2 : i32
    %mul3A_0 = arith.muli %arg1, %mul3A : i32
    %add3A = arith.addi %mul3A_0, %arg0 : i32
    %scan3A = arith.constant 0 : i32
    %scan3A_1 = arith.constant 0 : i32
    %scan3A_2 = arith.constant 1024 : i32
    %scan3A_3 = arith.addi %scan3A_1, %scan3A_2 : i32
    %scan3A_4 = arith.constant 1 : i32
    scf.for %scan3A_41 = %scan3A_1 to %scan3A_3 step %scan3A_4  : i32 {
      %broadcast_in_dim3A = arith.constant 0.000000e+00 : f32
      %broadcast_in_dim3A_42 = vector.broadcast %broadcast_in_dim3A : f32 to vector<16xf32>
      %jit3A = arith.constant 8 : i32
      %div3A = arith.divsi %scan3A_41, %jit3A : i32
      %sign3A = arith.constant 0 : i32
      %sign3A_43 = arith.cmpi sgt, %scan3A_41, %sign3A : i32
      %sign3A_44 = arith.extui %sign3A_43 : i1 to i32
      %sign3A_45 = arith.constant 0 : i32
      %sign3A_46 = arith.cmpi slt, %scan3A_41, %sign3A_45 : i32
      %sign3A_47 = arith.extui %sign3A_46 : i1 to i32
      %sign3A_48 = arith.subi %sign3A_44, %sign3A_47 : i32
      %sign3A_49 = arith.constant 0 : i32
      %sign3A_50 = arith.cmpi sgt, %jit3A, %sign3A_49 : i32
      %sign3A_51 = arith.extui %sign3A_50 : i1 to i32
      %sign3A_52 = arith.constant 0 : i32
      %sign3A_53 = arith.cmpi slt, %jit3A, %sign3A_52 : i32
      %sign3A_54 = arith.extui %sign3A_53 : i1 to i32
      %sign3A_55 = arith.subi %sign3A_51, %sign3A_54 : i32
      %ne3A = arith.cmpi ne, %sign3A_48, %sign3A_55 : i32
      %rem3A = arith.remsi %scan3A_41, %jit3A : i32
      %ne3A_56 = arith.constant 0 : i32
      %ne3A_57 = arith.cmpi ne, %rem3A, %ne3A_56 : i32
      %and3A = arith.andi %ne3A, %ne3A_57 : i1
      %sub3A = arith.constant 1 : i32
      %sub3A_58 = arith.subi %div3A, %sub3A : i32
      %select_n3A = arith.select %and3A, %sub3A_58, %div3A : i32
      %jit3A_59 = arith.constant 8 : i32
      %eq3A = arith.constant 0 : i32
      %eq3A_60 = arith.cmpi eq, %jit3A_59, %eq3A : i32
      %jit3A_61 = arith.constant 1 : i32
      %select_n3A_62 = arith.select %eq3A_60, %jit3A_61, %jit3A_59 : i32
      %rem3A_63 = arith.remsi %scan3A_41, %select_n3A_62 : i32
      %ne3A_64 = arith.constant 0 : i32
      %ne3A_65 = arith.cmpi ne, %rem3A_63, %ne3A_64 : i32
      %lt3A = arith.constant 0 : i32
      %lt3A_66 = arith.cmpi slt, %rem3A_63, %lt3A : i32
      %lt3A_67 = arith.constant 0 : i32
      %lt3A_68 = arith.cmpi slt, %select_n3A_62, %lt3A_67 : i32
      %ne3A_69 = arith.xori %lt3A_66, %lt3A_68 : i1
      %and3A_70 = arith.andi %ne3A_69, %ne3A_65 : i1
      %add3A_71 = arith.addi %rem3A_63, %select_n3A_62 : i32
      %select_n3A_72 = arith.select %and3A_70, %add3A_71, %rem3A_63 : i32
      %mul3A_73 = arith.constant 16 : i32
      %mul3A_74 = arith.muli %select_n3A_72, %mul3A_73 : i32
      %swap3A = arith.index_cast %select_n3A : i32 to index
      %swap3A_75 = arith.index_cast %mul3A_74 : i32 to index
      %swap3A_76 = tpu.vector_load %arg11[%swap3A, %swap3A_75] {strides = array<i32>} : memref<128x128xf32, #tpu.memory_space<vmem>>, vector<16xf32>,
      tpu.vector_store %arg11[%swap3A, %swap3A_75], %broadcast_in_dim3A_42 {strides = array<i32>} : memref<128x128xf32, #tpu.memory_space<vmem>>, vector<16xf32>,
    }
    %scan3A_5 = arith.constant 1024 : i32
    %mul3A_6 = arith.constant 640 : i32
    %mul3A_7 = arith.muli %arg1, %mul3A_6 : i32
    %add3A_8 = arith.constant 0 : i32
    %add3A_9 = arith.addi %mul3A_7, %add3A_8 : i32
    "tpu.region"() ({
      %run_scoped3A = tpu.sem_alloc : memref<!tpu.dma_semaphore, #tpu.memory_space<semaphore_mem>>
      %dma_start3A = arith.constant 0 : i32
      %dma_start3A_41 = tpu.memref_slice %arg12[%add3A_9, %dma_start3A] : memref<10240x128xf32, #tpu.memory_space<vmem_shared>> -> memref<128x128xf32, #tpu.memory_space<vmem_shared>>
      %dma_start3A_42 = arith.constant 0 : i32
      %dma_start3A_43 = tpu.memref_slice %arg12[%add3A_9, %dma_start3A_42] : memref<10240x128xf32, #tpu.memory_space<vmem_shared>> -> memref<128x128xf32, #tpu.memory_space<vmem_shared>>
      tpu.enqueue_dma source(%arg11 : memref<128x128xf32, #tpu.memory_space<vmem>>) target(%dma_start3A_43 : memref<128x128xf32, #tpu.memory_space<vmem_shared>>) target_semaphore(%run_scoped3A : memref<!tpu.dma_semaphore, #tpu.memory_space<semaphore_mem>>)
      %dma_wait3A = arith.constant 0 : i32
      %dma_wait3A_44 = tpu.memref_slice %arg12[%add3A_9, %dma_wait3A] : memref<10240x128xf32, #tpu.memory_space<vmem_shared>> -> memref<128x128xf32, #tpu.memory_space<vmem_shared>>
      %dma_wait3A_45 = arith.constant 0 : i32
      %dma_wait3A_46 = tpu.memref_slice %arg12[%add3A_9, %dma_wait3A_45] : memref<10240x128xf32, #tpu.memory_space<vmem_shared>> -> memref<128x128xf32, #tpu.memory_space<vmem_shared>>
      tpu.wait_dma2 semaphore(%run_scoped3A : memref<!tpu.dma_semaphore, #tpu.memory_space<semaphore_mem>>) src(%arg11 : memref<128x128xf32, #tpu.memory_space<vmem>>) dst(%dma_wait3A_46 : memref<128x128xf32, #tpu.memory_space<vmem_shared>>)
      tpu.yield
    }) : () -> ()
    %mul3A_10 = arith.constant 640 : i32
    %mul3A_11 = arith.muli %arg1, %mul3A_10 : i32
    %add3A_12 = arith.constant 128 : i32
    %add3A_13 = arith.addi %mul3A_11, %add3A_12 : i32
    "tpu.region"() ({
      %run_scoped3A = tpu.sem_alloc : memref<!tpu.dma_semaphore, #tpu.memory_space<semaphore_mem>>
      %dma_start3A = arith.constant 0 : i32
      %dma_start3A_41 = tpu.memref_slice %arg12[%add3A_13, %dma_start3A] : memref<10240x128xf32, #tpu.memory_space<vmem_shared>> -> memref<128x128xf32, #tpu.memory_space<vmem_shared>>
      %dma_start3A_42 = arith.constant 0 : i32
      %dma_start3A_43 = tpu.memref_slice %arg12[%add3A_13, %dma_start3A_42] : memref<10240x128xf32, #tpu.memory_space<vmem_shared>> -> memref<128x128xf32, #tpu.memory_space<vmem_shared>>
      tpu.enqueue_dma source(%arg11 : memref<128x128xf32, #tpu.memory_space<vmem>>) target(%dma_start3A_43 : memref<128x128xf32, #tpu.memory_space<vmem_shared>>) target_semaphore(%run_scoped3A : memref<!tpu.dma_semaphore, #tpu.memory_space<semaphore_mem>>)
      %dma_wait3A = arith.constant 0 : i32
      %dma_wait3A_44 = tpu.memref_slice %arg12[%add3A_13, %dma_wait3A] : memref<10240x128xf32, #tpu.memory_space<vmem_shared>> -> memref<128x128xf32, #tpu.memory_space<vmem_shared>>
      %dma_wait3A_45 = arith.constant 0 : i32
      %dma_wait3A_46 = tpu.memref_slice %arg12[%add3A_13, %dma_wait3A_45] : memref<10240x128xf32, #tpu.memory_space<vmem_shared>> -> memref<128x128xf32, #tpu.memory_space<vmem_shared>>
      tpu.wait_dma2 semaphore(%run_scoped3A : memref<!tpu.dma_semaphore, #tpu.memory_space<semaphore_mem>>) src(%arg11 : memref<128x128xf32, #tpu.memory_space<vmem>>) dst(%dma_wait3A_46 : memref<128x128xf32, #tpu.memory_space<vmem_shared>>)
      tpu.yield
    }) : () -> ()
    %mul3A_14 = arith.constant 640 : i32
    %mul3A_15 = arith.muli %arg1, %mul3A_14 : i32
    %add3A_16 = arith.constant 256 : i32
    %add3A_17 = arith.addi %mul3A_15, %add3A_16 : i32
    "tpu.region"() ({
      %run_scoped3A = tpu.sem_alloc : memref<!tpu.dma_semaphore, #tpu.memory_space<semaphore_mem>>
      %dma_start3A = arith.constant 0 : i32
      %dma_start3A_41 = tpu.memref_slice %arg12[%add3A_17, %dma_start3A] : memref<10240x128xf32, #tpu.memory_space<vmem_shared>> -> memref<128x128xf32, #tpu.memory_space<vmem_shared>>
      %dma_start3A_42 = arith.constant 0 : i32
      %dma_start3A_43 = tpu.memref_slice %arg12[%add3A_17, %dma_start3A_42] : memref<10240x128xf32, #tpu.memory_space<vmem_shared>> -> memref<128x128xf32, #tpu.memory_space<vmem_shared>>
      tpu.enqueue_dma source(%arg11 : memref<128x128xf32, #tpu.memory_space<vmem>>) target(%dma_start3A_43 : memref<128x128xf32, #tpu.memory_space<vmem_shared>>) target_semaphore(%run_scoped3A : memref<!tpu.dma_semaphore, #tpu.memory_space<semaphore_mem>>)
      %dma_wait3A = arith.constant 0 : i32
      %dma_wait3A_44 = tpu.memref_slice %arg12[%add3A_17, %dma_wait3A] : memref<10240x128xf32, #tpu.memory_space<vmem_shared>> -> memref<128x128xf32, #tpu.memory_space<vmem_shared>>
      %dma_wait3A_45 = arith.constant 0 : i32
      %dma_wait3A_46 = tpu.memref_slice %arg12[%add3A_17, %dma_wait3A_45] : memref<10240x128xf32, #tpu.memory_space<vmem_shared>> -> memref<128x128xf32, #tpu.memory_space<vmem_shared>>
      tpu.wait_dma2 semaphore(%run_scoped3A : memref<!tpu.dma_semaphore, #tpu.memory_space<semaphore_mem>>) src(%arg11 : memref<128x128xf32, #tpu.memory_space<vmem>>) dst(%dma_wait3A_46 : memref<128x128xf32, #tpu.memory_space<vmem_shared>>)
      tpu.yield
    }) : () -> ()
    %mul3A_18 = arith.constant 640 : i32
    %mul3A_19 = arith.muli %arg1, %mul3A_18 : i32
    %add3A_20 = arith.constant 384 : i32
    %add3A_21 = arith.addi %mul3A_19, %add3A_20 : i32
    "tpu.region"() ({
      %run_scoped3A = tpu.sem_alloc : memref<!tpu.dma_semaphore, #tpu.memory_space<semaphore_mem>>
      %dma_start3A = arith.constant 0 : i32
      %dma_start3A_41 = tpu.memref_slice %arg12[%add3A_21, %dma_start3A] : memref<10240x128xf32, #tpu.memory_space<vmem_shared>> -> memref<128x128xf32, #tpu.memory_space<vmem_shared>>
      %dma_start3A_42 = arith.constant 0 : i32
      %dma_start3A_43 = tpu.memref_slice %arg12[%add3A_21, %dma_start3A_42] : memref<10240x128xf32, #tpu.memory_space<vmem_shared>> -> memref<128x128xf32, #tpu.memory_space<vmem_shared>>
      tpu.enqueue_dma source(%arg11 : memref<128x128xf32, #tpu.memory_space<vmem>>) target(%dma_start3A_43 : memref<128x128xf32, #tpu.memory_space<vmem_shared>>) target_semaphore(%run_scoped3A : memref<!tpu.dma_semaphore, #tpu.memory_space<semaphore_mem>>)
      %dma_wait3A = arith.constant 0 : i32
      %dma_wait3A_44 = tpu.memref_slice %arg12[%add3A_21, %dma_wait3A] : memref<10240x128xf32, #tpu.memory_space<vmem_shared>> -> memref<128x128xf32, #tpu.memory_space<vmem_shared>>
      %dma_wait3A_45 = arith.constant 0 : i32
      %dma_wait3A_46 = tpu.memref_slice %arg12[%add3A_21, %dma_wait3A_45] : memref<10240x128xf32, #tpu.memory_space<vmem_shared>> -> memref<128x128xf32, #tpu.memory_space<vmem_shared>>
      tpu.wait_dma2 semaphore(%run_scoped3A : memref<!tpu.dma_semaphore, #tpu.memory_space<semaphore_mem>>) src(%arg11 : memref<128x128xf32, #tpu.memory_space<vmem>>) dst(%dma_wait3A_46 : memref<128x128xf32, #tpu.memory_space<vmem_shared>>)
      tpu.yield
    }) : () -> ()
    %mul3A_22 = arith.constant 640 : i32
    %mul3A_23 = arith.muli %arg1, %mul3A_22 : i32
    %add3A_24 = arith.constant 512 : i32
    %add3A_25 = arith.addi %mul3A_23, %add3A_24 : i32
    "tpu.region"() ({
      %run_scoped3A = tpu.sem_alloc : memref<!tpu.dma_semaphore, #tpu.memory_space<semaphore_mem>>
      %dma_start3A = arith.constant 0 : i32
      %dma_start3A_41 = tpu.memref_slice %arg12[%add3A_25, %dma_start3A] : memref<10240x128xf32, #tpu.memory_space<vmem_shared>> -> memref<128x128xf32, #tpu.memory_space<vmem_shared>>
      %dma_start3A_42 = arith.constant 0 : i32
      %dma_start3A_43 = tpu.memref_slice %arg12[%add3A_25, %dma_start3A_42] : memref<10240x128xf32, #tpu.memory_space<vmem_shared>> -> memref<128x128xf32, #tpu.memory_space<vmem_shared>>
      tpu.enqueue_dma source(%arg11 : memref<128x128xf32, #tpu.memory_space<vmem>>) target(%dma_start3A_43 : memref<128x128xf32, #tpu.memory_space<vmem_shared>>) target_semaphore(%run_scoped3A : memref<!tpu.dma_semaphore, #tpu.memory_space<semaphore_mem>>)
      %dma_wait3A = arith.constant 0 : i32
      %dma_wait3A_44 = tpu.memref_slice %arg12[%add3A_25, %dma_wait3A] : memref<10240x128xf32, #tpu.memory_space<vmem_shared>> -> memref<128x128xf32, #tpu.memory_space<vmem_shared>>
      %dma_wait3A_45 = arith.constant 0 : i32
      %dma_wait3A_46 = tpu.memref_slice %arg12[%add3A_25, %dma_wait3A_45] : memref<10240x128xf32, #tpu.memory_space<vmem_shared>> -> memref<128x128xf32, #tpu.memory_space<vmem_shared>>
      tpu.wait_dma2 semaphore(%run_scoped3A : memref<!tpu.dma_semaphore, #tpu.memory_space<semaphore_mem>>) src(%arg11 : memref<128x128xf32, #tpu.memory_space<vmem>>) dst(%dma_wait3A_46 : memref<128x128xf32, #tpu.memory_space<vmem_shared>>)
      tpu.yield
    }) : () -> ()
    %barrier3A = arith.constant 0 : index
    tpu.barrier barrier_id(%barrier3A)
    %mul3A_26 = arith.constant 10000 : i32
    %mul3A_27 = arith.muli %add3A, %mul3A_26 : i32
    %scan3A_28 = arith.constant 0 : i32
    %scan3A_29 = arith.constant 0 : i32
    %scan3A_30 = arith.constant 125 : i32
    %scan3A_31 = arith.addi %scan3A_29, %scan3A_30 : i32
    %scan3A_32 = arith.constant 1 : i32
    scf.for %scan3A_41 = %scan3A_29 to %scan3A_31 step %scan3A_32  : i32 {
      %mul3A_42 = arith.constant 80 : i32
      %mul3A_43 = arith.muli %scan3A_41, %mul3A_42 : i32
      %add3A_44 = arith.addi %mul3A_27, %mul3A_43 : i32
      "tpu.region"() ({
        %run_scoped3A = tpu.sem_alloc : memref<!tpu.dma_semaphore, #tpu.memory_space<semaphore_mem>>
        %dma_start3A_55 = tpu.memref_slice %arg3[%add3A_44] : memref<320000xi32, #tpu.memory_space<hbm>> -> memref<80xi32, #tpu.memory_space<hbm>>
        %dma_start3A_56 = tpu.memref_slice %arg3[%add3A_44] : memref<320000xi32, #tpu.memory_space<hbm>> -> memref<80xi32, #tpu.memory_space<hbm>>
        tpu.enqueue_dma source(%dma_start3A_56 : memref<80xi32, #tpu.memory_space<hbm>>) target(%arg7 : memref<80xi32, #tpu.memory_space<vmem>>) target_semaphore(%run_scoped3A : memref<!tpu.dma_semaphore, #tpu.memory_space<semaphore_mem>>)
        %dma_wait3A_57 = tpu.memref_slice %arg3[%add3A_44] : memref<320000xi32, #tpu.memory_space<hbm>> -> memref<80xi32, #tpu.memory_space<hbm>>
        %dma_wait3A_58 = tpu.memref_slice %arg3[%add3A_44] : memref<320000xi32, #tpu.memory_space<hbm>> -> memref<80xi32, #tpu.memory_space<hbm>>
        tpu.wait_dma2 semaphore(%run_scoped3A : memref<!tpu.dma_semaphore, #tpu.memory_space<semaphore_mem>>) src(%dma_wait3A_58 : memref<80xi32, #tpu.memory_space<hbm>>) dst(%arg7 : memref<80xi32, #tpu.memory_space<vmem>>)
        tpu.yield
      }) : () -> ()
      "tpu.region"() ({
        %run_scoped3A = tpu.sem_alloc : memref<!tpu.dma_semaphore, #tpu.memory_space<semaphore_mem>>
        %dma_start3A_55 = tpu.memref_slice %arg4[%add3A_44] : memref<320000xi32, #tpu.memory_space<hbm>> -> memref<80xi32, #tpu.memory_space<hbm>>
        %dma_start3A_56 = tpu.memref_slice %arg4[%add3A_44] : memref<320000xi32, #tpu.memory_space<hbm>> -> memref<80xi32, #tpu.memory_space<hbm>>
        tpu.enqueue_dma source(%dma_start3A_56 : memref<80xi32, #tpu.memory_space<hbm>>) target(%arg8 : memref<80xi32, #tpu.memory_space<vmem>>) target_semaphore(%run_scoped3A : memref<!tpu.dma_semaphore, #tpu.memory_space<semaphore_mem>>)
        %dma_wait3A_57 = tpu.memref_slice %arg4[%add3A_44] : memref<320000xi32, #tpu.memory_space<hbm>> -> memref<80xi32, #tpu.memory_space<hbm>>
        %dma_wait3A_58 = tpu.memref_slice %arg4[%add3A_44] : memref<320000xi32, #tpu.memory_space<hbm>> -> memref<80xi32, #tpu.memory_space<hbm>>
        tpu.wait_dma2 semaphore(%run_scoped3A : memref<!tpu.dma_semaphore, #tpu.memory_space<semaphore_mem>>) src(%dma_wait3A_58 : memref<80xi32, #tpu.memory_space<hbm>>) dst(%arg8 : memref<80xi32, #tpu.memory_space<vmem>>)
        tpu.yield
      }) : () -> ()
      "tpu.region"() ({
        %run_scoped3A = tpu.sem_alloc : memref<!tpu.dma_semaphore, #tpu.memory_space<semaphore_mem>>
        %dma_start3A_55 = tpu.memref_slice %arg5[%add3A_44] : memref<320000xf32, #tpu.memory_space<hbm>> -> memref<80xf32, #tpu.memory_space<hbm>>
        %dma_start3A_56 = tpu.memref_slice %arg5[%add3A_44] : memref<320000xf32, #tpu.memory_space<hbm>> -> memref<80xf32, #tpu.memory_space<hbm>>
        tpu.enqueue_dma source(%dma_start3A_56 : memref<80xf32, #tpu.memory_space<hbm>>) target(%arg9 : memref<80xf32, #tpu.memory_space<vmem>>) target_semaphore(%run_scoped3A : memref<!tpu.dma_semaphore, #tpu.memory_space<semaphore_mem>>)
        %dma_wait3A_57 = tpu.memref_slice %arg5[%add3A_44] : memref<320000xf32, #tpu.memory_space<hbm>> -> memref<80xf32, #tpu.memory_space<hbm>>
        %dma_wait3A_58 = tpu.memref_slice %arg5[%add3A_44] : memref<320000xf32, #tpu.memory_space<hbm>> -> memref<80xf32, #tpu.memory_space<hbm>>
        tpu.wait_dma2 semaphore(%run_scoped3A : memref<!tpu.dma_semaphore, #tpu.memory_space<semaphore_mem>>) src(%dma_wait3A_58 : memref<80xf32, #tpu.memory_space<hbm>>) dst(%arg9 : memref<80xf32, #tpu.memory_space<vmem>>)
        tpu.yield
      }) : () -> ()
      %dma_start3A = arith.constant 0 : i32
      %dma_start3A_45 = arith.constant 0 : i32
      %dma_start3A_46 = tpu.memref_slice %arg2[%dma_start3A, %dma_start3A_45] : memref<80000x128xf32, #tpu.memory_space<hbm>> -> memref<80000x128xf32, #tpu.memory_space<hbm>>
      tpu.enqueue_indirect_dma source(%dma_start3A_46 : memref<80000x128xf32, #tpu.memory_space<hbm>>) target(%arg10 : memref<80x128xf32, #tpu.memory_space<vmem>>) offsets(%arg7 : memref<80xi32, #tpu.memory_space<vmem>>) semaphore(%arg13 : memref<!tpu.dma_semaphore, #tpu.memory_space<semaphore_mem>>)
      %dma_wait3A = arith.constant 0 : i32
      %dma_wait3A_47 = arith.constant 0 : i32
      %dma_wait3A_48 = tpu.memref_slice %arg2[%dma_wait3A, %dma_wait3A_47] : memref<80000x128xf32, #tpu.memory_space<hbm>> -> memref<80000x128xf32, #tpu.memory_space<hbm>>
      tpu.wait_indirect_dma semaphore(%arg13 : memref<!tpu.dma_semaphore, #tpu.memory_space<semaphore_mem>>) src(%dma_wait3A_48 : memref<80000x128xf32, #tpu.memory_space<hbm>>) dst(%arg10 : memref<80x128xf32, #tpu.memory_space<vmem>>)
      %scan3A_49 = arith.constant 0 : i32
      %scan3A_50 = arith.constant 0 : i32
      %scan3A_51 = arith.constant 80 : i32
      %scan3A_52 = arith.addi %scan3A_50, %scan3A_51 : i32
      %scan3A_53 = arith.constant 1 : i32
      scf.for %scan3A_55 = %scan3A_50 to %scan3A_52 step %scan3A_53  : i32 {
        %broadcast_in_dim3A = arith.constant 0 : i32
        %broadcast_in_dim3A_56 = vector.broadcast %broadcast_in_dim3A : i32 to vector<16xi32>
        %add3A_57 = vector.broadcast %scan3A_55 : i32 to vector<16xi32>
        %add3A_58 = arith.addi %broadcast_in_dim3A_56, %add3A_57 : vector<16xi32>
        %gather3A = tpu.vector_load_idx %arg9[%add3A_58] : memref<80xf32, #tpu.memory_space<vmem>>[vector<16xi32>], vector<16xf32>,
        %get3A = arith.index_cast %scan3A_55 : i32 to index
        %get3A_59 = arith.constant 0 : index
        %get3A_60 = tpu.vector_load %arg10[%get3A, %get3A_59] {strides = array<i32>} : memref<80x128xf32, #tpu.memory_space<vmem>>, vector<16xf32>,
        %mul3A_61 = arith.mulf %get3A_60, %gather3A : vector<16xf32>
        %swap3A = arith.index_cast %scan3A_55 : i32 to index
        %swap3A_62 = arith.constant 0 : index
        %swap3A_63 = tpu.vector_load %arg10[%swap3A, %swap3A_62] {strides = array<i32>} : memref<80x128xf32, #tpu.memory_space<vmem>>, vector<16xf32>,
        tpu.vector_store %arg10[%swap3A, %swap3A_62], %mul3A_61 {strides = array<i32>} : memref<80x128xf32, #tpu.memory_space<vmem>>, vector<16xf32>,
        %get3A_64 = arith.index_cast %scan3A_55 : i32 to index
        %get3A_65 = arith.constant 16 : index
        %get3A_66 = tpu.vector_load %arg10[%get3A_64, %get3A_65] {strides = array<i32>} : memref<80x128xf32, #tpu.memory_space<vmem>>, vector<16xf32>,
        %mul3A_67 = arith.mulf %get3A_66, %gather3A : vector<16xf32>
        %swap3A_68 = arith.index_cast %scan3A_55 : i32 to index
        %swap3A_69 = arith.constant 16 : index
        %swap3A_70 = tpu.vector_load %arg10[%swap3A_68, %swap3A_69] {strides = array<i32>} : memref<80x128xf32, #tpu.memory_space<vmem>>, vector<16xf32>,
        tpu.vector_store %arg10[%swap3A_68, %swap3A_69], %mul3A_67 {strides = array<i32>} : memref<80x128xf32, #tpu.memory_space<vmem>>, vector<16xf32>,
        %get3A_71 = arith.index_cast %scan3A_55 : i32 to index
        %get3A_72 = arith.constant 32 : index
        %get3A_73 = tpu.vector_load %arg10[%get3A_71, %get3A_72] {strides = array<i32>} : memref<80x128xf32, #tpu.memory_space<vmem>>, vector<16xf32>,
        %mul3A_74 = arith.mulf %get3A_73, %gather3A : vector<16xf32>
        %swap3A_75 = arith.index_cast %scan3A_55 : i32 to index
        %swap3A_76 = arith.constant 32 : index
        %swap3A_77 = tpu.vector_load %arg10[%swap3A_75, %swap3A_76] {strides = array<i32>} : memref<80x128xf32, #tpu.memory_space<vmem>>, vector<16xf32>,
        tpu.vector_store %arg10[%swap3A_75, %swap3A_76], %mul3A_74 {strides = array<i32>} : memref<80x128xf32, #tpu.memory_space<vmem>>, vector<16xf32>,
        %get3A_78 = arith.index_cast %scan3A_55 : i32 to index
        %get3A_79 = arith.constant 48 : index
        %get3A_80 = tpu.vector_load %arg10[%get3A_78, %get3A_79] {strides = array<i32>} : memref<80x128xf32, #tpu.memory_space<vmem>>, vector<16xf32>,
        %mul3A_81 = arith.mulf %get3A_80, %gather3A : vector<16xf32>
        %swap3A_82 = arith.index_cast %scan3A_55 : i32 to index
        %swap3A_83 = arith.constant 48 : index
        %swap3A_84 = tpu.vector_load %arg10[%swap3A_82, %swap3A_83] {strides = array<i32>} : memref<80x128xf32, #tpu.memory_space<vmem>>, vector<16xf32>,
        tpu.vector_store %arg10[%swap3A_82, %swap3A_83], %mul3A_81 {strides = array<i32>} : memref<80x128xf32, #tpu.memory_space<vmem>>, vector<16xf32>,
        %get3A_85 = arith.index_cast %scan3A_55 : i32 to index
        %get3A_86 = arith.constant 64 : index
        %get3A_87 = tpu.vector_load %arg10[%get3A_85, %get3A_86] {strides = array<i32>} : memref<80x128xf32, #tpu.memory_space<vmem>>, vector<16xf32>,
        %mul3A_88 = arith.mulf %get3A_87, %gather3A : vector<16xf32>
        %swap3A_89 = arith.index_cast %scan3A_55 : i32 to index
        %swap3A_90 = arith.constant 64 : index
        %swap3A_91 = tpu.vector_load %arg10[%swap3A_89, %swap3A_90] {strides = array<i32>} : memref<80x128xf32, #tpu.memory_space<vmem>>, vector<16xf32>,
        tpu.vector_store %arg10[%swap3A_89, %swap3A_90], %mul3A_88 {strides = array<i32>} : memref<80x128xf32, #tpu.memory_space<vmem>>, vector<16xf32>,
        %get3A_92 = arith.index_cast %scan3A_55 : i32 to index
        %get3A_93 = arith.constant 80 : index
        %get3A_94 = tpu.vector_load %arg10[%get3A_92, %get3A_93] {strides = array<i32>} : memref<80x128xf32, #tpu.memory_space<vmem>>, vector<16xf32>,
        %mul3A_95 = arith.mulf %get3A_94, %gather3A : vector<16xf32>
        %swap3A_96 = arith.index_cast %scan3A_55 : i32 to index
        %swap3A_97 = arith.constant 80 : index
        %swap3A_98 = tpu.vector_load %arg10[%swap3A_96, %swap3A_97] {strides = array<i32>} : memref<80x128xf32, #tpu.memory_space<vmem>>, vector<16xf32>,
        tpu.vector_store %arg10[%swap3A_96, %swap3A_97], %mul3A_95 {strides = array<i32>} : memref<80x128xf32, #tpu.memory_space<vmem>>, vector<16xf32>,
        %get3A_99 = arith.index_cast %scan3A_55 : i32 to index
        %get3A_100 = arith.constant 96 : index
        %get3A_101 = tpu.vector_load %arg10[%get3A_99, %get3A_100] {strides = array<i32>} : memref<80x128xf32, #tpu.memory_space<vmem>>, vector<16xf32>,
        %mul3A_102 = arith.mulf %get3A_101, %gather3A : vector<16xf32>
        %swap3A_103 = arith.index_cast %scan3A_55 : i32 to index
        %swap3A_104 = arith.constant 96 : index
        %swap3A_105 = tpu.vector_load %arg10[%swap3A_103, %swap3A_104] {strides = array<i32>} : memref<80x128xf32, #tpu.memory_space<vmem>>, vector<16xf32>,
        tpu.vector_store %arg10[%swap3A_103, %swap3A_104], %mul3A_102 {strides = array<i32>} : memref<80x128xf32, #tpu.memory_space<vmem>>, vector<16xf32>,
        %get3A_106 = arith.index_cast %scan3A_55 : i32 to index
        %get3A_107 = arith.constant 112 : index
        %get3A_108 = tpu.vector_load %arg10[%get3A_106, %get3A_107] {strides = array<i32>} : memref<80x128xf32, #tpu.memory_space<vmem>>, vector<16xf32>,
        %mul3A_109 = arith.mulf %get3A_108, %gather3A : vector<16xf32>
        %swap3A_110 = arith.index_cast %scan3A_55 : i32 to index
        %swap3A_111 = arith.constant 112 : index
        %swap3A_112 = tpu.vector_load %arg10[%swap3A_110, %swap3A_111] {strides = array<i32>} : memref<80x128xf32, #tpu.memory_space<vmem>>, vector<16xf32>,
        tpu.vector_store %arg10[%swap3A_110, %swap3A_111], %mul3A_109 {strides = array<i32>} : memref<80x128xf32, #tpu.memory_space<vmem>>, vector<16xf32>,
      }
      %scan3A_54 = arith.constant 80 : i32
      "tpu.region"() ({
        %run_scoped3A = tpu.sem_alloc : memref<!tpu.dma_semaphore, #tpu.memory_space<semaphore_mem>>
        %dma_start3A_55 = arith.constant 0 : i32
        %dma_start3A_56 = arith.constant 0 : i32
        %dma_start3A_57 = tpu.memref_slice %arg12[%dma_start3A_55, %dma_start3A_56] : memref<10240x128xf32, #tpu.memory_space<vmem_shared>> -> memref<10240x128xf32, #tpu.memory_space<vmem_shared>>
        tpu.enqueue_indirect_dma source(%arg10 : memref<80x128xf32, #tpu.memory_space<vmem>>) target(%dma_start3A_57 : memref<10240x128xf32, #tpu.memory_space<vmem_shared>>) offsets(%arg8 : memref<80xi32, #tpu.memory_space<vmem>>) semaphore(%run_scoped3A : memref<!tpu.dma_semaphore, #tpu.memory_space<semaphore_mem>>) {add = true}
        %dma_wait3A_58 = arith.constant 0 : i32
        %dma_wait3A_59 = arith.constant 0 : i32
        %dma_wait3A_60 = tpu.memref_slice %arg12[%dma_wait3A_58, %dma_wait3A_59] : memref<10240x128xf32, #tpu.memory_space<vmem_shared>> -> memref<10240x128xf32, #tpu.memory_space<vmem_shared>>
        tpu.wait_indirect_dma semaphore(%run_scoped3A : memref<!tpu.dma_semaphore, #tpu.memory_space<semaphore_mem>>) src(%arg10 : memref<80x128xf32, #tpu.memory_space<vmem>>) dst(%dma_wait3A_60 : memref<10240x128xf32, #tpu.memory_space<vmem_shared>>)
        tpu.yield
      }) : () -> ()
    }
    %scan3A_33 = arith.constant 125 : i32
    %barrier3A_34 = arith.constant 0 : index
    tpu.barrier barrier_id(%barrier3A_34)
    %scan3A_35 = arith.constant 0 : i32
    %scan3A_36 = arith.constant 0 : i32
    %scan3A_37 = arith.constant 5 : i32
    %scan3A_38 = arith.addi %scan3A_36, %scan3A_37 : i32
    %scan3A_39 = arith.constant 1 : i32
    scf.for %scan3A_41 = %scan3A_36 to %scan3A_38 step %scan3A_39  : i32 {
      %mul3A_42 = arith.constant 640 : i32
      %mul3A_43 = arith.muli %arg1, %mul3A_42 : i32
      %mul3A_44 = arith.constant 128 : i32
      %mul3A_45 = arith.muli %scan3A_41, %mul3A_44 : i32
      %add3A_46 = arith.addi %mul3A_43, %mul3A_45 : i32
      "tpu.region"() ({
        %run_scoped3A = tpu.sem_alloc : memref<!tpu.dma_semaphore, #tpu.memory_space<semaphore_mem>>
        %dma_start3A = arith.constant 0 : i32
        %dma_start3A_50 = tpu.memref_slice %arg12[%add3A_46, %dma_start3A] : memref<10240x128xf32, #tpu.memory_space<vmem_shared>> -> memref<128x128xf32, #tpu.memory_space<vmem_shared>>
        %dma_start3A_51 = arith.constant 0 : i32
        %dma_start3A_52 = tpu.memref_slice %arg12[%add3A_46, %dma_start3A_51] : memref<10240x128xf32, #tpu.memory_space<vmem_shared>> -> memref<128x128xf32, #tpu.memory_space<vmem_shared>>
        tpu.enqueue_dma source(%dma_start3A_52 : memref<128x128xf32, #tpu.memory_space<vmem_shared>>) target(%arg11 : memref<128x128xf32, #tpu.memory_space<vmem>>) target_semaphore(%run_scoped3A : memref<!tpu.dma_semaphore, #tpu.memory_space<semaphore_mem>>)
        %dma_wait3A = arith.constant 0 : i32
        %dma_wait3A_53 = tpu.memref_slice %arg12[%add3A_46, %dma_wait3A] : memref<10240x128xf32, #tpu.memory_space<vmem_shared>> -> memref<128x128xf32, #tpu.memory_space<vmem_shared>>
        %dma_wait3A_54 = arith.constant 0 : i32
        %dma_wait3A_55 = tpu.memref_slice %arg12[%add3A_46, %dma_wait3A_54] : memref<10240x128xf32, #tpu.memory_space<vmem_shared>> -> memref<128x128xf32, #tpu.memory_space<vmem_shared>>
        tpu.wait_dma2 semaphore(%run_scoped3A : memref<!tpu.dma_semaphore, #tpu.memory_space<semaphore_mem>>) src(%dma_wait3A_55 : memref<128x128xf32, #tpu.memory_space<vmem_shared>>) dst(%arg11 : memref<128x128xf32, #tpu.memory_space<vmem>>)
        tpu.yield
      }) : () -> ()
      %mul3A_47 = arith.constant 10240 : i32
      %mul3A_48 = arith.muli %arg0, %mul3A_47 : i32
      %add3A_49 = arith.addi %mul3A_48, %add3A_46 : i32
      "tpu.region"() ({
        %run_scoped3A = tpu.sem_alloc : memref<!tpu.dma_semaphore, #tpu.memory_space<semaphore_mem>>
        %dma_start3A = arith.constant 0 : i32
        %dma_start3A_50 = tpu.memref_slice %arg6[%add3A_49, %dma_start3A] : memref<20480x128xf32, #tpu.memory_space<hbm>> -> memref<128x128xf32, #tpu.memory_space<hbm>>
        %dma_start3A_51 = arith.constant 0 : i32
        %dma_start3A_52 = tpu.memref_slice %arg6[%add3A_49, %dma_start3A_51] : memref<20480x128xf32, #tpu.memory_space<hbm>> -> memref<128x128xf32, #tpu.memory_space<hbm>>
        tpu.enqueue_dma source(%arg11 : memref<128x128xf32, #tpu.memory_space<vmem>>) target(%dma_start3A_52 : memref<128x128xf32, #tpu.memory_space<hbm>>) target_semaphore(%run_scoped3A : memref<!tpu.dma_semaphore, #tpu.memory_space<semaphore_mem>>)
        %dma_wait3A = arith.constant 0 : i32
        %dma_wait3A_53 = tpu.memref_slice %arg6[%add3A_49, %dma_wait3A] : memref<20480x128xf32, #tpu.memory_space<hbm>> -> memref<128x128xf32, #tpu.memory_space<hbm>>
        %dma_wait3A_54 = arith.constant 0 : i32
        %dma_wait3A_55 = tpu.memref_slice %arg6[%add3A_49, %dma_wait3A_54] : memref<20480x128xf32, #tpu.memory_space<hbm>> -> memref<128x128xf32, #tpu.memory_space<hbm>>
        tpu.wait_dma2 semaphore(%run_scoped3A : memref<!tpu.dma_semaphore, #tpu.memory_space<semaphore_mem>>) src(%arg11 : memref<128x128xf32, #tpu.memory_space<vmem>>) dst(%dma_wait3A_55 : memref<128x128xf32, #tpu.memory_space<hbm>>)
        tpu.yield
      }) : () -> ()
    }
    %scan3A_40 = arith.constant 5 : i32
    return
  }
}

#map = affine_map<(d0, d1) -> (0, 0)>
#map1 = affine_map<(d0, d1) -> (0)>
module attributes {stable_mosaic.version = 14 : i64} {
  func.func @k(%arg0: i32, %arg1: i32, %arg2: memref<80000x128xf32, #tpu.memory_space<hbm>>, %arg3: memref<320000xi32, #tpu.memory_space<hbm>>, %arg4: memref<320000xi32, #tpu.memory_space<hbm>>, %arg5: memref<320000xf32, #tpu.memory_space<hbm>>, %arg6: memref<20480x128xf32, #tpu.memory_space<hbm>>, %arg7: memref<80xi32, #tpu.memory_space<vmem>>, %arg8: memref<80xi32, #tpu.memory_space<vmem>>, %arg9: memref<80xf32, #tpu.memory_space<vmem>>, %arg10: memref<80x128xf32, #tpu.memory_space<vmem>>, %arg11: memref<128x128xf32, #tpu.memory_space<vmem>>, %arg12: memref<10240x128xf32, #tpu.memory_space<vmem_shared>>, %arg13: memref<!tpu.dma_semaphore, #tpu.memory_space<semaphore_mem>>) attributes {dimension_semantics = [#tpu.dimension_semantics<core_parallel>, #tpu.dimension_semantics<subcore_parallel>], iteration_bounds = array<i64: 2, 16>, scalar_prefetch = 0 : i64, scratch_operands = 7 : i64, tpu.core_type = #tpu.core_type<sc_vector_subcore>, window_params = [{transform_indices = #map}, {transform_indices = #map1}, {transform_indices = #map1}, {transform_indices = #map1}, {transform_indices = #map}]} {
    %mul3A = arith.constant 2 : i32
    %mul3A_0 = arith.muli %arg1, %mul3A : i32
    %add3A = arith.addi %mul3A_0, %arg0 : i32
    %scan3A = arith.constant 0 : i32
    %scan3A_1 = arith.constant 0 : i32
    %scan3A_2 = arith.constant 1024 : i32
    %scan3A_3 = arith.addi %scan3A_1, %scan3A_2 : i32
    %scan3A_4 = arith.constant 1 : i32
    scf.for %scan3A_41 = %scan3A_1 to %scan3A_3 step %scan3A_4  : i32 {
      %broadcast_in_dim3A = arith.constant 0.000000e+00 : f32
      %broadcast_in_dim3A_42 = vector.broadcast %broadcast_in_dim3A : f32 to vector<16xf32>
      %jit3A = arith.constant 8 : i32
      %div3A = arith.divsi %scan3A_41, %jit3A : i32
      %sign3A = arith.constant 0 : i32
      %sign3A_43 = arith.cmpi sgt, %scan3A_41, %sign3A : i32
      %sign3A_44 = arith.extui %sign3A_43 : i1 to i32
      %sign3A_45 = arith.constant 0 : i32
      %sign3A_46 = arith.cmpi slt, %scan3A_41, %sign3A_45 : i32
      %sign3A_47 = arith.extui %sign3A_46 : i1 to i32
      %sign3A_48 = arith.subi %sign3A_44, %sign3A_47 : i32
      %sign3A_49 = arith.constant 0 : i32
      %sign3A_50 = arith.cmpi sgt, %jit3A, %sign3A_49 : i32
      %sign3A_51 = arith.extui %sign3A_50 : i1 to i32
      %sign3A_52 = arith.constant 0 : i32
      %sign3A_53 = arith.cmpi slt, %jit3A, %sign3A_52 : i32
      %sign3A_54 = arith.extui %sign3A_53 : i1 to i32
      %sign3A_55 = arith.subi %sign3A_51, %sign3A_54 : i32
      %ne3A = arith.cmpi ne, %sign3A_48, %sign3A_55 : i32
      %rem3A = arith.remsi %scan3A_41, %jit3A : i32
      %ne3A_56 = arith.constant 0 : i32
      %ne3A_57 = arith.cmpi ne, %rem3A, %ne3A_56 : i32
      %and3A = arith.andi %ne3A, %ne3A_57 : i1
      %sub3A = arith.constant 1 : i32
      %sub3A_58 = arith.subi %div3A, %sub3A : i32
      %select_n3A = arith.select %and3A, %sub3A_58, %div3A : i32
      %jit3A_59 = arith.constant 8 : i32
      %eq3A = arith.constant 0 : i32
      %eq3A_60 = arith.cmpi eq, %jit3A_59, %eq3A : i32
      %jit3A_61 = arith.constant 1 : i32
      %select_n3A_62 = arith.select %eq3A_60, %jit3A_61, %jit3A_59 : i32
      %rem3A_63 = arith.remsi %scan3A_41, %select_n3A_62 : i32
      %ne3A_64 = arith.constant 0 : i32
      %ne3A_65 = arith.cmpi ne, %rem3A_63, %ne3A_64 : i32
      %lt3A = arith.constant 0 : i32
      %lt3A_66 = arith.cmpi slt, %rem3A_63, %lt3A : i32
      %lt3A_67 = arith.constant 0 : i32
      %lt3A_68 = arith.cmpi slt, %select_n3A_62, %lt3A_67 : i32
      %ne3A_69 = arith.xori %lt3A_66, %lt3A_68 : i1
      %and3A_70 = arith.andi %ne3A_69, %ne3A_65 : i1
      %add3A_71 = arith.addi %rem3A_63, %select_n3A_62 : i32
      %select_n3A_72 = arith.select %and3A_70, %add3A_71, %rem3A_63 : i32
      %mul3A_73 = arith.constant 16 : i32
      %mul3A_74 = arith.muli %select_n3A_72, %mul3A_73 : i32
      %swap3A = arith.index_cast %select_n3A : i32 to index
      %swap3A_75 = arith.index_cast %mul3A_74 : i32 to index
      %swap3A_76 = tpu.vector_load %arg11[%swap3A, %swap3A_75] {strides = array<i32>} : memref<128x128xf32, #tpu.memory_space<vmem>>, vector<16xf32>,
      tpu.vector_store %arg11[%swap3A, %swap3A_75], %broadcast_in_dim3A_42 {strides = array<i32>} : memref<128x128xf32, #tpu.memory_space<vmem>>, vector<16xf32>,
    }
    %scan3A_5 = arith.constant 1024 : i32
    %mul3A_6 = arith.constant 640 : i32
    %mul3A_7 = arith.muli %arg1, %mul3A_6 : i32
    %add3A_8 = arith.constant 0 : i32
    %add3A_9 = arith.addi %mul3A_7, %add3A_8 : i32
    "tpu.region"() ({
      %run_scoped3A = tpu.sem_alloc : memref<!tpu.dma_semaphore, #tpu.memory_space<semaphore_mem>>
      %dma_start3A = arith.constant 0 : i32
      %dma_start3A_41 = tpu.memref_slice %arg12[%add3A_9, %dma_start3A] : memref<10240x128xf32, #tpu.memory_space<vmem_shared>> -> memref<128x128xf32, #tpu.memory_space<vmem_shared>>
      %dma_start3A_42 = arith.constant 0 : i32
      %dma_start3A_43 = tpu.memref_slice %arg12[%add3A_9, %dma_start3A_42] : memref<10240x128xf32, #tpu.memory_space<vmem_shared>> -> memref<128x128xf32, #tpu.memory_space<vmem_shared>>
      tpu.enqueue_dma source(%arg11 : memref<128x128xf32, #tpu.memory_space<vmem>>) target(%dma_start3A_43 : memref<128x128xf32, #tpu.memory_space<vmem_shared>>) target_semaphore(%run_scoped3A : memref<!tpu.dma_semaphore, #tpu.memory_space<semaphore_mem>>)
      %dma_wait3A = arith.constant 0 : i32
      %dma_wait3A_44 = tpu.memref_slice %arg12[%add3A_9, %dma_wait3A] : memref<10240x128xf32, #tpu.memory_space<vmem_shared>> -> memref<128x128xf32, #tpu.memory_space<vmem_shared>>
      %dma_wait3A_45 = arith.constant 0 : i32
      %dma_wait3A_46 = tpu.memref_slice %arg12[%add3A_9, %dma_wait3A_45] : memref<10240x128xf32, #tpu.memory_space<vmem_shared>> -> memref<128x128xf32, #tpu.memory_space<vmem_shared>>
      tpu.wait_dma2 semaphore(%run_scoped3A : memref<!tpu.dma_semaphore, #tpu.memory_space<semaphore_mem>>) src(%arg11 : memref<128x128xf32, #tpu.memory_space<vmem>>) dst(%dma_wait3A_46 : memref<128x128xf32, #tpu.memory_space<vmem_shared>>)
      tpu.yield
    }) : () -> ()
    %mul3A_10 = arith.constant 640 : i32
    %mul3A_11 = arith.muli %arg1, %mul3A_10 : i32
    %add3A_12 = arith.constant 128 : i32
    %add3A_13 = arith.addi %mul3A_11, %add3A_12 : i32
    "tpu.region"() ({
      %run_scoped3A = tpu.sem_alloc : memref<!tpu.dma_semaphore, #tpu.memory_space<semaphore_mem>>
      %dma_start3A = arith.constant 0 : i32
      %dma_start3A_41 = tpu.memref_slice %arg12[%add3A_13, %dma_start3A] : memref<10240x128xf32, #tpu.memory_space<vmem_shared>> -> memref<128x128xf32, #tpu.memory_space<vmem_shared>>
      %dma_start3A_42 = arith.constant 0 : i32
      %dma_start3A_43 = tpu.memref_slice %arg12[%add3A_13, %dma_start3A_42] : memref<10240x128xf32, #tpu.memory_space<vmem_shared>> -> memref<128x128xf32, #tpu.memory_space<vmem_shared>>
      tpu.enqueue_dma source(%arg11 : memref<128x128xf32, #tpu.memory_space<vmem>>) target(%dma_start3A_43 : memref<128x128xf32, #tpu.memory_space<vmem_shared>>) target_semaphore(%run_scoped3A : memref<!tpu.dma_semaphore, #tpu.memory_space<semaphore_mem>>)
      %dma_wait3A = arith.constant 0 : i32
      %dma_wait3A_44 = tpu.memref_slice %arg12[%add3A_13, %dma_wait3A] : memref<10240x128xf32, #tpu.memory_space<vmem_shared>> -> memref<128x128xf32, #tpu.memory_space<vmem_shared>>
      %dma_wait3A_45 = arith.constant 0 : i32
      %dma_wait3A_46 = tpu.memref_slice %arg12[%add3A_13, %dma_wait3A_45] : memref<10240x128xf32, #tpu.memory_space<vmem_shared>> -> memref<128x128xf32, #tpu.memory_space<vmem_shared>>
      tpu.wait_dma2 semaphore(%run_scoped3A : memref<!tpu.dma_semaphore, #tpu.memory_space<semaphore_mem>>) src(%arg11 : memref<128x128xf32, #tpu.memory_space<vmem>>) dst(%dma_wait3A_46 : memref<128x128xf32, #tpu.memory_space<vmem_shared>>)
      tpu.yield
    }) : () -> ()
    %mul3A_14 = arith.constant 640 : i32
    %mul3A_15 = arith.muli %arg1, %mul3A_14 : i32
    %add3A_16 = arith.constant 256 : i32
    %add3A_17 = arith.addi %mul3A_15, %add3A_16 : i32
    "tpu.region"() ({
      %run_scoped3A = tpu.sem_alloc : memref<!tpu.dma_semaphore, #tpu.memory_space<semaphore_mem>>
      %dma_start3A = arith.constant 0 : i32
      %dma_start3A_41 = tpu.memref_slice %arg12[%add3A_17, %dma_start3A] : memref<10240x128xf32, #tpu.memory_space<vmem_shared>> -> memref<128x128xf32, #tpu.memory_space<vmem_shared>>
      %dma_start3A_42 = arith.constant 0 : i32
      %dma_start3A_43 = tpu.memref_slice %arg12[%add3A_17, %dma_start3A_42] : memref<10240x128xf32, #tpu.memory_space<vmem_shared>> -> memref<128x128xf32, #tpu.memory_space<vmem_shared>>
      tpu.enqueue_dma source(%arg11 : memref<128x128xf32, #tpu.memory_space<vmem>>) target(%dma_start3A_43 : memref<128x128xf32, #tpu.memory_space<vmem_shared>>) target_semaphore(%run_scoped3A : memref<!tpu.dma_semaphore, #tpu.memory_space<semaphore_mem>>)
      %dma_wait3A = arith.constant 0 : i32
      %dma_wait3A_44 = tpu.memref_slice %arg12[%add3A_17, %dma_wait3A] : memref<10240x128xf32, #tpu.memory_space<vmem_shared>> -> memref<128x128xf32, #tpu.memory_space<vmem_shared>>
      %dma_wait3A_45 = arith.constant 0 : i32
      %dma_wait3A_46 = tpu.memref_slice %arg12[%add3A_17, %dma_wait3A_45] : memref<10240x128xf32, #tpu.memory_space<vmem_shared>> -> memref<128x128xf32, #tpu.memory_space<vmem_shared>>
      tpu.wait_dma2 semaphore(%run_scoped3A : memref<!tpu.dma_semaphore, #tpu.memory_space<semaphore_mem>>) src(%arg11 : memref<128x128xf32, #tpu.memory_space<vmem>>) dst(%dma_wait3A_46 : memref<128x128xf32, #tpu.memory_space<vmem_shared>>)
      tpu.yield
    }) : () -> ()
    %mul3A_18 = arith.constant 640 : i32
    %mul3A_19 = arith.muli %arg1, %mul3A_18 : i32
    %add3A_20 = arith.constant 384 : i32
    %add3A_21 = arith.addi %mul3A_19, %add3A_20 : i32
    "tpu.region"() ({
      %run_scoped3A = tpu.sem_alloc : memref<!tpu.dma_semaphore, #tpu.memory_space<semaphore_mem>>
      %dma_start3A = arith.constant 0 : i32
      %dma_start3A_41 = tpu.memref_slice %arg12[%add3A_21, %dma_start3A] : memref<10240x128xf32, #tpu.memory_space<vmem_shared>> -> memref<128x128xf32, #tpu.memory_space<vmem_shared>>
      %dma_start3A_42 = arith.constant 0 : i32
      %dma_start3A_43 = tpu.memref_slice %arg12[%add3A_21, %dma_start3A_42] : memref<10240x128xf32, #tpu.memory_space<vmem_shared>> -> memref<128x128xf32, #tpu.memory_space<vmem_shared>>
      tpu.enqueue_dma source(%arg11 : memref<128x128xf32, #tpu.memory_space<vmem>>) target(%dma_start3A_43 : memref<128x128xf32, #tpu.memory_space<vmem_shared>>) target_semaphore(%run_scoped3A : memref<!tpu.dma_semaphore, #tpu.memory_space<semaphore_mem>>)
      %dma_wait3A = arith.constant 0 : i32
      %dma_wait3A_44 = tpu.memref_slice %arg12[%add3A_21, %dma_wait3A] : memref<10240x128xf32, #tpu.memory_space<vmem_shared>> -> memref<128x128xf32, #tpu.memory_space<vmem_shared>>
      %dma_wait3A_45 = arith.constant 0 : i32
      %dma_wait3A_46 = tpu.memref_slice %arg12[%add3A_21, %dma_wait3A_45] : memref<10240x128xf32, #tpu.memory_space<vmem_shared>> -> memref<128x128xf32, #tpu.memory_space<vmem_shared>>
      tpu.wait_dma2 semaphore(%run_scoped3A : memref<!tpu.dma_semaphore, #tpu.memory_space<semaphore_mem>>) src(%arg11 : memref<128x128xf32, #tpu.memory_space<vmem>>) dst(%dma_wait3A_46 : memref<128x128xf32, #tpu.memory_space<vmem_shared>>)
      tpu.yield
    }) : () -> ()
    %mul3A_22 = arith.constant 640 : i32
    %mul3A_23 = arith.muli %arg1, %mul3A_22 : i32
    %add3A_24 = arith.constant 512 : i32
    %add3A_25 = arith.addi %mul3A_23, %add3A_24 : i32
    "tpu.region"() ({
      %run_scoped3A = tpu.sem_alloc : memref<!tpu.dma_semaphore, #tpu.memory_space<semaphore_mem>>
      %dma_start3A = arith.constant 0 : i32
      %dma_start3A_41 = tpu.memref_slice %arg12[%add3A_25, %dma_start3A] : memref<10240x128xf32, #tpu.memory_space<vmem_shared>> -> memref<128x128xf32, #tpu.memory_space<vmem_shared>>
      %dma_start3A_42 = arith.constant 0 : i32
      %dma_start3A_43 = tpu.memref_slice %arg12[%add3A_25, %dma_start3A_42] : memref<10240x128xf32, #tpu.memory_space<vmem_shared>> -> memref<128x128xf32, #tpu.memory_space<vmem_shared>>
      tpu.enqueue_dma source(%arg11 : memref<128x128xf32, #tpu.memory_space<vmem>>) target(%dma_start3A_43 : memref<128x128xf32, #tpu.memory_space<vmem_shared>>) target_semaphore(%run_scoped3A : memref<!tpu.dma_semaphore, #tpu.memory_space<semaphore_mem>>)
      %dma_wait3A = arith.constant 0 : i32
      %dma_wait3A_44 = tpu.memref_slice %arg12[%add3A_25, %dma_wait3A] : memref<10240x128xf32, #tpu.memory_space<vmem_shared>> -> memref<128x128xf32, #tpu.memory_space<vmem_shared>>
      %dma_wait3A_45 = arith.constant 0 : i32
      %dma_wait3A_46 = tpu.memref_slice %arg12[%add3A_25, %dma_wait3A_45] : memref<10240x128xf32, #tpu.memory_space<vmem_shared>> -> memref<128x128xf32, #tpu.memory_space<vmem_shared>>
      tpu.wait_dma2 semaphore(%run_scoped3A : memref<!tpu.dma_semaphore, #tpu.memory_space<semaphore_mem>>) src(%arg11 : memref<128x128xf32, #tpu.memory_space<vmem>>) dst(%dma_wait3A_46 : memref<128x128xf32, #tpu.memory_space<vmem_shared>>)
      tpu.yield
    }) : () -> ()
    %barrier3A = arith.constant 0 : index
    tpu.barrier barrier_id(%barrier3A)
    %mul3A_26 = arith.constant 10000 : i32
    %mul3A_27 = arith.muli %add3A, %mul3A_26 : i32
    %scan3A_28 = arith.constant 0 : i32
    %scan3A_29 = arith.constant 0 : i32
    %scan3A_30 = arith.constant 125 : i32
    %scan3A_31 = arith.addi %scan3A_29, %scan3A_30 : i32
    %scan3A_32 = arith.constant 1 : i32
    scf.for %scan3A_41 = %scan3A_29 to %scan3A_31 step %scan3A_32  : i32 {
      %mul3A_42 = arith.constant 80 : i32
      %mul3A_43 = arith.muli %scan3A_41, %mul3A_42 : i32
      %add3A_44 = arith.addi %mul3A_27, %mul3A_43 : i32
      "tpu.region"() ({
        %run_scoped3A = tpu.sem_alloc : memref<!tpu.dma_semaphore, #tpu.memory_space<semaphore_mem>>
        %dma_start3A_55 = tpu.memref_slice %arg3[%add3A_44] : memref<320000xi32, #tpu.memory_space<hbm>> -> memref<80xi32, #tpu.memory_space<hbm>>
        %dma_start3A_56 = tpu.memref_slice %arg3[%add3A_44] : memref<320000xi32, #tpu.memory_space<hbm>> -> memref<80xi32, #tpu.memory_space<hbm>>
        tpu.enqueue_dma source(%dma_start3A_56 : memref<80xi32, #tpu.memory_space<hbm>>) target(%arg7 : memref<80xi32, #tpu.memory_space<vmem>>) target_semaphore(%run_scoped3A : memref<!tpu.dma_semaphore, #tpu.memory_space<semaphore_mem>>)
        %dma_wait3A_57 = tpu.memref_slice %arg3[%add3A_44] : memref<320000xi32, #tpu.memory_space<hbm>> -> memref<80xi32, #tpu.memory_space<hbm>>
        %dma_wait3A_58 = tpu.memref_slice %arg3[%add3A_44] : memref<320000xi32, #tpu.memory_space<hbm>> -> memref<80xi32, #tpu.memory_space<hbm>>
        tpu.wait_dma2 semaphore(%run_scoped3A : memref<!tpu.dma_semaphore, #tpu.memory_space<semaphore_mem>>) src(%dma_wait3A_58 : memref<80xi32, #tpu.memory_space<hbm>>) dst(%arg7 : memref<80xi32, #tpu.memory_space<vmem>>)
        tpu.yield
      }) : () -> ()
      "tpu.region"() ({
        %run_scoped3A = tpu.sem_alloc : memref<!tpu.dma_semaphore, #tpu.memory_space<semaphore_mem>>
        %dma_start3A_55 = tpu.memref_slice %arg4[%add3A_44] : memref<320000xi32, #tpu.memory_space<hbm>> -> memref<80xi32, #tpu.memory_space<hbm>>
        %dma_start3A_56 = tpu.memref_slice %arg4[%add3A_44] : memref<320000xi32, #tpu.memory_space<hbm>> -> memref<80xi32, #tpu.memory_space<hbm>>
        tpu.enqueue_dma source(%dma_start3A_56 : memref<80xi32, #tpu.memory_space<hbm>>) target(%arg8 : memref<80xi32, #tpu.memory_space<vmem>>) target_semaphore(%run_scoped3A : memref<!tpu.dma_semaphore, #tpu.memory_space<semaphore_mem>>)
        %dma_wait3A_57 = tpu.memref_slice %arg4[%add3A_44] : memref<320000xi32, #tpu.memory_space<hbm>> -> memref<80xi32, #tpu.memory_space<hbm>>
        %dma_wait3A_58 = tpu.memref_slice %arg4[%add3A_44] : memref<320000xi32, #tpu.memory_space<hbm>> -> memref<80xi32, #tpu.memory_space<hbm>>
        tpu.wait_dma2 semaphore(%run_scoped3A : memref<!tpu.dma_semaphore, #tpu.memory_space<semaphore_mem>>) src(%dma_wait3A_58 : memref<80xi32, #tpu.memory_space<hbm>>) dst(%arg8 : memref<80xi32, #tpu.memory_space<vmem>>)
        tpu.yield
      }) : () -> ()
      "tpu.region"() ({
        %run_scoped3A = tpu.sem_alloc : memref<!tpu.dma_semaphore, #tpu.memory_space<semaphore_mem>>
        %dma_start3A_55 = tpu.memref_slice %arg5[%add3A_44] : memref<320000xf32, #tpu.memory_space<hbm>> -> memref<80xf32, #tpu.memory_space<hbm>>
        %dma_start3A_56 = tpu.memref_slice %arg5[%add3A_44] : memref<320000xf32, #tpu.memory_space<hbm>> -> memref<80xf32, #tpu.memory_space<hbm>>
        tpu.enqueue_dma source(%dma_start3A_56 : memref<80xf32, #tpu.memory_space<hbm>>) target(%arg9 : memref<80xf32, #tpu.memory_space<vmem>>) target_semaphore(%run_scoped3A : memref<!tpu.dma_semaphore, #tpu.memory_space<semaphore_mem>>)
        %dma_wait3A_57 = tpu.memref_slice %arg5[%add3A_44] : memref<320000xf32, #tpu.memory_space<hbm>> -> memref<80xf32, #tpu.memory_space<hbm>>
        %dma_wait3A_58 = tpu.memref_slice %arg5[%add3A_44] : memref<320000xf32, #tpu.memory_space<hbm>> -> memref<80xf32, #tpu.memory_space<hbm>>
        tpu.wait_dma2 semaphore(%run_scoped3A : memref<!tpu.dma_semaphore, #tpu.memory_space<semaphore_mem>>) src(%dma_wait3A_58 : memref<80xf32, #tpu.memory_space<hbm>>) dst(%arg9 : memref<80xf32, #tpu.memory_space<vmem>>)
        tpu.yield
      }) : () -> ()
      %dma_start3A = arith.constant 0 : i32
      %dma_start3A_45 = arith.constant 0 : i32
      %dma_start3A_46 = tpu.memref_slice %arg2[%dma_start3A, %dma_start3A_45] : memref<80000x128xf32, #tpu.memory_space<hbm>> -> memref<80000x128xf32, #tpu.memory_space<hbm>>
      tpu.enqueue_indirect_dma source(%dma_start3A_46 : memref<80000x128xf32, #tpu.memory_space<hbm>>) target(%arg10 : memref<80x128xf32, #tpu.memory_space<vmem>>) offsets(%arg7 : memref<80xi32, #tpu.memory_space<vmem>>) semaphore(%arg13 : memref<!tpu.dma_semaphore, #tpu.memory_space<semaphore_mem>>)
      %dma_wait3A = arith.constant 0 : i32
      %dma_wait3A_47 = arith.constant 0 : i32
      %dma_wait3A_48 = tpu.memref_slice %arg2[%dma_wait3A, %dma_wait3A_47] : memref<80000x128xf32, #tpu.memory_space<hbm>> -> memref<80000x128xf32, #tpu.memory_space<hbm>>
      tpu.wait_indirect_dma semaphore(%arg13 : memref<!tpu.dma_semaphore, #tpu.memory_space<semaphore_mem>>) src(%dma_wait3A_48 : memref<80000x128xf32, #tpu.memory_space<hbm>>) dst(%arg10 : memref<80x128xf32, #tpu.memory_space<vmem>>)
      %scan3A_49 = arith.constant 0 : i32
      %scan3A_50 = arith.constant 0 : i32
      %scan3A_51 = arith.constant 80 : i32
      %scan3A_52 = arith.addi %scan3A_50, %scan3A_51 : i32
      %scan3A_53 = arith.constant 1 : i32
      scf.for %scan3A_55 = %scan3A_50 to %scan3A_52 step %scan3A_53  : i32 {
        %broadcast_in_dim3A = arith.constant 0 : i32
        %broadcast_in_dim3A_56 = vector.broadcast %broadcast_in_dim3A : i32 to vector<16xi32>
        %add3A_57 = vector.broadcast %scan3A_55 : i32 to vector<16xi32>
        %add3A_58 = arith.addi %broadcast_in_dim3A_56, %add3A_57 : vector<16xi32>
        %gather3A = tpu.vector_load_idx %arg9[%add3A_58] : memref<80xf32, #tpu.memory_space<vmem>>[vector<16xi32>], vector<16xf32>,
        %get3A = arith.index_cast %scan3A_55 : i32 to index
        %get3A_59 = arith.constant 0 : index
        %get3A_60 = tpu.vector_load %arg10[%get3A, %get3A_59] {strides = array<i32>} : memref<80x128xf32, #tpu.memory_space<vmem>>, vector<16xf32>,
        %mul3A_61 = arith.mulf %get3A_60, %gather3A : vector<16xf32>
        %swap3A = arith.index_cast %scan3A_55 : i32 to index
        %swap3A_62 = arith.constant 0 : index
        %swap3A_63 = tpu.vector_load %arg10[%swap3A, %swap3A_62] {strides = array<i32>} : memref<80x128xf32, #tpu.memory_space<vmem>>, vector<16xf32>,
        tpu.vector_store %arg10[%swap3A, %swap3A_62], %mul3A_61 {strides = array<i32>} : memref<80x128xf32, #tpu.memory_space<vmem>>, vector<16xf32>,
        %get3A_64 = arith.index_cast %scan3A_55 : i32 to index
        %get3A_65 = arith.constant 16 : index
        %get3A_66 = tpu.vector_load %arg10[%get3A_64, %get3A_65] {strides = array<i32>} : memref<80x128xf32, #tpu.memory_space<vmem>>, vector<16xf32>,
        %mul3A_67 = arith.mulf %get3A_66, %gather3A : vector<16xf32>
        %swap3A_68 = arith.index_cast %scan3A_55 : i32 to index
        %swap3A_69 = arith.constant 16 : index
        %swap3A_70 = tpu.vector_load %arg10[%swap3A_68, %swap3A_69] {strides = array<i32>} : memref<80x128xf32, #tpu.memory_space<vmem>>, vector<16xf32>,
        tpu.vector_store %arg10[%swap3A_68, %swap3A_69], %mul3A_67 {strides = array<i32>} : memref<80x128xf32, #tpu.memory_space<vmem>>, vector<16xf32>,
        %get3A_71 = arith.index_cast %scan3A_55 : i32 to index
        %get3A_72 = arith.constant 32 : index
        %get3A_73 = tpu.vector_load %arg10[%get3A_71, %get3A_72] {strides = array<i32>} : memref<80x128xf32, #tpu.memory_space<vmem>>, vector<16xf32>,
        %mul3A_74 = arith.mulf %get3A_73, %gather3A : vector<16xf32>
        %swap3A_75 = arith.index_cast %scan3A_55 : i32 to index
        %swap3A_76 = arith.constant 32 : index
        %swap3A_77 = tpu.vector_load %arg10[%swap3A_75, %swap3A_76] {strides = array<i32>} : memref<80x128xf32, #tpu.memory_space<vmem>>, vector<16xf32>,
        tpu.vector_store %arg10[%swap3A_75, %swap3A_76], %mul3A_74 {strides = array<i32>} : memref<80x128xf32, #tpu.memory_space<vmem>>, vector<16xf32>,
        %get3A_78 = arith.index_cast %scan3A_55 : i32 to index
        %get3A_79 = arith.constant 48 : index
        %get3A_80 = tpu.vector_load %arg10[%get3A_78, %get3A_79] {strides = array<i32>} : memref<80x128xf32, #tpu.memory_space<vmem>>, vector<16xf32>,
        %mul3A_81 = arith.mulf %get3A_80, %gather3A : vector<16xf32>
        %swap3A_82 = arith.index_cast %scan3A_55 : i32 to index
        %swap3A_83 = arith.constant 48 : index
        %swap3A_84 = tpu.vector_load %arg10[%swap3A_82, %swap3A_83] {strides = array<i32>} : memref<80x128xf32, #tpu.memory_space<vmem>>, vector<16xf32>,
        tpu.vector_store %arg10[%swap3A_82, %swap3A_83], %mul3A_81 {strides = array<i32>} : memref<80x128xf32, #tpu.memory_space<vmem>>, vector<16xf32>,
        %get3A_85 = arith.index_cast %scan3A_55 : i32 to index
        %get3A_86 = arith.constant 64 : index
        %get3A_87 = tpu.vector_load %arg10[%get3A_85, %get3A_86] {strides = array<i32>} : memref<80x128xf32, #tpu.memory_space<vmem>>, vector<16xf32>,
        %mul3A_88 = arith.mulf %get3A_87, %gather3A : vector<16xf32>
        %swap3A_89 = arith.index_cast %scan3A_55 : i32 to index
        %swap3A_90 = arith.constant 64 : index
        %swap3A_91 = tpu.vector_load %arg10[%swap3A_89, %swap3A_90] {strides = array<i32>} : memref<80x128xf32, #tpu.memory_space<vmem>>, vector<16xf32>,
        tpu.vector_store %arg10[%swap3A_89, %swap3A_90], %mul3A_88 {strides = array<i32>} : memref<80x128xf32, #tpu.memory_space<vmem>>, vector<16xf32>,
        %get3A_92 = arith.index_cast %scan3A_55 : i32 to index
        %get3A_93 = arith.constant 80 : index
        %get3A_94 = tpu.vector_load %arg10[%get3A_92, %get3A_93] {strides = array<i32>} : memref<80x128xf32, #tpu.memory_space<vmem>>, vector<16xf32>,
        %mul3A_95 = arith.mulf %get3A_94, %gather3A : vector<16xf32>
        %swap3A_96 = arith.index_cast %scan3A_55 : i32 to index
        %swap3A_97 = arith.constant 80 : index
        %swap3A_98 = tpu.vector_load %arg10[%swap3A_96, %swap3A_97] {strides = array<i32>} : memref<80x128xf32, #tpu.memory_space<vmem>>, vector<16xf32>,
        tpu.vector_store %arg10[%swap3A_96, %swap3A_97], %mul3A_95 {strides = array<i32>} : memref<80x128xf32, #tpu.memory_space<vmem>>, vector<16xf32>,
        %get3A_99 = arith.index_cast %scan3A_55 : i32 to index
        %get3A_100 = arith.constant 96 : index
        %get3A_101 = tpu.vector_load %arg10[%get3A_99, %get3A_100] {strides = array<i32>} : memref<80x128xf32, #tpu.memory_space<vmem>>, vector<16xf32>,
        %mul3A_102 = arith.mulf %get3A_101, %gather3A : vector<16xf32>
        %swap3A_103 = arith.index_cast %scan3A_55 : i32 to index
        %swap3A_104 = arith.constant 96 : index
        %swap3A_105 = tpu.vector_load %arg10[%swap3A_103, %swap3A_104] {strides = array<i32>} : memref<80x128xf32, #tpu.memory_space<vmem>>, vector<16xf32>,
        tpu.vector_store %arg10[%swap3A_103, %swap3A_104], %mul3A_102 {strides = array<i32>} : memref<80x128xf32, #tpu.memory_space<vmem>>, vector<16xf32>,
        %get3A_106 = arith.index_cast %scan3A_55 : i32 to index
        %get3A_107 = arith.constant 112 : index
        %get3A_108 = tpu.vector_load %arg10[%get3A_106, %get3A_107] {strides = array<i32>} : memref<80x128xf32, #tpu.memory_space<vmem>>, vector<16xf32>,
        %mul3A_109 = arith.mulf %get3A_108, %gather3A : vector<16xf32>
        %swap3A_110 = arith.index_cast %scan3A_55 : i32 to index
        %swap3A_111 = arith.constant 112 : index
        %swap3A_112 = tpu.vector_load %arg10[%swap3A_110, %swap3A_111] {strides = array<i32>} : memref<80x128xf32, #tpu.memory_space<vmem>>, vector<16xf32>,
        tpu.vector_store %arg10[%swap3A_110, %swap3A_111], %mul3A_109 {strides = array<i32>} : memref<80x128xf32, #tpu.memory_space<vmem>>, vector<16xf32>,
      }
      %scan3A_54 = arith.constant 80 : i32
      "tpu.region"() ({
        %run_scoped3A = tpu.sem_alloc : memref<!tpu.dma_semaphore, #tpu.memory_space<semaphore_mem>>
        %dma_start3A_55 = arith.constant 0 : i32
        %dma_start3A_56 = arith.constant 0 : i32
        %dma_start3A_57 = tpu.memref_slice %arg12[%dma_start3A_55, %dma_start3A_56] : memref<10240x128xf32, #tpu.memory_space<vmem_shared>> -> memref<10240x128xf32, #tpu.memory_space<vmem_shared>>
        tpu.enqueue_indirect_dma source(%arg10 : memref<80x128xf32, #tpu.memory_space<vmem>>) target(%dma_start3A_57 : memref<10240x128xf32, #tpu.memory_space<vmem_shared>>) offsets(%arg8 : memref<80xi32, #tpu.memory_space<vmem>>) semaphore(%run_scoped3A : memref<!tpu.dma_semaphore, #tpu.memory_space<semaphore_mem>>) {add = true}
        %dma_wait3A_58 = arith.constant 0 : i32
        %dma_wait3A_59 = arith.constant 0 : i32
        %dma_wait3A_60 = tpu.memref_slice %arg12[%dma_wait3A_58, %dma_wait3A_59] : memref<10240x128xf32, #tpu.memory_space<vmem_shared>> -> memref<10240x128xf32, #tpu.memory_space<vmem_shared>>
        tpu.wait_indirect_dma semaphore(%run_scoped3A : memref<!tpu.dma_semaphore, #tpu.memory_space<semaphore_mem>>) src(%arg10 : memref<80x128xf32, #tpu.memory_space<vmem>>) dst(%dma_wait3A_60 : memref<10240x128xf32, #tpu.memory_space<vmem_shared>>)
        tpu.yield
      }) : () -> ()
    }
    %scan3A_33 = arith.constant 125 : i32
    %barrier3A_34 = arith.constant 0 : index
    tpu.barrier barrier_id(%barrier3A_34)
    %scan3A_35 = arith.constant 0 : i32
    %scan3A_36 = arith.constant 0 : i32
    %scan3A_37 = arith.constant 5 : i32
    %scan3A_38 = arith.addi %scan3A_36, %scan3A_37 : i32
    %scan3A_39 = arith.constant 1 : i32
    scf.for %scan3A_41 = %scan3A_36 to %scan3A_38 step %scan3A_39  : i32 {
      %mul3A_42 = arith.constant 640 : i32
      %mul3A_43 = arith.muli %arg1, %mul3A_42 : i32
      %mul3A_44 = arith.constant 128 : i32
      %mul3A_45 = arith.muli %scan3A_41, %mul3A_44 : i32
      %add3A_46 = arith.addi %mul3A_43, %mul3A_45 : i32
      "tpu.region"() ({
        %run_scoped3A = tpu.sem_alloc : memref<!tpu.dma_semaphore, #tpu.memory_space<semaphore_mem>>
        %dma_start3A = arith.constant 0 : i32
        %dma_start3A_50 = tpu.memref_slice %arg12[%add3A_46, %dma_start3A] : memref<10240x128xf32, #tpu.memory_space<vmem_shared>> -> memref<128x128xf32, #tpu.memory_space<vmem_shared>>
        %dma_start3A_51 = arith.constant 0 : i32
        %dma_start3A_52 = tpu.memref_slice %arg12[%add3A_46, %dma_start3A_51] : memref<10240x128xf32, #tpu.memory_space<vmem_shared>> -> memref<128x128xf32, #tpu.memory_space<vmem_shared>>
        tpu.enqueue_dma source(%dma_start3A_52 : memref<128x128xf32, #tpu.memory_space<vmem_shared>>) target(%arg11 : memref<128x128xf32, #tpu.memory_space<vmem>>) target_semaphore(%run_scoped3A : memref<!tpu.dma_semaphore, #tpu.memory_space<semaphore_mem>>)
        %dma_wait3A = arith.constant 0 : i32
        %dma_wait3A_53 = tpu.memref_slice %arg12[%add3A_46, %dma_wait3A] : memref<10240x128xf32, #tpu.memory_space<vmem_shared>> -> memref<128x128xf32, #tpu.memory_space<vmem_shared>>
        %dma_wait3A_54 = arith.constant 0 : i32
        %dma_wait3A_55 = tpu.memref_slice %arg12[%add3A_46, %dma_wait3A_54] : memref<10240x128xf32, #tpu.memory_space<vmem_shared>> -> memref<128x128xf32, #tpu.memory_space<vmem_shared>>
        tpu.wait_dma2 semaphore(%run_scoped3A : memref<!tpu.dma_semaphore, #tpu.memory_space<semaphore_mem>>) src(%dma_wait3A_55 : memref<128x128xf32, #tpu.memory_space<vmem_shared>>) dst(%arg11 : memref<128x128xf32, #tpu.memory_space<vmem>>)
        tpu.yield
      }) : () -> ()
      %mul3A_47 = arith.constant 10240 : i32
      %mul3A_48 = arith.muli %arg0, %mul3A_47 : i32
      %add3A_49 = arith.addi %mul3A_48, %add3A_46 : i32
      "tpu.region"() ({
        %run_scoped3A = tpu.sem_alloc : memref<!tpu.dma_semaphore, #tpu.memory_space<semaphore_mem>>
        %dma_start3A = arith.constant 0 : i32
        %dma_start3A_50 = tpu.memref_slice %arg6[%add3A_49, %dma_start3A] : memref<20480x128xf32, #tpu.memory_space<hbm>> -> memref<128x128xf32, #tpu.memory_space<hbm>>
        %dma_start3A_51 = arith.constant 0 : i32
        %dma_start3A_52 = tpu.memref_slice %arg6[%add3A_49, %dma_start3A_51] : memref<20480x128xf32, #tpu.memory_space<hbm>> -> memref<128x128xf32, #tpu.memory_space<hbm>>
        tpu.enqueue_dma source(%arg11 : memref<128x128xf32, #tpu.memory_space<vmem>>) target(%dma_start3A_52 : memref<128x128xf32, #tpu.memory_space<hbm>>) target_semaphore(%run_scoped3A : memref<!tpu.dma_semaphore, #tpu.memory_space<semaphore_mem>>)
        %dma_wait3A = arith.constant 0 : i32
        %dma_wait3A_53 = tpu.memref_slice %arg6[%add3A_49, %dma_wait3A] : memref<20480x128xf32, #tpu.memory_space<hbm>> -> memref<128x128xf32, #tpu.memory_space<hbm>>
        %dma_wait3A_54 = arith.constant 0 : i32
        %dma_wait3A_55 = tpu.memref_slice %arg6[%add3A_49, %dma_wait3A_54] : memref<20480x128xf32, #tpu.memory_space<hbm>> -> memref<128x128xf32, #tpu.memory_space<hbm>>
        tpu.wait_dma2 semaphore(%run_scoped3A : memref<!tpu.dma_semaphore, #tpu.memory_space<semaphore_mem>>) src(%arg11 : memref<128x128xf32, #tpu.memory_space<vmem>>) dst(%dma_wait3A_55 : memref<128x128xf32, #tpu.memory_space<hbm>>)
        tpu.yield
      }) : () -> ()
    }
    %scan3A_40 = arith.constant 5 : i32
    return
  }
}

module attributes {stable_mosaic.version = 14 : i64} {
  func.func @body(%arg0: i32, %arg1: memref<400x128xf32, #tpu.memory_space<vmem>>, %arg2: memref<8x128x128xf32, #tpu.memory_space<vmem>>, %arg3: memref<128x128xf32, #tpu.memory_space<vmem>>, %arg4: memref<1x128xf32, #tpu.memory_space<vmem>>, %arg5: memref<8x400x128xf32, #tpu.memory_space<vmem>>, %arg6: memref<400x128xf32, #tpu.memory_space<vmem>>) attributes {dimension_semantics = [#tpu.dimension_semantics<arbitrary>], iteration_bounds = array<i64: 25>, scalar_prefetch = 0 : i64, scratch_operands = 0 : i64, tpu.core_type = #tpu.core_type<tc>, window_params = [{transform_indices = @transform_0, window_bounds = array<i64: 400, 128>}, {pipeline_mode = #tpu.pipeline_mode<synchronous>, transform_indices = @transform_1, window_bounds = array<i64: 8, 128, 128>}, {pipeline_mode = #tpu.pipeline_mode<synchronous>, transform_indices = @transform_2, window_bounds = array<i64: 128, 128>}, {pipeline_mode = #tpu.pipeline_mode<synchronous>, transform_indices = @transform_3, window_bounds = array<i64: 1, 128>}, {transform_indices = @transform_4, window_bounds = array<i64: 8, 400, 128>}, {transform_indices = @transform_5, window_bounds = array<i64: 400, 128>}]} {
    %get3A = arith.constant 0 : index
    %get3A_0 = arith.constant 0 : index
    %get3A_1 = vector.load %arg1[%get3A, %get3A_0] : memref<400x128xf32, #tpu.memory_space<vmem>>, vector<400x128xf32>
    %get3A_2 = arith.constant 0 : index
    %get3A_3 = arith.constant 0 : index
    %get3A_4 = vector.load %arg3[%get3A_2, %get3A_3] : memref<128x128xf32, #tpu.memory_space<vmem>>, vector<128x128xf32>
    %dot_general3A = arith.constant dense<0.000000e+00> : vector<400x128xf32>
    %dot_general3A_5 = tpu.matmul %get3A_1, %get3A_4, %dot_general3A {dimension_numbers = #tpu.dot_dimension_numbers<[1], [0], [0], [1], [0, 0, 1, 1], [], []>, transpose_lhs_hint = false} : vector<400x128xf32>, vector<128x128xf32>, vector<400x128xf32> -> vector<400x128xf32>
    %get3A_6 = arith.constant 0 : index
    %get3A_7 = arith.constant 0 : index
    %get3A_8 = vector.load %arg4[%get3A_6, %get3A_7] : memref<1x128xf32, #tpu.memory_space<vmem>>, vector<1x128xf32>
    %add3A = vector.broadcast %get3A_8 : vector<1x128xf32> to vector<400x128xf32>
    %add3A_9 = arith.addf %dot_general3A_5, %add3A : vector<400x128xf32>
    %swap3A = arith.constant 0 : index
    %swap3A_10 = arith.constant 0 : index
    %swap3A_11 = vector.load %arg6[%swap3A, %swap3A_10] : memref<400x128xf32, #tpu.memory_space<vmem>>, vector<400x128xf32>
    tpu.vector_store %arg6[%swap3A, %swap3A_10], %add3A_9 {strides = array<i32>} : memref<400x128xf32, #tpu.memory_space<vmem>>, vector<400x128xf32>,
    %get3A_12 = arith.constant 0 : index
    %get3A_13 = arith.constant 0 : index
    %get3A_14 = arith.constant 0 : index
    %get3A_15 = vector.load %arg2[%get3A_12, %get3A_13, %get3A_14] : memref<8x128x128xf32, #tpu.memory_space<vmem>>, vector<1x128x128xf32>
    %get3A_16 = vector.shape_cast %get3A_15 : vector<1x128x128xf32> to vector<128x128xf32>
    %dot_general3A_17 = arith.constant dense<0.000000e+00> : vector<400x128xf32>
    %dot_general3A_18 = tpu.matmul %get3A_1, %get3A_16, %dot_general3A_17 {dimension_numbers = #tpu.dot_dimension_numbers<[1], [0], [0], [1], [0, 0, 1, 1], [], []>, transpose_lhs_hint = false} : vector<400x128xf32>, vector<128x128xf32>, vector<400x128xf32> -> vector<400x128xf32>
    %swap3A_19 = arith.constant 0 : index
    %swap3A_20 = arith.constant 0 : index
    %swap3A_21 = arith.constant 0 : index
    %swap3A_22 = vector.load %arg5[%swap3A_19, %swap3A_20, %swap3A_21] : memref<8x400x128xf32, #tpu.memory_space<vmem>>, vector<1x400x128xf32>
    %swap3A_23 = vector.shape_cast %swap3A_22 : vector<1x400x128xf32> to vector<400x128xf32>
    %swap3A_24 = vector.shape_cast %dot_general3A_18 : vector<400x128xf32> to vector<1x400x128xf32>
    tpu.vector_store %arg5[%swap3A_19, %swap3A_20, %swap3A_21], %swap3A_24 {strides = array<i32>} : memref<8x400x128xf32, #tpu.memory_space<vmem>>, vector<1x400x128xf32>,
    %get3A_25 = arith.constant 1 : index
    %get3A_26 = arith.constant 0 : index
    %get3A_27 = arith.constant 0 : index
    %get3A_28 = vector.load %arg2[%get3A_25, %get3A_26, %get3A_27] : memref<8x128x128xf32, #tpu.memory_space<vmem>>, vector<1x128x128xf32>
    %get3A_29 = vector.shape_cast %get3A_28 : vector<1x128x128xf32> to vector<128x128xf32>
    %dot_general3A_30 = arith.constant dense<0.000000e+00> : vector<400x128xf32>
    %dot_general3A_31 = tpu.matmul %get3A_1, %get3A_29, %dot_general3A_30 {dimension_numbers = #tpu.dot_dimension_numbers<[1], [0], [0], [1], [0, 0, 1, 1], [], []>, transpose_lhs_hint = false} : vector<400x128xf32>, vector<128x128xf32>, vector<400x128xf32> -> vector<400x128xf32>
    %swap3A_32 = arith.constant 1 : index
    %swap3A_33 = arith.constant 0 : index
    %swap3A_34 = arith.constant 0 : index
    %swap3A_35 = vector.load %arg5[%swap3A_32, %swap3A_33, %swap3A_34] : memref<8x400x128xf32, #tpu.memory_space<vmem>>, vector<1x400x128xf32>
    %swap3A_36 = vector.shape_cast %swap3A_35 : vector<1x400x128xf32> to vector<400x128xf32>
    %swap3A_37 = vector.shape_cast %dot_general3A_31 : vector<400x128xf32> to vector<1x400x128xf32>
    tpu.vector_store %arg5[%swap3A_32, %swap3A_33, %swap3A_34], %swap3A_37 {strides = array<i32>} : memref<8x400x128xf32, #tpu.memory_space<vmem>>, vector<1x400x128xf32>,
    %get3A_38 = arith.constant 2 : index
    %get3A_39 = arith.constant 0 : index
    %get3A_40 = arith.constant 0 : index
    %get3A_41 = vector.load %arg2[%get3A_38, %get3A_39, %get3A_40] : memref<8x128x128xf32, #tpu.memory_space<vmem>>, vector<1x128x128xf32>
    %get3A_42 = vector.shape_cast %get3A_41 : vector<1x128x128xf32> to vector<128x128xf32>
    %dot_general3A_43 = arith.constant dense<0.000000e+00> : vector<400x128xf32>
    %dot_general3A_44 = tpu.matmul %get3A_1, %get3A_42, %dot_general3A_43 {dimension_numbers = #tpu.dot_dimension_numbers<[1], [0], [0], [1], [0, 0, 1, 1], [], []>, transpose_lhs_hint = false} : vector<400x128xf32>, vector<128x128xf32>, vector<400x128xf32> -> vector<400x128xf32>
    %swap3A_45 = arith.constant 2 : index
    %swap3A_46 = arith.constant 0 : index
    %swap3A_47 = arith.constant 0 : index
    %swap3A_48 = vector.load %arg5[%swap3A_45, %swap3A_46, %swap3A_47] : memref<8x400x128xf32, #tpu.memory_space<vmem>>, vector<1x400x128xf32>
    %swap3A_49 = vector.shape_cast %swap3A_48 : vector<1x400x128xf32> to vector<400x128xf32>
    %swap3A_50 = vector.shape_cast %dot_general3A_44 : vector<400x128xf32> to vector<1x400x128xf32>
    tpu.vector_store %arg5[%swap3A_45, %swap3A_46, %swap3A_47], %swap3A_50 {strides = array<i32>} : memref<8x400x128xf32, #tpu.memory_space<vmem>>, vector<1x400x128xf32>,
    %get3A_51 = arith.constant 3 : index
    %get3A_52 = arith.constant 0 : index
    %get3A_53 = arith.constant 0 : index
    %get3A_54 = vector.load %arg2[%get3A_51, %get3A_52, %get3A_53] : memref<8x128x128xf32, #tpu.memory_space<vmem>>, vector<1x128x128xf32>
    %get3A_55 = vector.shape_cast %get3A_54 : vector<1x128x128xf32> to vector<128x128xf32>
    %dot_general3A_56 = arith.constant dense<0.000000e+00> : vector<400x128xf32>
    %dot_general3A_57 = tpu.matmul %get3A_1, %get3A_55, %dot_general3A_56 {dimension_numbers = #tpu.dot_dimension_numbers<[1], [0], [0], [1], [0, 0, 1, 1], [], []>, transpose_lhs_hint = false} : vector<400x128xf32>, vector<128x128xf32>, vector<400x128xf32> -> vector<400x128xf32>
    %swap3A_58 = arith.constant 3 : index
    %swap3A_59 = arith.constant 0 : index
    %swap3A_60 = arith.constant 0 : index
    %swap3A_61 = vector.load %arg5[%swap3A_58, %swap3A_59, %swap3A_60] : memref<8x400x128xf32, #tpu.memory_space<vmem>>, vector<1x400x128xf32>
    %swap3A_62 = vector.shape_cast %swap3A_61 : vector<1x400x128xf32> to vector<400x128xf32>
    %swap3A_63 = vector.shape_cast %dot_general3A_57 : vector<400x128xf32> to vector<1x400x128xf32>
    tpu.vector_store %arg5[%swap3A_58, %swap3A_59, %swap3A_60], %swap3A_63 {strides = array<i32>} : memref<8x400x128xf32, #tpu.memory_space<vmem>>, vector<1x400x128xf32>,
    %get3A_64 = arith.constant 4 : index
    %get3A_65 = arith.constant 0 : index
    %get3A_66 = arith.constant 0 : index
    %get3A_67 = vector.load %arg2[%get3A_64, %get3A_65, %get3A_66] : memref<8x128x128xf32, #tpu.memory_space<vmem>>, vector<1x128x128xf32>
    %get3A_68 = vector.shape_cast %get3A_67 : vector<1x128x128xf32> to vector<128x128xf32>
    %dot_general3A_69 = arith.constant dense<0.000000e+00> : vector<400x128xf32>
    %dot_general3A_70 = tpu.matmul %get3A_1, %get3A_68, %dot_general3A_69 {dimension_numbers = #tpu.dot_dimension_numbers<[1], [0], [0], [1], [0, 0, 1, 1], [], []>, transpose_lhs_hint = false} : vector<400x128xf32>, vector<128x128xf32>, vector<400x128xf32> -> vector<400x128xf32>
    %swap3A_71 = arith.constant 4 : index
    %swap3A_72 = arith.constant 0 : index
    %swap3A_73 = arith.constant 0 : index
    %swap3A_74 = vector.load %arg5[%swap3A_71, %swap3A_72, %swap3A_73] : memref<8x400x128xf32, #tpu.memory_space<vmem>>, vector<1x400x128xf32>
    %swap3A_75 = vector.shape_cast %swap3A_74 : vector<1x400x128xf32> to vector<400x128xf32>
    %swap3A_76 = vector.shape_cast %dot_general3A_70 : vector<400x128xf32> to vector<1x400x128xf32>
    tpu.vector_store %arg5[%swap3A_71, %swap3A_72, %swap3A_73], %swap3A_76 {strides = array<i32>} : memref<8x400x128xf32, #tpu.memory_space<vmem>>, vector<1x400x128xf32>,
    %get3A_77 = arith.constant 5 : index
    %get3A_78 = arith.constant 0 : index
    %get3A_79 = arith.constant 0 : index
    %get3A_80 = vector.load %arg2[%get3A_77, %get3A_78, %get3A_79] : memref<8x128x128xf32, #tpu.memory_space<vmem>>, vector<1x128x128xf32>
    %get3A_81 = vector.shape_cast %get3A_80 : vector<1x128x128xf32> to vector<128x128xf32>
    %dot_general3A_82 = arith.constant dense<0.000000e+00> : vector<400x128xf32>
    %dot_general3A_83 = tpu.matmul %get3A_1, %get3A_81, %dot_general3A_82 {dimension_numbers = #tpu.dot_dimension_numbers<[1], [0], [0], [1], [0, 0, 1, 1], [], []>, transpose_lhs_hint = false} : vector<400x128xf32>, vector<128x128xf32>, vector<400x128xf32> -> vector<400x128xf32>
    %swap3A_84 = arith.constant 5 : index
    %swap3A_85 = arith.constant 0 : index
    %swap3A_86 = arith.constant 0 : index
    %swap3A_87 = vector.load %arg5[%swap3A_84, %swap3A_85, %swap3A_86] : memref<8x400x128xf32, #tpu.memory_space<vmem>>, vector<1x400x128xf32>
    %swap3A_88 = vector.shape_cast %swap3A_87 : vector<1x400x128xf32> to vector<400x128xf32>
    %swap3A_89 = vector.shape_cast %dot_general3A_83 : vector<400x128xf32> to vector<1x400x128xf32>
    tpu.vector_store %arg5[%swap3A_84, %swap3A_85, %swap3A_86], %swap3A_89 {strides = array<i32>} : memref<8x400x128xf32, #tpu.memory_space<vmem>>, vector<1x400x128xf32>,
    %get3A_90 = arith.constant 6 : index
    %get3A_91 = arith.constant 0 : index
    %get3A_92 = arith.constant 0 : index
    %get3A_93 = vector.load %arg2[%get3A_90, %get3A_91, %get3A_92] : memref<8x128x128xf32, #tpu.memory_space<vmem>>, vector<1x128x128xf32>
    %get3A_94 = vector.shape_cast %get3A_93 : vector<1x128x128xf32> to vector<128x128xf32>
    %dot_general3A_95 = arith.constant dense<0.000000e+00> : vector<400x128xf32>
    %dot_general3A_96 = tpu.matmul %get3A_1, %get3A_94, %dot_general3A_95 {dimension_numbers = #tpu.dot_dimension_numbers<[1], [0], [0], [1], [0, 0, 1, 1], [], []>, transpose_lhs_hint = false} : vector<400x128xf32>, vector<128x128xf32>, vector<400x128xf32> -> vector<400x128xf32>
    %swap3A_97 = arith.constant 6 : index
    %swap3A_98 = arith.constant 0 : index
    %swap3A_99 = arith.constant 0 : index
    %swap3A_100 = vector.load %arg5[%swap3A_97, %swap3A_98, %swap3A_99] : memref<8x400x128xf32, #tpu.memory_space<vmem>>, vector<1x400x128xf32>
    %swap3A_101 = vector.shape_cast %swap3A_100 : vector<1x400x128xf32> to vector<400x128xf32>
    %swap3A_102 = vector.shape_cast %dot_general3A_96 : vector<400x128xf32> to vector<1x400x128xf32>
    tpu.vector_store %arg5[%swap3A_97, %swap3A_98, %swap3A_99], %swap3A_102 {strides = array<i32>} : memref<8x400x128xf32, #tpu.memory_space<vmem>>, vector<1x400x128xf32>,
    %get3A_103 = arith.constant 7 : index
    %get3A_104 = arith.constant 0 : index
    %get3A_105 = arith.constant 0 : index
    %get3A_106 = vector.load %arg2[%get3A_103, %get3A_104, %get3A_105] : memref<8x128x128xf32, #tpu.memory_space<vmem>>, vector<1x128x128xf32>
    %get3A_107 = vector.shape_cast %get3A_106 : vector<1x128x128xf32> to vector<128x128xf32>
    %dot_general3A_108 = arith.constant dense<0.000000e+00> : vector<400x128xf32>
    %dot_general3A_109 = tpu.matmul %get3A_1, %get3A_107, %dot_general3A_108 {dimension_numbers = #tpu.dot_dimension_numbers<[1], [0], [0], [1], [0, 0, 1, 1], [], []>, transpose_lhs_hint = false} : vector<400x128xf32>, vector<128x128xf32>, vector<400x128xf32> -> vector<400x128xf32>
    %swap3A_110 = arith.constant 7 : index
    %swap3A_111 = arith.constant 0 : index
    %swap3A_112 = arith.constant 0 : index
    %swap3A_113 = vector.load %arg5[%swap3A_110, %swap3A_111, %swap3A_112] : memref<8x400x128xf32, #tpu.memory_space<vmem>>, vector<1x400x128xf32>
    %swap3A_114 = vector.shape_cast %swap3A_113 : vector<1x400x128xf32> to vector<400x128xf32>
    %swap3A_115 = vector.shape_cast %dot_general3A_109 : vector<400x128xf32> to vector<1x400x128xf32>
    tpu.vector_store %arg5[%swap3A_110, %swap3A_111, %swap3A_112], %swap3A_115 {strides = array<i32>} : memref<8x400x128xf32, #tpu.memory_space<vmem>>, vector<1x400x128xf32>,
    return
  }
  func.func @transform_0(%arg0: i32) -> (i32, i32) {
    %c0_i32 = arith.constant 0 : i32
    %c0_i32_0 = arith.constant 0 : i32
    return %arg0, %c0_i32 : i32, i32
  }
  func.func @transform_1(%arg0: i32) -> (i32, i32, i32) {
    %c0_i32 = arith.constant 0 : i32
    %c0_i32_0 = arith.constant 0 : i32
    %c0_i32_1 = arith.constant 0 : i32
    %c0_i32_2 = arith.constant 0 : i32
    return %c0_i32, %c0_i32_0, %c0_i32_1 : i32, i32, i32
  }
  func.func @transform_2(%arg0: i32) -> (i32, i32) {
    %c0_i32 = arith.constant 0 : i32
    %c0_i32_0 = arith.constant 0 : i32
    %c0_i32_1 = arith.constant 0 : i32
    return %c0_i32, %c0_i32_0 : i32, i32
  }
  func.func @transform_3(%arg0: i32) -> (i32, i32) {
    %c0_i32 = arith.constant 0 : i32
    %c0_i32_0 = arith.constant 0 : i32
    %c0_i32_1 = arith.constant 0 : i32
    return %c0_i32, %c0_i32_0 : i32, i32
  }
  func.func @transform_4(%arg0: i32) -> (i32, i32, i32) {
    %c0_i32 = arith.constant 0 : i32
    %c0_i32_0 = arith.constant 0 : i32
    %c0_i32_1 = arith.constant 0 : i32
    return %c0_i32, %arg0, %c0_i32_0 : i32, i32, i32
  }
  func.func @transform_5(%arg0: i32) -> (i32, i32) {
    %c0_i32 = arith.constant 0 : i32
    %c0_i32_0 = arith.constant 0 : i32
    return %arg0, %c0_i32 : i32, i32
  }
}

module attributes {stable_mosaic.version = 14 : i64} {
  func.func @body(%arg0: i32, %arg1: memref<400x128xf32, #tpu.memory_space<vmem>>, %arg2: memref<2x400x128xf32, #tpu.memory_space<vmem>>, %arg3: memref<8x128x128xf32, #tpu.memory_space<vmem>>, %arg4: memref<128x128xf32, #tpu.memory_space<vmem>>, %arg5: memref<1x128xf32, #tpu.memory_space<vmem>>, %arg6: memref<8x400x128xf32, #tpu.memory_space<vmem>>, %arg7: memref<400x128xf32, #tpu.memory_space<vmem>>) attributes {dimension_semantics = [#tpu.dimension_semantics<arbitrary>], iteration_bounds = array<i64: 25>, scalar_prefetch = 0 : i64, scratch_operands = 0 : i64, tpu.core_type = #tpu.core_type<tc>, window_params = [{transform_indices = @transform_0, window_bounds = array<i64: 400, 128>}, {transform_indices = @transform_1, window_bounds = array<i64: 2, 400, 128>}, {pipeline_mode = #tpu.pipeline_mode<synchronous>, transform_indices = @transform_2, window_bounds = array<i64: 8, 128, 128>}, {pipeline_mode = #tpu.pipeline_mode<synchronous>, transform_indices = @transform_3, window_bounds = array<i64: 128, 128>}, {pipeline_mode = #tpu.pipeline_mode<synchronous>, transform_indices = @transform_4, window_bounds = array<i64: 1, 128>}, {transform_indices = @transform_5, window_bounds = array<i64: 8, 400, 128>}, {transform_indices = @transform_6, window_bounds = array<i64: 400, 128>}]} {
    %get3A = arith.constant 0 : index
    %get3A_0 = arith.constant 0 : index
    %get3A_1 = vector.load %arg1[%get3A, %get3A_0] : memref<400x128xf32, #tpu.memory_space<vmem>>, vector<400x128xf32>
    %get3A_2 = arith.constant 0 : index
    %get3A_3 = arith.constant 0 : index
    %get3A_4 = arith.constant 0 : index
    %get3A_5 = vector.load %arg2[%get3A_2, %get3A_3, %get3A_4] : memref<2x400x128xf32, #tpu.memory_space<vmem>>, vector<1x400x128xf32>
    %get3A_6 = vector.shape_cast %get3A_5 : vector<1x400x128xf32> to vector<400x128xf32>
    %add3A = arith.addf %get3A_1, %get3A_6 : vector<400x128xf32>
    %get3A_7 = arith.constant 1 : index
    %get3A_8 = arith.constant 0 : index
    %get3A_9 = arith.constant 0 : index
    %get3A_10 = vector.load %arg2[%get3A_7, %get3A_8, %get3A_9] : memref<2x400x128xf32, #tpu.memory_space<vmem>>, vector<1x400x128xf32>
    %get3A_11 = vector.shape_cast %get3A_10 : vector<1x400x128xf32> to vector<400x128xf32>
    %add3A_12 = arith.addf %add3A, %get3A_11 : vector<400x128xf32>
    %max3A = arith.constant 0.000000e+00 : f32
    %max3A_13 = vector.broadcast %max3A : f32 to vector<400x128xf32>
    %max3A_14 = arith.maximumf %add3A_12, %max3A_13 : vector<400x128xf32>
    %get3A_15 = arith.constant 0 : index
    %get3A_16 = arith.constant 0 : index
    %get3A_17 = vector.load %arg4[%get3A_15, %get3A_16] : memref<128x128xf32, #tpu.memory_space<vmem>>, vector<128x128xf32>
    %dot_general3A = arith.constant dense<0.000000e+00> : vector<400x128xf32>
    %dot_general3A_18 = tpu.matmul %max3A_14, %get3A_17, %dot_general3A {dimension_numbers = #tpu.dot_dimension_numbers<[1], [0], [0], [1], [0, 0, 1, 1], [], []>, transpose_lhs_hint = false} : vector<400x128xf32>, vector<128x128xf32>, vector<400x128xf32> -> vector<400x128xf32>
    %get3A_19 = arith.constant 0 : index
    %get3A_20 = arith.constant 0 : index
    %get3A_21 = vector.load %arg5[%get3A_19, %get3A_20] : memref<1x128xf32, #tpu.memory_space<vmem>>, vector<1x128xf32>
    %add3A_22 = vector.broadcast %get3A_21 : vector<1x128xf32> to vector<400x128xf32>
    %add3A_23 = arith.addf %dot_general3A_18, %add3A_22 : vector<400x128xf32>
    %swap3A = arith.constant 0 : index
    %swap3A_24 = arith.constant 0 : index
    %swap3A_25 = vector.load %arg7[%swap3A, %swap3A_24] : memref<400x128xf32, #tpu.memory_space<vmem>>, vector<400x128xf32>
    tpu.vector_store %arg7[%swap3A, %swap3A_24], %add3A_23 {strides = array<i32>} : memref<400x128xf32, #tpu.memory_space<vmem>>, vector<400x128xf32>,
    %get3A_26 = arith.constant 0 : index
    %get3A_27 = arith.constant 0 : index
    %get3A_28 = arith.constant 0 : index
    %get3A_29 = vector.load %arg3[%get3A_26, %get3A_27, %get3A_28] : memref<8x128x128xf32, #tpu.memory_space<vmem>>, vector<1x128x128xf32>
    %get3A_30 = vector.shape_cast %get3A_29 : vector<1x128x128xf32> to vector<128x128xf32>
    %dot_general3A_31 = arith.constant dense<0.000000e+00> : vector<400x128xf32>
    %dot_general3A_32 = tpu.matmul %max3A_14, %get3A_30, %dot_general3A_31 {dimension_numbers = #tpu.dot_dimension_numbers<[1], [0], [0], [1], [0, 0, 1, 1], [], []>, transpose_lhs_hint = false} : vector<400x128xf32>, vector<128x128xf32>, vector<400x128xf32> -> vector<400x128xf32>
    %swap3A_33 = arith.constant 0 : index
    %swap3A_34 = arith.constant 0 : index
    %swap3A_35 = arith.constant 0 : index
    %swap3A_36 = vector.load %arg6[%swap3A_33, %swap3A_34, %swap3A_35] : memref<8x400x128xf32, #tpu.memory_space<vmem>>, vector<1x400x128xf32>
    %swap3A_37 = vector.shape_cast %swap3A_36 : vector<1x400x128xf32> to vector<400x128xf32>
    %swap3A_38 = vector.shape_cast %dot_general3A_32 : vector<400x128xf32> to vector<1x400x128xf32>
    tpu.vector_store %arg6[%swap3A_33, %swap3A_34, %swap3A_35], %swap3A_38 {strides = array<i32>} : memref<8x400x128xf32, #tpu.memory_space<vmem>>, vector<1x400x128xf32>,
    %get3A_39 = arith.constant 1 : index
    %get3A_40 = arith.constant 0 : index
    %get3A_41 = arith.constant 0 : index
    %get3A_42 = vector.load %arg3[%get3A_39, %get3A_40, %get3A_41] : memref<8x128x128xf32, #tpu.memory_space<vmem>>, vector<1x128x128xf32>
    %get3A_43 = vector.shape_cast %get3A_42 : vector<1x128x128xf32> to vector<128x128xf32>
    %dot_general3A_44 = arith.constant dense<0.000000e+00> : vector<400x128xf32>
    %dot_general3A_45 = tpu.matmul %max3A_14, %get3A_43, %dot_general3A_44 {dimension_numbers = #tpu.dot_dimension_numbers<[1], [0], [0], [1], [0, 0, 1, 1], [], []>, transpose_lhs_hint = false} : vector<400x128xf32>, vector<128x128xf32>, vector<400x128xf32> -> vector<400x128xf32>
    %swap3A_46 = arith.constant 1 : index
    %swap3A_47 = arith.constant 0 : index
    %swap3A_48 = arith.constant 0 : index
    %swap3A_49 = vector.load %arg6[%swap3A_46, %swap3A_47, %swap3A_48] : memref<8x400x128xf32, #tpu.memory_space<vmem>>, vector<1x400x128xf32>
    %swap3A_50 = vector.shape_cast %swap3A_49 : vector<1x400x128xf32> to vector<400x128xf32>
    %swap3A_51 = vector.shape_cast %dot_general3A_45 : vector<400x128xf32> to vector<1x400x128xf32>
    tpu.vector_store %arg6[%swap3A_46, %swap3A_47, %swap3A_48], %swap3A_51 {strides = array<i32>} : memref<8x400x128xf32, #tpu.memory_space<vmem>>, vector<1x400x128xf32>,
    %get3A_52 = arith.constant 2 : index
    %get3A_53 = arith.constant 0 : index
    %get3A_54 = arith.constant 0 : index
    %get3A_55 = vector.load %arg3[%get3A_52, %get3A_53, %get3A_54] : memref<8x128x128xf32, #tpu.memory_space<vmem>>, vector<1x128x128xf32>
    %get3A_56 = vector.shape_cast %get3A_55 : vector<1x128x128xf32> to vector<128x128xf32>
    %dot_general3A_57 = arith.constant dense<0.000000e+00> : vector<400x128xf32>
    %dot_general3A_58 = tpu.matmul %max3A_14, %get3A_56, %dot_general3A_57 {dimension_numbers = #tpu.dot_dimension_numbers<[1], [0], [0], [1], [0, 0, 1, 1], [], []>, transpose_lhs_hint = false} : vector<400x128xf32>, vector<128x128xf32>, vector<400x128xf32> -> vector<400x128xf32>
    %swap3A_59 = arith.constant 2 : index
    %swap3A_60 = arith.constant 0 : index
    %swap3A_61 = arith.constant 0 : index
    %swap3A_62 = vector.load %arg6[%swap3A_59, %swap3A_60, %swap3A_61] : memref<8x400x128xf32, #tpu.memory_space<vmem>>, vector<1x400x128xf32>
    %swap3A_63 = vector.shape_cast %swap3A_62 : vector<1x400x128xf32> to vector<400x128xf32>
    %swap3A_64 = vector.shape_cast %dot_general3A_58 : vector<400x128xf32> to vector<1x400x128xf32>
    tpu.vector_store %arg6[%swap3A_59, %swap3A_60, %swap3A_61], %swap3A_64 {strides = array<i32>} : memref<8x400x128xf32, #tpu.memory_space<vmem>>, vector<1x400x128xf32>,
    %get3A_65 = arith.constant 3 : index
    %get3A_66 = arith.constant 0 : index
    %get3A_67 = arith.constant 0 : index
    %get3A_68 = vector.load %arg3[%get3A_65, %get3A_66, %get3A_67] : memref<8x128x128xf32, #tpu.memory_space<vmem>>, vector<1x128x128xf32>
    %get3A_69 = vector.shape_cast %get3A_68 : vector<1x128x128xf32> to vector<128x128xf32>
    %dot_general3A_70 = arith.constant dense<0.000000e+00> : vector<400x128xf32>
    %dot_general3A_71 = tpu.matmul %max3A_14, %get3A_69, %dot_general3A_70 {dimension_numbers = #tpu.dot_dimension_numbers<[1], [0], [0], [1], [0, 0, 1, 1], [], []>, transpose_lhs_hint = false} : vector<400x128xf32>, vector<128x128xf32>, vector<400x128xf32> -> vector<400x128xf32>
    %swap3A_72 = arith.constant 3 : index
    %swap3A_73 = arith.constant 0 : index
    %swap3A_74 = arith.constant 0 : index
    %swap3A_75 = vector.load %arg6[%swap3A_72, %swap3A_73, %swap3A_74] : memref<8x400x128xf32, #tpu.memory_space<vmem>>, vector<1x400x128xf32>
    %swap3A_76 = vector.shape_cast %swap3A_75 : vector<1x400x128xf32> to vector<400x128xf32>
    %swap3A_77 = vector.shape_cast %dot_general3A_71 : vector<400x128xf32> to vector<1x400x128xf32>
    tpu.vector_store %arg6[%swap3A_72, %swap3A_73, %swap3A_74], %swap3A_77 {strides = array<i32>} : memref<8x400x128xf32, #tpu.memory_space<vmem>>, vector<1x400x128xf32>,
    %get3A_78 = arith.constant 4 : index
    %get3A_79 = arith.constant 0 : index
    %get3A_80 = arith.constant 0 : index
    %get3A_81 = vector.load %arg3[%get3A_78, %get3A_79, %get3A_80] : memref<8x128x128xf32, #tpu.memory_space<vmem>>, vector<1x128x128xf32>
    %get3A_82 = vector.shape_cast %get3A_81 : vector<1x128x128xf32> to vector<128x128xf32>
    %dot_general3A_83 = arith.constant dense<0.000000e+00> : vector<400x128xf32>
    %dot_general3A_84 = tpu.matmul %max3A_14, %get3A_82, %dot_general3A_83 {dimension_numbers = #tpu.dot_dimension_numbers<[1], [0], [0], [1], [0, 0, 1, 1], [], []>, transpose_lhs_hint = false} : vector<400x128xf32>, vector<128x128xf32>, vector<400x128xf32> -> vector<400x128xf32>
    %swap3A_85 = arith.constant 4 : index
    %swap3A_86 = arith.constant 0 : index
    %swap3A_87 = arith.constant 0 : index
    %swap3A_88 = vector.load %arg6[%swap3A_85, %swap3A_86, %swap3A_87] : memref<8x400x128xf32, #tpu.memory_space<vmem>>, vector<1x400x128xf32>
    %swap3A_89 = vector.shape_cast %swap3A_88 : vector<1x400x128xf32> to vector<400x128xf32>
    %swap3A_90 = vector.shape_cast %dot_general3A_84 : vector<400x128xf32> to vector<1x400x128xf32>
    tpu.vector_store %arg6[%swap3A_85, %swap3A_86, %swap3A_87], %swap3A_90 {strides = array<i32>} : memref<8x400x128xf32, #tpu.memory_space<vmem>>, vector<1x400x128xf32>,
    %get3A_91 = arith.constant 5 : index
    %get3A_92 = arith.constant 0 : index
    %get3A_93 = arith.constant 0 : index
    %get3A_94 = vector.load %arg3[%get3A_91, %get3A_92, %get3A_93] : memref<8x128x128xf32, #tpu.memory_space<vmem>>, vector<1x128x128xf32>
    %get3A_95 = vector.shape_cast %get3A_94 : vector<1x128x128xf32> to vector<128x128xf32>
    %dot_general3A_96 = arith.constant dense<0.000000e+00> : vector<400x128xf32>
    %dot_general3A_97 = tpu.matmul %max3A_14, %get3A_95, %dot_general3A_96 {dimension_numbers = #tpu.dot_dimension_numbers<[1], [0], [0], [1], [0, 0, 1, 1], [], []>, transpose_lhs_hint = false} : vector<400x128xf32>, vector<128x128xf32>, vector<400x128xf32> -> vector<400x128xf32>
    %swap3A_98 = arith.constant 5 : index
    %swap3A_99 = arith.constant 0 : index
    %swap3A_100 = arith.constant 0 : index
    %swap3A_101 = vector.load %arg6[%swap3A_98, %swap3A_99, %swap3A_100] : memref<8x400x128xf32, #tpu.memory_space<vmem>>, vector<1x400x128xf32>
    %swap3A_102 = vector.shape_cast %swap3A_101 : vector<1x400x128xf32> to vector<400x128xf32>
    %swap3A_103 = vector.shape_cast %dot_general3A_97 : vector<400x128xf32> to vector<1x400x128xf32>
    tpu.vector_store %arg6[%swap3A_98, %swap3A_99, %swap3A_100], %swap3A_103 {strides = array<i32>} : memref<8x400x128xf32, #tpu.memory_space<vmem>>, vector<1x400x128xf32>,
    %get3A_104 = arith.constant 6 : index
    %get3A_105 = arith.constant 0 : index
    %get3A_106 = arith.constant 0 : index
    %get3A_107 = vector.load %arg3[%get3A_104, %get3A_105, %get3A_106] : memref<8x128x128xf32, #tpu.memory_space<vmem>>, vector<1x128x128xf32>
    %get3A_108 = vector.shape_cast %get3A_107 : vector<1x128x128xf32> to vector<128x128xf32>
    %dot_general3A_109 = arith.constant dense<0.000000e+00> : vector<400x128xf32>
    %dot_general3A_110 = tpu.matmul %max3A_14, %get3A_108, %dot_general3A_109 {dimension_numbers = #tpu.dot_dimension_numbers<[1], [0], [0], [1], [0, 0, 1, 1], [], []>, transpose_lhs_hint = false} : vector<400x128xf32>, vector<128x128xf32>, vector<400x128xf32> -> vector<400x128xf32>
    %swap3A_111 = arith.constant 6 : index
    %swap3A_112 = arith.constant 0 : index
    %swap3A_113 = arith.constant 0 : index
    %swap3A_114 = vector.load %arg6[%swap3A_111, %swap3A_112, %swap3A_113] : memref<8x400x128xf32, #tpu.memory_space<vmem>>, vector<1x400x128xf32>
    %swap3A_115 = vector.shape_cast %swap3A_114 : vector<1x400x128xf32> to vector<400x128xf32>
    %swap3A_116 = vector.shape_cast %dot_general3A_110 : vector<400x128xf32> to vector<1x400x128xf32>
    tpu.vector_store %arg6[%swap3A_111, %swap3A_112, %swap3A_113], %swap3A_116 {strides = array<i32>} : memref<8x400x128xf32, #tpu.memory_space<vmem>>, vector<1x400x128xf32>,
    %get3A_117 = arith.constant 7 : index
    %get3A_118 = arith.constant 0 : index
    %get3A_119 = arith.constant 0 : index
    %get3A_120 = vector.load %arg3[%get3A_117, %get3A_118, %get3A_119] : memref<8x128x128xf32, #tpu.memory_space<vmem>>, vector<1x128x128xf32>
    %get3A_121 = vector.shape_cast %get3A_120 : vector<1x128x128xf32> to vector<128x128xf32>
    %dot_general3A_122 = arith.constant dense<0.000000e+00> : vector<400x128xf32>
    %dot_general3A_123 = tpu.matmul %max3A_14, %get3A_121, %dot_general3A_122 {dimension_numbers = #tpu.dot_dimension_numbers<[1], [0], [0], [1], [0, 0, 1, 1], [], []>, transpose_lhs_hint = false} : vector<400x128xf32>, vector<128x128xf32>, vector<400x128xf32> -> vector<400x128xf32>
    %swap3A_124 = arith.constant 7 : index
    %swap3A_125 = arith.constant 0 : index
    %swap3A_126 = arith.constant 0 : index
    %swap3A_127 = vector.load %arg6[%swap3A_124, %swap3A_125, %swap3A_126] : memref<8x400x128xf32, #tpu.memory_space<vmem>>, vector<1x400x128xf32>
    %swap3A_128 = vector.shape_cast %swap3A_127 : vector<1x400x128xf32> to vector<400x128xf32>
    %swap3A_129 = vector.shape_cast %dot_general3A_123 : vector<400x128xf32> to vector<1x400x128xf32>
    tpu.vector_store %arg6[%swap3A_124, %swap3A_125, %swap3A_126], %swap3A_129 {strides = array<i32>} : memref<8x400x128xf32, #tpu.memory_space<vmem>>, vector<1x400x128xf32>,
    return
  }
  func.func @transform_0(%arg0: i32) -> (i32, i32) {
    %c0_i32 = arith.constant 0 : i32
    %c0_i32_0 = arith.constant 0 : i32
    return %arg0, %c0_i32 : i32, i32
  }
  func.func @transform_1(%arg0: i32) -> (i32, i32, i32) {
    %c0_i32 = arith.constant 0 : i32
    %c0_i32_0 = arith.constant 0 : i32
    %c0_i32_1 = arith.constant 0 : i32
    return %c0_i32, %arg0, %c0_i32_0 : i32, i32, i32
  }
  func.func @transform_2(%arg0: i32) -> (i32, i32, i32) {
    %c0_i32 = arith.constant 0 : i32
    %c0_i32_0 = arith.constant 0 : i32
    %c0_i32_1 = arith.constant 0 : i32
    %c0_i32_2 = arith.constant 0 : i32
    return %c0_i32, %c0_i32_0, %c0_i32_1 : i32, i32, i32
  }
  func.func @transform_3(%arg0: i32) -> (i32, i32) {
    %c0_i32 = arith.constant 0 : i32
    %c0_i32_0 = arith.constant 0 : i32
    %c0_i32_1 = arith.constant 0 : i32
    return %c0_i32, %c0_i32_0 : i32, i32
  }
  func.func @transform_4(%arg0: i32) -> (i32, i32) {
    %c0_i32 = arith.constant 0 : i32
    %c0_i32_0 = arith.constant 0 : i32
    %c0_i32_1 = arith.constant 0 : i32
    return %c0_i32, %c0_i32_0 : i32, i32
  }
  func.func @transform_5(%arg0: i32) -> (i32, i32, i32) {
    %c0_i32 = arith.constant 0 : i32
    %c0_i32_0 = arith.constant 0 : i32
    %c0_i32_1 = arith.constant 0 : i32
    return %c0_i32, %arg0, %c0_i32_0 : i32, i32, i32
  }
  func.func @transform_6(%arg0: i32) -> (i32, i32) {
    %c0_i32 = arith.constant 0 : i32
    %c0_i32_0 = arith.constant 0 : i32
    return %arg0, %c0_i32 : i32, i32
  }
}

module attributes {stable_mosaic.version = 14 : i64} {
  func.func @body(%arg0: i32, %arg1: memref<400x128xf32, #tpu.memory_space<vmem>>, %arg2: memref<2x400x128xf32, #tpu.memory_space<vmem>>, %arg3: memref<400x1xi32, #tpu.memory_space<vmem>>, %arg4: memref<128x128xf32, #tpu.memory_space<vmem>>, %arg5: memref<1x128xf32, #tpu.memory_space<vmem>>, %arg6: memref<128x128xf32, #tpu.memory_space<vmem>>, %arg7: memref<1x128xf32, #tpu.memory_space<vmem>>, %arg8: memref<128x4xf32, #tpu.memory_space<vmem>>, %arg9: memref<1x4xf32, #tpu.memory_space<vmem>>, %arg10: memref<64x4xf32, #tpu.memory_space<vmem>>, %arg11: memref<64x128xf32, #tpu.memory_space<vmem>>, %arg12: memref<64x1xf32, #tpu.memory_space<vmem>>) attributes {dimension_semantics = [#tpu.dimension_semantics<arbitrary>], iteration_bounds = array<i64: 25>, scalar_prefetch = 0 : i64, scratch_operands = 0 : i64, tpu.core_type = #tpu.core_type<tc>, window_params = [{transform_indices = @transform_0, window_bounds = array<i64: 400, 128>}, {transform_indices = @transform_1, window_bounds = array<i64: 2, 400, 128>}, {transform_indices = @transform_2, window_bounds = array<i64: 400, 1>}, {pipeline_mode = #tpu.pipeline_mode<synchronous>, transform_indices = @transform_3, window_bounds = array<i64: 128, 128>}, {pipeline_mode = #tpu.pipeline_mode<synchronous>, transform_indices = @transform_4, window_bounds = array<i64: 1, 128>}, {pipeline_mode = #tpu.pipeline_mode<synchronous>, transform_indices = @transform_5, window_bounds = array<i64: 128, 128>}, {pipeline_mode = #tpu.pipeline_mode<synchronous>, transform_indices = @transform_6, window_bounds = array<i64: 1, 128>}, {pipeline_mode = #tpu.pipeline_mode<synchronous>, transform_indices = @transform_7, window_bounds = array<i64: 128, 4>}, {pipeline_mode = #tpu.pipeline_mode<synchronous>, transform_indices = @transform_8, window_bounds = array<i64: 1, 4>}, {pipeline_mode = #tpu.pipeline_mode<synchronous>, transform_indices = @transform_9, window_bounds = array<i64: 64, 4>}, {pipeline_mode = #tpu.pipeline_mode<synchronous>, transform_indices = @transform_10, window_bounds = array<i64: 64, 128>}, {pipeline_mode = #tpu.pipeline_mode<synchronous>, transform_indices = @transform_11, window_bounds = array<i64: 64, 1>}]} {
    %get3A = arith.constant 0 : index
    %get3A_0 = arith.constant 0 : index
    %get3A_1 = vector.load %arg1[%get3A, %get3A_0] : memref<400x128xf32, #tpu.memory_space<vmem>>, vector<400x128xf32>
    %get3A_2 = arith.constant 0 : index
    %get3A_3 = arith.constant 0 : index
    %get3A_4 = arith.constant 0 : index
    %get3A_5 = vector.load %arg2[%get3A_2, %get3A_3, %get3A_4] : memref<2x400x128xf32, #tpu.memory_space<vmem>>, vector<1x400x128xf32>
    %get3A_6 = vector.shape_cast %get3A_5 : vector<1x400x128xf32> to vector<400x128xf32>
    %add3A = arith.addf %get3A_1, %get3A_6 : vector<400x128xf32>
    %get3A_7 = arith.constant 1 : index
    %get3A_8 = arith.constant 0 : index
    %get3A_9 = arith.constant 0 : index
    %get3A_10 = vector.load %arg2[%get3A_7, %get3A_8, %get3A_9] : memref<2x400x128xf32, #tpu.memory_space<vmem>>, vector<1x400x128xf32>
    %get3A_11 = vector.shape_cast %get3A_10 : vector<1x400x128xf32> to vector<400x128xf32>
    %add3A_12 = arith.addf %add3A, %get3A_11 : vector<400x128xf32>
    %max3A = arith.constant 0.000000e+00 : f32
    %max3A_13 = vector.broadcast %max3A : f32 to vector<400x128xf32>
    %max3A_14 = arith.maximumf %add3A_12, %max3A_13 : vector<400x128xf32>
    %iota3A = tpu.iota {dimensions = array<i32: 1>} : vector<1x64xi32>
    %get3A_15 = arith.constant 0 : index
    %get3A_16 = arith.constant 0 : index
    %get3A_17 = vector.load %arg3[%get3A_15, %get3A_16] : memref<400x1xi32, #tpu.memory_space<vmem>>, vector<400x1xi32>
    %eq3A = vector.broadcast %get3A_17 : vector<400x1xi32> to vector<400x64xi32>
    %eq3A_18 = vector.broadcast %iota3A : vector<1x64xi32> to vector<400x64xi32>
    %eq3A_19 = arith.cmpi eq, %eq3A, %eq3A_18 : vector<400x64xi32>
    %convert_element_type3A = arith.extui %eq3A_19 : vector<400x64xi1> to vector<400x64xi32>
    %convert_element_type3A_20 = arith.sitofp %convert_element_type3A : vector<400x64xi32> to vector<400x64xf32>
    %dot_general3A = arith.constant dense<0.000000e+00> : vector<64x128xf32>
    %dot_general3A_21 = tpu.matmul %convert_element_type3A_20, %max3A_14, %dot_general3A {dimension_numbers = #tpu.dot_dimension_numbers<[0], [0], [1], [1], [0, 1, 1, 1], [], []>, transpose_lhs_hint = false} : vector<400x64xf32>, vector<400x128xf32>, vector<64x128xf32> -> vector<64x128xf32>
    %broadcast_in_dim3A = arith.constant 1.000000e+00 : f32
    %broadcast_in_dim3A_22 = vector.broadcast %broadcast_in_dim3A : f32 to vector<400x1xf32>
    %dot_general3A_23 = arith.constant dense<0.000000e+00> : vector<64x1xf32>
    %dot_general3A_24 = tpu.matmul %convert_element_type3A_20, %broadcast_in_dim3A_22, %dot_general3A_23 {dimension_numbers = #tpu.dot_dimension_numbers<[0], [0], [1], [1], [0, 1, 1, 1], [], []>, transpose_lhs_hint = false} : vector<400x64xf32>, vector<400x1xf32>, vector<64x1xf32> -> vector<64x1xf32>
    %eq3A_25 = arith.constant 0 : i32
    %eq3A_26 = arith.cmpi eq, %arg0, %eq3A_25 : i32
    %convert_element_type3A_27 = arith.extui %eq3A_26 : i1 to i32
    %cond3A = arith.constant 0 : i32
    %cond3A_28 = arith.cmpi ne, %convert_element_type3A_27, %cond3A : i32
    scf.if %cond3A_28 {
      %swap3A = arith.constant 0 : index
      %swap3A_38 = arith.constant 0 : index
      %swap3A_39 = vector.load %arg11[%swap3A, %swap3A_38] : memref<64x128xf32, #tpu.memory_space<vmem>>, vector<64x128xf32>
      tpu.vector_store %arg11[%swap3A, %swap3A_38], %dot_general3A_21 {strides = array<i32>} : memref<64x128xf32, #tpu.memory_space<vmem>>, vector<64x128xf32>,
      %swap3A_40 = arith.constant 0 : index
      %swap3A_41 = arith.constant 0 : index
      %swap3A_42 = vector.load %arg12[%swap3A_40, %swap3A_41] : memref<64x1xf32, #tpu.memory_space<vmem>>, vector<64x1xf32>
      tpu.vector_store %arg12[%swap3A_40, %swap3A_41], %dot_general3A_24 {strides = array<i32>} : memref<64x1xf32, #tpu.memory_space<vmem>>, vector<64x1xf32>,
    } else {
    }
    %gt3A = arith.constant 0 : i32
    %gt3A_29 = arith.cmpi sgt, %arg0, %gt3A : i32
    %convert_element_type3A_30 = arith.extui %gt3A_29 : i1 to i32
    %cond3A_31 = arith.constant 0 : i32
    %cond3A_32 = arith.cmpi ne, %convert_element_type3A_30, %cond3A_31 : i32
    scf.if %cond3A_32 {
      %get3A_38 = arith.constant 0 : index
      %get3A_39 = arith.constant 0 : index
      %get3A_40 = vector.load %arg11[%get3A_38, %get3A_39] : memref<64x128xf32, #tpu.memory_space<vmem>>, vector<64x128xf32>
      %add3A_41 = arith.addf %get3A_40, %dot_general3A_21 : vector<64x128xf32>
      %swap3A = arith.constant 0 : index
      %swap3A_42 = arith.constant 0 : index
      %swap3A_43 = vector.load %arg11[%swap3A, %swap3A_42] : memref<64x128xf32, #tpu.memory_space<vmem>>, vector<64x128xf32>
      tpu.vector_store %arg11[%swap3A, %swap3A_42], %add3A_41 {strides = array<i32>} : memref<64x128xf32, #tpu.memory_space<vmem>>, vector<64x128xf32>,
      %get3A_44 = arith.constant 0 : index
      %get3A_45 = arith.constant 0 : index
      %get3A_46 = vector.load %arg12[%get3A_44, %get3A_45] : memref<64x1xf32, #tpu.memory_space<vmem>>, vector<64x1xf32>
      %add3A_47 = arith.addf %get3A_46, %dot_general3A_24 : vector<64x1xf32>
      %swap3A_48 = arith.constant 0 : index
      %swap3A_49 = arith.constant 0 : index
      %swap3A_50 = vector.load %arg12[%swap3A_48, %swap3A_49] : memref<64x1xf32, #tpu.memory_space<vmem>>, vector<64x1xf32>
      tpu.vector_store %arg12[%swap3A_48, %swap3A_49], %add3A_47 {strides = array<i32>} : memref<64x1xf32, #tpu.memory_space<vmem>>, vector<64x1xf32>,
    } else {
    }
    %eq3A_33 = arith.constant 24 : i32
    %eq3A_34 = arith.cmpi eq, %arg0, %eq3A_33 : i32
    %convert_element_type3A_35 = arith.extui %eq3A_34 : i1 to i32
    %cond3A_36 = arith.constant 0 : i32
    %cond3A_37 = arith.cmpi ne, %convert_element_type3A_35, %cond3A_36 : i32
    scf.if %cond3A_37 {
      %get3A_38 = arith.constant 0 : index
      %get3A_39 = arith.constant 0 : index
      %get3A_40 = vector.load %arg11[%get3A_38, %get3A_39] : memref<64x128xf32, #tpu.memory_space<vmem>>, vector<64x128xf32>
      %get3A_41 = arith.constant 0 : index
      %get3A_42 = arith.constant 0 : index
      %get3A_43 = vector.load %arg12[%get3A_41, %get3A_42] : memref<64x1xf32, #tpu.memory_space<vmem>>, vector<64x1xf32>
      %max3A_44 = arith.constant 1.000000e+00 : f32
      %max3A_45 = vector.broadcast %max3A_44 : f32 to vector<64x1xf32>
      %max3A_46 = arith.maximumf %get3A_43, %max3A_45 : vector<64x1xf32>
      %div3A = vector.broadcast %max3A_46 : vector<64x1xf32> to vector<64x128xf32>
      %div3A_47 = arith.divf %get3A_40, %div3A : vector<64x128xf32>
      %get3A_48 = arith.constant 0 : index
      %get3A_49 = arith.constant 0 : index
      %get3A_50 = vector.load %arg4[%get3A_48, %get3A_49] : memref<128x128xf32, #tpu.memory_space<vmem>>, vector<128x128xf32>
      %dot_general3A_51 = arith.constant dense<0.000000e+00> : vector<64x128xf32>
      %dot_general3A_52 = tpu.matmul %div3A_47, %get3A_50, %dot_general3A_51 {dimension_numbers = #tpu.dot_dimension_numbers<[1], [0], [0], [1], [0, 0, 1, 1], [], []>, transpose_lhs_hint = false} : vector<64x128xf32>, vector<128x128xf32>, vector<64x128xf32> -> vector<64x128xf32>
      %get3A_53 = arith.constant 0 : index
      %get3A_54 = arith.constant 0 : index
      %get3A_55 = vector.load %arg5[%get3A_53, %get3A_54] : memref<1x128xf32, #tpu.memory_space<vmem>>, vector<1x128xf32>
      %add3A_56 = vector.broadcast %get3A_55 : vector<1x128xf32> to vector<64x128xf32>
      %add3A_57 = arith.addf %dot_general3A_52, %add3A_56 : vector<64x128xf32>
      %max3A_58 = arith.constant 0.000000e+00 : f32
      %max3A_59 = vector.broadcast %max3A_58 : f32 to vector<64x128xf32>
      %max3A_60 = arith.maximumf %add3A_57, %max3A_59 : vector<64x128xf32>
      %get3A_61 = arith.constant 0 : index
      %get3A_62 = arith.constant 0 : index
      %get3A_63 = vector.load %arg6[%get3A_61, %get3A_62] : memref<128x128xf32, #tpu.memory_space<vmem>>, vector<128x128xf32>
      %dot_general3A_64 = arith.constant dense<0.000000e+00> : vector<64x128xf32>
      %dot_general3A_65 = tpu.matmul %max3A_60, %get3A_63, %dot_general3A_64 {dimension_numbers = #tpu.dot_dimension_numbers<[1], [0], [0], [1], [0, 0, 1, 1], [], []>, transpose_lhs_hint = false} : vector<64x128xf32>, vector<128x128xf32>, vector<64x128xf32> -> vector<64x128xf32>
      %get3A_66 = arith.constant 0 : index
      %get3A_67 = arith.constant 0 : index
      %get3A_68 = vector.load %arg7[%get3A_66, %get3A_67] : memref<1x128xf32, #tpu.memory_space<vmem>>, vector<1x128xf32>
      %add3A_69 = vector.broadcast %get3A_68 : vector<1x128xf32> to vector<64x128xf32>
      %add3A_70 = arith.addf %dot_general3A_65, %add3A_69 : vector<64x128xf32>
      %max3A_71 = arith.constant 0.000000e+00 : f32
      %max3A_72 = vector.broadcast %max3A_71 : f32 to vector<64x128xf32>
      %max3A_73 = arith.maximumf %add3A_70, %max3A_72 : vector<64x128xf32>
      %get3A_74 = arith.constant 0 : index
      %get3A_75 = arith.constant 0 : index
      %get3A_76 = vector.load %arg8[%get3A_74, %get3A_75] : memref<128x4xf32, #tpu.memory_space<vmem>>, vector<128x4xf32>
      %dot_general3A_77 = arith.constant dense<0.000000e+00> : vector<64x4xf32>
      %dot_general3A_78 = tpu.matmul %max3A_73, %get3A_76, %dot_general3A_77 {dimension_numbers = #tpu.dot_dimension_numbers<[1], [0], [0], [1], [0, 0, 1, 1], [], []>, transpose_lhs_hint = false} : vector<64x128xf32>, vector<128x4xf32>, vector<64x4xf32> -> vector<64x4xf32>
      %get3A_79 = arith.constant 0 : index
      %get3A_80 = arith.constant 0 : index
      %get3A_81 = vector.load %arg9[%get3A_79, %get3A_80] : memref<1x4xf32, #tpu.memory_space<vmem>>, vector<1x4xf32>
      %add3A_82 = vector.broadcast %get3A_81 : vector<1x4xf32> to vector<64x4xf32>
      %add3A_83 = arith.addf %dot_general3A_78, %add3A_82 : vector<64x4xf32>
      %swap3A = arith.constant 0 : index
      %swap3A_84 = arith.constant 0 : index
      %swap3A_85 = vector.load %arg10[%swap3A, %swap3A_84] : memref<64x4xf32, #tpu.memory_space<vmem>>, vector<64x4xf32>
      tpu.vector_store %arg10[%swap3A, %swap3A_84], %add3A_83 {strides = array<i32>} : memref<64x4xf32, #tpu.memory_space<vmem>>, vector<64x4xf32>,
    } else {
    }
    return
  }
  func.func @transform_0(%arg0: i32) -> (i32, i32) {
    %c0_i32 = arith.constant 0 : i32
    %c0_i32_0 = arith.constant 0 : i32
    return %arg0, %c0_i32 : i32, i32
  }
  func.func @transform_1(%arg0: i32) -> (i32, i32, i32) {
    %c0_i32 = arith.constant 0 : i32
    %c0_i32_0 = arith.constant 0 : i32
    %c0_i32_1 = arith.constant 0 : i32
    return %c0_i32, %arg0, %c0_i32_0 : i32, i32, i32
  }
  func.func @transform_2(%arg0: i32) -> (i32, i32) {
    %c0_i32 = arith.constant 0 : i32
    %c0_i32_0 = arith.constant 0 : i32
    return %arg0, %c0_i32 : i32, i32
  }
  func.func @transform_3(%arg0: i32) -> (i32, i32) {
    %c0_i32 = arith.constant 0 : i32
    %c0_i32_0 = arith.constant 0 : i32
    %c0_i32_1 = arith.constant 0 : i32
    return %c0_i32, %c0_i32_0 : i32, i32
  }
  func.func @transform_4(%arg0: i32) -> (i32, i32) {
    %c0_i32 = arith.constant 0 : i32
    %c0_i32_0 = arith.constant 0 : i32
    %c0_i32_1 = arith.constant 0 : i32
    return %c0_i32, %c0_i32_0 : i32, i32
  }
  func.func @transform_5(%arg0: i32) -> (i32, i32) {
    %c0_i32 = arith.constant 0 : i32
    %c0_i32_0 = arith.constant 0 : i32
    %c0_i32_1 = arith.constant 0 : i32
    return %c0_i32, %c0_i32_0 : i32, i32
  }
  func.func @transform_6(%arg0: i32) -> (i32, i32) {
    %c0_i32 = arith.constant 0 : i32
    %c0_i32_0 = arith.constant 0 : i32
    %c0_i32_1 = arith.constant 0 : i32
    return %c0_i32, %c0_i32_0 : i32, i32
  }
  func.func @transform_7(%arg0: i32) -> (i32, i32) {
    %c0_i32 = arith.constant 0 : i32
    %c0_i32_0 = arith.constant 0 : i32
    %c0_i32_1 = arith.constant 0 : i32
    return %c0_i32, %c0_i32_0 : i32, i32
  }
  func.func @transform_8(%arg0: i32) -> (i32, i32) {
    %c0_i32 = arith.constant 0 : i32
    %c0_i32_0 = arith.constant 0 : i32
    %c0_i32_1 = arith.constant 0 : i32
    return %c0_i32, %c0_i32_0 : i32, i32
  }
  func.func @transform_9(%arg0: i32) -> (i32, i32) {
    %c0_i32 = arith.constant 0 : i32
    %c0_i32_0 = arith.constant 0 : i32
    %c0_i32_1 = arith.constant 0 : i32
    return %c0_i32, %c0_i32_0 : i32, i32
  }
  func.func @transform_10(%arg0: i32) -> (i32, i32) {
    %c0_i32 = arith.constant 0 : i32
    %c0_i32_0 = arith.constant 0 : i32
    %c0_i32_1 = arith.constant 0 : i32
    return %c0_i32, %c0_i32_0 : i32, i32
  }
  func.func @transform_11(%arg0: i32) -> (i32, i32) {
    %c0_i32 = arith.constant 0 : i32
    %c0_i32_0 = arith.constant 0 : i32
    %c0_i32_1 = arith.constant 0 : i32
    return %c0_i32, %c0_i32_0 : i32, i32
  }
}

</mosaic_0001>

<sc_bundles>
// kernel: kernel.12.cloned.1.call-start
scs
__scs_entry_jumppad:
0x0: {  	(pc) =	sbr.rel $0x88, $3  }
0x1: {  	(tag) =	ssettag $0x0;
	lr =	simm.s32 $0x1  }
0x2: {  	[smem:$0x3F94] =	sst lr;
	_ =	strace $0xD0000000  }
0x3: {  	_ = 	snop  }
0x4: {  	_ = 	snop  }
0x5: {  	_ = 	snop  }
0x6: {  	_ = 	snop  }
0x7: {  	_ = 	snop  }
__scs_overlays_trampoline_lowered:
0x8: {  	[smem:$0x3FA3] =	sst s0  }
0x9: {  	[smem:$0x3FA4] =	sst s1  }
0xa: {  	[smem:$0x3FA5] =	sst s2  }
0xb: {  	[smem:$0x3FA6] =	sst s3  }
0xc: {  	[smem:$0x3FA7] =	sst s4  }
0xd: {  	[smem:$0x3FA8] =	sst s5  }
0xe: {  	[smem:$0x3FA9] =	sst s6  }
0xf: {  	[smem:$0x3FAA] =	sst s7  }
0x10: {  	[smem:$0x3FAB] =	sst s8  }
0x11: {  	[smem:$0x3FAC] =	sst s9;
	s0 =	simm.s32 @!p0 $0x0  }
0x12: {  	s1 =	sld [smem:$0x3F92];
	s0 =	simm.s32 @p0 $0x1  }
0x13: {  	[smem:$0x3FAD] =	sst s0;
	s0 =	simm.s32 @!p1 $0x0  }
0x14: {  	s2 =	sld [smem:$0x3F91];
	s0 =	simm.s32 @p1 $0x1  }
0x15: {  	[smem:$0x3FAE] =	sst s0;
	s0 =	simm.s32 @!p2 $0x0  }
0x16: {  	s3 =	sld [smem:$0x3FDB];
	s0 =	simm.s32 @p2 $0x1  }
0x17: {  	s4 =	simm.s32 $0x1BF5;
	[smem:$0x3FB0] =	sst s0  }
0x18: {  	s0 =	sld [smem:$0x3F93];
	_ =	swait.ge [sflag:s4], $0x0  }
0x19: {  	s7 =	sld [smem:$0x3F94]  }
0x1a: {  	s8 =	sadd.s32 $0xFFFFE003, lr  }
0x1b: {  	s9 =	sadd.s32 $0xFFFFFEF7, lr;
	s5 =	simm.s32 $0xFFFFFFFF;
	p2 =	slt.u32 s8, $0xFFFFF086  }
0x1c: {  	p1 =	slt.u32 s9, $0xF7A;
	s5 =	simm.s32 @!p2 $0x0  }
0x1d: {  	s5 =	simm.s32 @p1 $0x1;
	p0 =	seq.s32 s7, s2  }
0x1e: {  	s7 =	smul.u32 @!p0 $0xF7A, s2;
	p2 =	seq.s32 @!p0 s5, $0x0  }
0x1f: {  	s9 =	smul.u32 $0xF7A, s1;
	s8 =	simm.s32 @!p0 $0x1BF5;
	p2 =	por !p2, p0  }
0x20: {  	[sflag:s8] =	ssyncset.s32 @!p0 $0xFFFFF086;
	s6 =	sadd.s32 @!p0 s3, s7;
	s7 =	simm.s32 @!p0 $0x108  }
0x21: {  	s3 =	sadd.s32 s3, s9;
	s6 =	sadd.s32 @!p0 $0x88, s6;
	s7 =	simm.s32 @p2 $0x1082  }
0x22: {  	[simem:s7], [sflag:s8] =	dma.local @!p0 [hbm:s6], $0xF7A  }
0x23: {  	s9 =	sor.u32 $0xD0000000, s2;
	s6 =	simm.s32 $0x108;
	_ =	swait.ge @!p0 [sflag:s8], $0x0  }
0x24: {  	s3 =	sadd.s32 $0x88, s3;
	s6 =	simm.s32 @!p1 $0x1082;
	[sflag:s4] =	ssyncset.s32 $0xFFFFF086  }
0x25: {  	[simem:s6], [sflag:s4] =	dma.local [hbm:s3], $0xF7A  }
0x26: {  	[smem:$0x3F94] =	sst s1;
	(tag) =	ssettag s2;
	_ =	strace s9  }
0x27: {  	s1 =	sld [smem:$0x3FA4]  }
0x28: {  	s2 =	sld [smem:$0x3FA5]  }
0x29: {  	s4 =	sld [smem:$0x3FA7]  }
0x2a: {  	p0 =	seq.s32 s5, $0x0;
	s5 =	sld [smem:$0x3FA8]  }
0x2b: {  	s6 =	sld [smem:$0x3FA9]  }
0x2c: {  	s7 =	sld [smem:$0x3FAA]  }
0x2d: {  	s3 =	simm.s32 $0x108;
	s8 =	sld [smem:$0x3FAB]  }
0x2e: {  	s3 =	simm.s32 @!p0 $0x1082;
	s9 =	sld [smem:$0x3FAC]  }
0x2f: {  	lr =	sadd.s32 s0, s3;
	s0 =	sld [smem:$0x3FA3]  }
0x30: {  	s3 =	sld [smem:$0x3FA6]  }
0x31: {  	[smem:$0x3FAF] =	sst s10  }
0x32: {  	s10 =	sld [smem:$0x3FAD];
	_ =	sdelay $0x3  }
0x33: {  	p0 =	seq.s32 s10, $0x1;
	s10 =	sld [smem:$0x3FAF];
	_ =	sdelay $0x3  }
0x34: {  	[smem:$0x3FAF] =	sst s10  }
0x35: {  	s10 =	sld [smem:$0x3FAE];
	_ =	sdelay $0x3  }
0x36: {  	p1 =	seq.s32 s10, $0x1;
	s10 =	sld [smem:$0x3FAF];
	_ =	sdelay $0x3  }
0x37: {  	[smem:$0x3FAF] =	sst s10  }
0x38: {  	s10 =	sld [smem:$0x3FB0]  }
0x39: {  	_ = 	snop;
	(pc) =	sbr.ind lr, $3  }
0x3a: {  	_ = 	snop  }
0x3b: {  	_ = 	snop  }
0x3c: {  	p2 =	seq.s32 s10, $0x1;
	s10 =	sld [smem:$0x3FAF]  }
0x3d: {  	_ =	shalt  }
0x3e: {  	_ =	shalt  }
0x3f: {  	_ =	shalt  }
0x40: {  	_ =	shalt  }
0x41: {  	_ =	shalt  }
0x42: {  	_ =	shalt  }
0x43: {  	_ =	shalt  }
0x44: {  	_ =	shalt  }
0x45: {  	_ =	shalt  }
0x46: {  	_ =	shalt  }
0x47: {  	_ =	shalt  }
0x48: {  	_ =	shalt  }
0x49: {  	_ =	shalt  }
0x4a: {  	_ =	shalt  }
0x4b: {  	_ =	shalt  }
0x4c: {  	_ =	shalt  }
0x4d: {  	_ =	shalt  }
0x4e: {  	_ =	shalt  }
0x4f: {  	_ =	shalt  }
0x50: {  	_ =	shalt  }
0x51: {  	_ =	shalt  }
0x52: {  	_ =	shalt  }
0x53: {  	_ =	shalt  }
0x54: {  	_ =	shalt  }
0x55: {  	_ =	shalt  }
0x56: {  	_ =	shalt  }
0x57: {  	_ =	shalt  }
0x58: {  	_ =	shalt  }
0x59: {  	_ =	shalt  }
0x5a: {  	_ =	shalt  }
0x5b: {  	_ =	shalt  }
0x5c: {  	_ =	shalt  }
0x5d: {  	_ =	shalt  }
0x5e: {  	_ =	shalt  }
0x5f: {  	_ =	shalt  }
0x60: {  	_ =	shalt  }
0x61: {  	_ =	shalt  }
0x62: {  	_ =	shalt  }
0x63: {  	_ =	shalt  }
0x64: {  	_ =	shalt  }
0x65: {  	_ =	shalt  }
0x66: {  	_ =	shalt  }
0x67: {  	_ =	shalt  }
0x68: {  	_ =	shalt  }
0x69: {  	_ =	shalt  }
0x6a: {  	_ =	shalt  }
0x6b: {  	_ =	shalt  }
0x6c: {  	_ =	shalt  }
0x6d: {  	_ =	shalt  }
0x6e: {  	_ =	shalt  }
0x6f: {  	_ =	shalt  }
0x70: {  	_ =	shalt  }
0x71: {  	_ =	shalt  }
0x72: {  	_ =	shalt  }
0x73: {  	_ =	shalt  }
0x74: {  	_ =	shalt  }
0x75: {  	_ =	shalt  }
0x76: {  	_ =	shalt  }
0x77: {  	_ =	shalt  }
0x78: {  	_ =	shalt  }
0x79: {  	_ =	shalt  }
0x7a: {  	_ =	shalt  }
0x7b: {  	_ =	shalt  }
0x7c: {  	_ =	shalt  }
0x7d: {  	_ =	shalt  }
0x7e: {  	_ =	shalt  }
0x7f: {  	_ =	shalt  }
0x80: {  	_ =	shalt  }
0x81: {  	_ =	shalt  }
0x82: {  	_ =	shalt  }
0x83: {  	_ =	shalt  }
0x84: {  	_ =	shalt  }
0x85: {  	_ =	shalt  }
0x86: {  	_ =	shalt  }
0x87: {  	_ =	shalt  }
.Lfunc_end0:
.L_simem_size_0:
called_computation.1_lowered:
.L_overlay_start_0:
0x88: {  	s2 =	sld [smem:$0x3FD9]  }
0x89: {  	s3 =	sld [smem:$0x3FFE];
	_ =	sdelay $0x1  }
0x8a: {  	s1 =	srdreg.scid  }
0x8b: {  	s0 =	sand.u32 $0x1, s1  }
0x8c: {  	s16 =	sshll.u32 s0, $0xA;
	s2 =	sadd.s32 s3, s2  }
0x8d: {  	s2 =	sadd.s32 s2, s16  }
0x8e: {  	[smem:$0x3FBB] =	sst s2  }
0x8f: {  	_ = 	snop  }
0x90: {  	(tm) =	ssettm $0x1  }
0x91: {  	s17 =	sld [smem:$0x3FFB];
	_ =	sdelay $0x3  }
0x92: {  	_ =	strace s17  }
0x93: {  	s2 =	sld [smem:$0x3FFC];
	_ =	sdelay $0x3  }
0x94: {  	_ =	strace s2  }
0x95: {  	s2 =	sld [smem:$0x3FFD];
	_ =	sdelay $0x3  }
0x96: {  	_ =	strace s2  }
0x97: {  	_ =	strace $0x8FFFFFFF  }
0x98: {  	s18 =	sld [smem:$0x3FDB];
	_ =	sdelay $0x1  }
0x99: {  	s19 =	simm.s32 $_scs_section_size  }
0x9a: {  	s4 =	simm.s32 $_size__tile_overlayer_lowered;
	s5 =	simm.s32 $_tile_overlayer_lowered  }
0x9b: {  	s22 =	simm.s32 $0x1BFF;
	s21 =	sshll.u32 s5, $0x1;
	s2 =	sadd.s32 s19, s18  }
0x9c: {  	s6 =	simm.s32 $0x0;
	s20 =	sshll.u32 s4, $0x1;
	s4 =	sadd.s32 s21, s2  }
0x9d: {  	[timem:s6], [sflag:s22] =	dma.local [hbm:s4], s20  }
0x9e: {  	_ =	swait.ge [sflag:s22], s20  }
0x9f: {  	s3 =	ssub.s32 $0x0, s20;
	[sflag:s22] =	ssyncset.done $0x0  }
0xa0: {  	[sflag:s22] =	ssyncadd.s32 s3;
	_ =	sdelay $0x1  }
0xa1: {  	s23 =	simm.s32 $0x1B8B  }
0xa2: {  	_ =	swait.ge [sflag:s23], $0x1  }
0xa3: {  	[sflag:s23] =	ssyncset.done $0x0  }
0xa4: {  	s25 =	simm.s32 $0x1B8E;
	s24 =	sld [smem:$0x3FFE];
	[sflag:s23] =	ssyncadd.s32 $0xFFFFFFFF  }
0xa5: {  	s26 =	simm.s32 $execute0_lowered;
	[smem:$0x3FD2] =	sst s25  }
0xa6: {  	s4 =	sshll.u32 s26, $0x1;
	_ =	strace $0x80000049;
	[dreg:$0x1] =	wrdreg $0xFFFFFFFF  }
0xa7: {  	s28 =	simm.s32 $_size_execute0_lowered;
	s2 =	sadd.s32 s2, s4;
	[dreg:$0x0] =	wrdreg $0x0  }
0xa8: {  	s4 =	sshll.u32 s28, $0x1;
	[dreg:$0x2] =	wrdreg s2  }
0xa9: {  	[dreg:$0x3] =	wrdreg s4  }
0xaa: {  	[dreg:$0x4] =	wrdreg $0xC0  }
0xab: {  	_ =	task [dreg:s6], $0x5FFFF  }
0xac: {  	[dreg:$0x1] =	wrdreg $0xFFFFFFFF  }
0xad: {  	[dreg:$0x0] =	wrdreg $0x60  }
0xae: {  	[dreg:$0x2] =	wrdreg s24  }
0xaf: {  	[dreg:$0x3] =	wrdreg $0x9  }
0xb0: {  	_ =	task.clear_ibuf [dreg:s6], $0x4FFFF;
	_ =	strace $0x90000049  }
0xb1: {  	s29 =	simm.s32 $0x9;
	_ =	strace $0x8000004B  }
0xb2: {  	_ =	swait.ge [sflag:s29], $0x1  }
0xb3: {  	[sflag:s29] =	ssyncadd.s32 $0xFFFFFFFF  }
0xb4: {  	_ =	strace $0x9000004B  }
0xb5: {  	_ =	sfence  }
0xb6: {  	s30 =	sld [smem:$0x0];
	_ =	sdelay $0x2  }
0xb7: {  	s31 =	sshll.u32 s1, $0xD;
	s1 =	sshrl.u32 s1, $0x2  }
0xb8: {  	s3 =	sand.u32 $0x4000, s31;
	s1 =	sadd.s32 s1, s30  }
0xb9: {  	s0 =	sor.u32 s3, s0;
	s1 =	sshll.u32 s1, $0x11  }
0xba: {  	s0 =	sor.u32 s1, s0  }
0xbb: {  	s0 =	sadd.s32 $0x8F2B, s0  }
0xbc: {  	[sflag:s0] =	ssyncadd.remote.s32 $0x1  }
0xbd: {  	_ =	sfence.sel $0xFFFF  }
0xbe: {  	[dreg:$0x0] =	wrdreg $0xFFFFFFFF;
	(pc) =	sbr.abs _section_cstart, $3  }
0xbf: {  	[dreg:$0x1] =	wrdreg $0xFFFFFFFF  }
0xc0: {  	_ =	task.clear_ibuf [dreg:s6], $0x2FFFF;
	_ =	strace $0x9FFFFFFF  }
0xc1: {  	(tm) =	ssettm $0x7FFFFFFF  }
tec
execute0_lowered:
.L_overlay_start_1:
0x0: {  	(tag) =	ssettag $0x1  }
0x1: {  	s1 =	srdreg.scid  }
0x2: {  	s0 =	stileid.u32;
	s5 =	rddreg [dreg:$0x0]  }
0x3: {  	s2 =	simm.s32 $0x0;
	s3 =	sand.u32 $0x1, s1;
	s4 =	smul.u32 $0x4E20, s0  }
0x4: {  	s8 =	simm.s32 $0x13880;
	s9 =	simm.s32 $0x13900;
	s6 =	smul.u32 $0x2710, s3  }
0x5: {  	s10 =	simm.s32 $0x0;
	s1 =	rddreg [dreg:$0x1];
	s3 =	ssub.s32 $0x2, s3  }
0x6: {  	[smem:$0x7FF] =	sst s2;
	s31 =	sshrl.u32 s3, $0x1;
	s4 =	sadd.s32 s6, s4  }
0x7: {  	_ =	strace $0x8000004A;
	s6 =	ssub.s32 s3, s31;
	s4 =	sshrl.u32 s4, $0x3  }
0x8: {  	s3 =	sadd.s32 $0x21000, s5;
	s7 =	sadd.s32 s4, s5;
	s4 =	smax.u32 s6, $0x1  }
0x9: {  	s5 =	sadd.s32 $0x23800, s7;
	s6 =	sadd.s32 $0xD400, s7;
	s7 =	simm.s32 $0x1  }
.LBB2_1:
0xa: {  	[tilespmem:s2], [sflag:$0x1] =	stream.linear.gather [hbm4b:s3+s2], $0x13880, $0x38;
	[tilespmem:$0x13980] =	vst v63  }
0xb: {  	_ =	swait.ge [sflag:s7], $0x13880  }
0xc: {  	[sflag:s7] =	ssyncset.done $0x0  }
0xd: {  	s11 =	sadd.s32 $0x0, s6;
	[sflag:s7] =	ssyncadd.s32 $0xFFFEC780  }
0xe: {  	[tilespmem:s8], [sflag:$0x1] =	stream.linear.gather [hbm4b:s11+s2], $0x50, $0x38;
	[tilespmem:$0x13980] =	vst v63  }
0xf: {  	_ =	swait.ge [sflag:s7], $0x50  }
0x10: {  	[sflag:s7] =	ssyncset.done $0x0  }
0x11: {  	[sflag:s7] =	ssyncadd.s32 $0xFFFFFFB0  }
0x12: {  	v0 =	vld [tilespmem:$0x13880];
	_ =	sdelay $0x7  }
0x13: {  	v0 =	vld.idx.msk [tilespmem:v0+s2+$0x0], $0xffff;
	_ =	sdelay $0x4  }
0x14: {  	v0 =	vmax.f32 v0, $1.000000000e+00  }
0x15: {  	(erf) = vrcp.f32 v0;
	_ =	sdelay $0x2  }
0x16: {  	v57 =	vld [tilespmem:$0x13890];
	_ =	sdelay $0x5  }
0x17: {  	v1 =	vpop (erf)  }
0x18: {  	[tilespmem:$0x13900] =	vst v1  }
0x19: {  	v0 =	vld.idx.msk [tilespmem:v57+s2+$0x0], $0xffff;
	_ =	sdelay $0x4  }
0x1a: {  	v0 =	vmax.f32 v0, $1.000000000e+00  }
0x1b: {  	(erf) = vrcp.f32 v0;
	_ =	sdelay $0x2  }
0x1c: {  	v58 =	vld [tilespmem:$0x138A0];
	_ =	sdelay $0x5  }
0x1d: {  	v59 =	vpop (erf)  }
0x1e: {  	[tilespmem:$0x13910] =	vst v59  }
0x1f: {  	v0 =	vld.idx.msk [tilespmem:v58+s2+$0x0], $0xffff;
	_ =	sdelay $0x4  }
0x20: {  	v0 =	vmax.f32 v0, $1.000000000e+00  }
0x21: {  	(erf) = vrcp.f32 v0;
	_ =	sdelay $0x2  }
0x22: {  	v60 =	vld [tilespmem:$0x138B0];
	_ =	sdelay $0x5  }
0x23: {  	v61 =	vpop (erf)  }
0x24: {  	[tilespmem:$0x13920] =	vst v61  }
0x25: {  	v0 =	vld.idx.msk [tilespmem:v60+s2+$0x0], $0xffff;
	_ =	sdelay $0x4  }
0x26: {  	v0 =	vmax.f32 v0, $1.000000000e+00  }
0x27: {  	(erf) = vrcp.f32 v0;
	_ =	sdelay $0x2  }
0x28: {  	v62 =	vld [tilespmem:$0x138C0];
	_ =	sdelay $0x5  }
0x29: {  	v63 =	vpop (erf)  }
0x2a: {  	[tilespmem:$0x13930] =	vst v63  }
0x2b: {  	v0 =	vld.idx.msk [tilespmem:v62+s2+$0x0], $0xffff;
	_ =	sdelay $0x4  }
0x2c: {  	v0 =	vmax.f32 v0, $1.000000000e+00  }
0x2d: {  	(erf) = vrcp.f32 v0;
	_ =	sdelay $0x8  }
0x2e: {  	v0 =	vpop (erf)  }
0x2f: {  	s31 =	sadd.s32 $0x0, s5;
	[tilespmem:$0x13940] =	vst v0  }
0x30: {  	[hbm4b:s31+s2] =	stream.linear.scatter [tilespmem:s9], [sflag:$0x1], $0x50, $0x38;
	[tilespmem:$0x13980] =	vst v63  }
0x31: {  	_ =	swait.ge [sflag:s7], $0x50  }
0x32: {  	s14 =	simm.s32 $0x14;
	s11 =	simm.s32 $0xA;
	[sflag:s7] =	ssyncset.done $0x0  }
.LBB2_2:
0x33: {  	s15 =	sadd.s32 s11, s6  }
0x34: {  	[sflag:s7] =	ssyncadd.s32 $0xFFFFFFB0;
	s13 =	smov.u32 s14;
	s12 =	sadd.s32 $0xA, s14  }
0x35: {  	[tilespmem:s8], [sflag:$0x1] =	stream.linear.gather [hbm4b:s15+s2], $0x50, $0x38;
	[tilespmem:$0x13980] =	vst v63  }
0x36: {  	p0 =	sne.s32 s14, $0x4D8;
	_ =	swait.ge [sflag:s7], $0x50  }
0x37: {  	[sflag:s7] =	ssyncset.done $0x0  }
0x38: {  	[sflag:s7] =	ssyncadd.s32 $0xFFFFFFB0  }
0x39: {  	v0 =	vld [tilespmem:$0x13880];
	_ =	sdelay $0x7  }
0x3a: {  	v0 =	vld.idx.msk [tilespmem:v0+s2+$0x0], $0xffff;
	_ =	sdelay $0x5  }
0x3b: {  	v0 =	vmax.f32 v0, $1.000000000e+00  }
0x3c: {  	(erf) = vrcp.f32 v0;
	_ =	sdelay $0x2  }
0x3d: {  	v0 =	vld [tilespmem:$0x13890];
	_ =	sdelay $0x5  }
0x3e: {  	v1 =	vpop (erf)  }
0x3f: {  	[tilespmem:$0x13900] =	vst v1  }
0x40: {  	v0 =	vld.idx.msk [tilespmem:v0+s2+$0x0], $0xffff;
	_ =	sdelay $0x5  }
0x41: {  	v0 =	vmax.f32 v0, $1.000000000e+00  }
0x42: {  	(erf) = vrcp.f32 v0;
	_ =	sdelay $0x2  }
0x43: {  	v0 =	vld [tilespmem:$0x138A0];
	_ =	sdelay $0x5  }
0x44: {  	v1 =	vpop (erf)  }
0x45: {  	[tilespmem:$0x13910] =	vst v1  }
0x46: {  	v0 =	vld.idx.msk [tilespmem:v0+s2+$0x0], $0xffff;
	_ =	sdelay $0x5  }
0x47: {  	v0 =	vmax.f32 v0, $1.000000000e+00  }
0x48: {  	(erf) = vrcp.f32 v0;
	_ =	sdelay $0x2  }
0x49: {  	v0 =	vld [tilespmem:$0x138B0];
	_ =	sdelay $0x5  }
0x4a: {  	v1 =	vpop (erf)  }
0x4b: {  	[tilespmem:$0x13920] =	vst v1  }
0x4c: {  	v0 =	vld.idx.msk [tilespmem:v0+s2+$0x0], $0xffff;
	_ =	sdelay $0x5  }
0x4d: {  	v0 =	vmax.f32 v0, $1.000000000e+00  }
0x4e: {  	(erf) = vrcp.f32 v0;
	_ =	sdelay $0x2  }
0x4f: {  	v0 =	vld [tilespmem:$0x138C0];
	_ =	sdelay $0x5  }
0x50: {  	v1 =	vpop (erf)  }
0x51: {  	[tilespmem:$0x13930] =	vst v1  }
0x52: {  	v0 =	vld.idx.msk [tilespmem:v0+s2+$0x0], $0xffff;
	_ =	sdelay $0x5  }
0x53: {  	v0 =	vmax.f32 v0, $1.000000000e+00  }
0x54: {  	(erf) = vrcp.f32 v0;
	_ =	sdelay $0x8  }
.Ltmp0:
0x55: {  	v0 =	vpop (erf);
	(pc) =	sbr.rel @p0 .LBB2_2-.Ltmp0, $4  }
0x56: {  	s14 =	sadd.s32 s11, s5;
	s11 =	smov.u32 s13;
	[tilespmem:$0x13940] =	vst v0  }
0x57: {  	[hbm4b:s14+s2] =	stream.linear.scatter [tilespmem:s9], [sflag:$0x1], $0x50, $0x38;
	[tilespmem:$0x13980] =	vst v63  }
0x58: {  	_ =	swait.ge [sflag:s7], $0x50  }
0x59: {  	s14 =	smov.u32 s12;
	[sflag:s7] =	ssyncset.done $0x0  }
0x5a: {  	s12 =	sadd.s32 s11, s6;
	[sflag:s7] =	ssyncadd.s32 $0xFFFFFFB0  }
0x5b: {  	[tilespmem:s8], [sflag:$0x1] =	stream.linear.gather [hbm4b:s12+s2], $0x50, $0x38;
	[tilespmem:$0x13980] =	vst v63  }
0x5c: {  	_ =	swait.ge [sflag:s7], $0x50  }
0x5d: {  	[sflag:s7] =	ssyncset.done $0x0  }
0x5e: {  	[sflag:s7] =	ssyncadd.s32 $0xFFFFFFB0  }
0x5f: {  	v0 =	vld [tilespmem:$0x13880];
	_ =	sdelay $0x7  }
0x60: {  	v0 =	vld.idx.msk [tilespmem:v0+s2+$0x0], $0xffff;
	_ =	sdelay $0x4  }
0x61: {  	v0 =	vmax.f32 v0, $1.000000000e+00  }
0x62: {  	(erf) = vrcp.f32 v0;
	_ =	sdelay $0x2  }
0x63: {  	v57 =	vld [tilespmem:$0x13890];
	_ =	sdelay $0x5  }
0x64: {  	v1 =	vpop (erf)  }
0x65: {  	[tilespmem:$0x13900] =	vst v1  }
0x66: {  	v0 =	vld.idx.msk [tilespmem:v57+s2+$0x0], $0xffff;
	_ =	sdelay $0x4  }
0x67: {  	v0 =	vmax.f32 v0, $1.000000000e+00  }
0x68: {  	(erf) = vrcp.f32 v0;
	_ =	sdelay $0x2  }
0x69: {  	v58 =	vld [tilespmem:$0x138A0];
	_ =	sdelay $0x5  }
0x6a: {  	v59 =	vpop (erf)  }
0x6b: {  	[tilespmem:$0x13910] =	vst v59  }
0x6c: {  	v0 =	vld.idx.msk [tilespmem:v58+s2+$0x0], $0xffff;
	_ =	sdelay $0x4  }
0x6d: {  	v0 =	vmax.f32 v0, $1.000000000e+00  }
0x6e: {  	(erf) = vrcp.f32 v0;
	_ =	sdelay $0x2  }
0x6f: {  	v60 =	vld [tilespmem:$0x138B0];
	_ =	sdelay $0x5  }
0x70: {  	v61 =	vpop (erf)  }
0x71: {  	[tilespmem:$0x13920] =	vst v61  }
0x72: {  	v0 =	vld.idx.msk [tilespmem:v60+s2+$0x0], $0xffff;
	_ =	sdelay $0x4  }
0x73: {  	v0 =	vmax.f32 v0, $1.000000000e+00  }
0x74: {  	(erf) = vrcp.f32 v0;
	_ =	sdelay $0x2  }
0x75: {  	v62 =	vld [tilespmem:$0x138C0];
	_ =	sdelay $0x5  }
0x76: {  	v63 =	vpop (erf)  }
0x77: {  	[tilespmem:$0x13930] =	vst v63  }
0x78: {  	v0 =	vld.idx.msk [tilespmem:v62+s2+$0x0], $0xffff;
	_ =	sdelay $0x4  }
0x79: {  	v0 =	vmax.f32 v0, $1.000000000e+00  }
0x7a: {  	(erf) = vrcp.f32 v0;
	_ =	sdelay $0x7  }
0x7b: {  	s10 =	sadd.s32 $0x1, s10  }
0x7c: {  	p0 =	sne.s32 s10, s4;
	v0 =	vpop (erf)  }
.Ltmp1:
0x7d: {  	s31 =	sadd.s32 s11, s5;
	[tilespmem:$0x13940] =	vst v0;
	(pc) =	sbr.rel @p0 .LBB2_1-.Ltmp1, $4  }
0x7e: {  	[hbm4b:s31+s2] =	stream.linear.scatter [tilespmem:s9], [sflag:$0x1], $0x50, $0x38;
	[tilespmem:$0x13980] =	vst v63  }
0x7f: {  	_ =	swait.ge [sflag:s7], $0x50  }
0x80: {  	[sflag:s7] =	ssyncset.done $0x0  }
0x81: {  	[sflag:s7] =	ssyncadd.s32 $0xFFFFFFB0  }
0x82: {  	_ =	sfence.sel $0x180000  }
0x83: {  	[bflag:$0x0] =	sbarrier.arrive $0xFFFF  }
0x84: {  	p0 =	sne.s32 s0, $0x0;
	_ =	strace $0x9000004A  }
0x85: {  	s0 =	sadd.s32 @!p0 $0x100000, s1;
	[bflag:$0x2] =	sbarrier.arrive $0xFFFF  }
0x86: {  	[sflag:s0] =	ssyncadd.tile.s32 @!p0 $0x1;
	_ =	shalt  }
.Lfunc_end2:
_tile_overlayer_lowered:
.L_overlay_start_2:
0x87: {  	(tag) =	ssettag $0x2  }
0x88: {  	s0 =	rddreg [dreg:$0x0];
	s2 =	stileid.u32  }
0x89: {  	s1 =	rddreg [dreg:$0x1];
	p0 =	sne.s32 s2, $0x0  }
0x8a: {  	s3 =	rddreg [dreg:$0x2];
	[bflag:$0x3] =	sbarrier.arrive $0xFFFF;
	s2 =	simm.s32 @!p0 $0x1C01  }
0x8b: {  	[timem:s3], [sflag:s2] =	dma.local @!p0 [hbm:s0], s1  }
0x8c: {  	s0 =	simm.s32 @!p0 $0x1  }
0x8d: {  	_ =	swait.ge @!p0 [sflag:s0], s1  }
0x8e: {  	s1 =	ssub.s32 @!p0 $0x0, s1;
	[sflag:s0] =	ssyncset.done @!p0 $0x0  }
0x8f: {  	[sflag:s0] =	ssyncadd.s32 @!p0 s1  }
0x90: {  	[bflag:$0x3] =	sbarrier.arrive $0xFFFF  }
0x91: {  	_ =	shalt  }

// kernel: kernel.15.cloned.1.call-start
scs
__scs_entry_jumppad:
0x0: {  	(pc) =	sbr.rel $0x88, $3  }
0x1: {  	(tag) =	ssettag $0x0;
	lr =	simm.s32 $0x1  }
0x2: {  	[smem:$0x3F94] =	sst lr;
	_ =	strace $0xD0000000  }
0x3: {  	_ = 	snop  }
0x4: {  	_ = 	snop  }
0x5: {  	_ = 	snop  }
0x6: {  	_ = 	snop  }
0x7: {  	_ = 	snop  }
__scs_overlays_trampoline_lowered:
0x8: {  	[smem:$0x3FA3] =	sst s0  }
0x9: {  	[smem:$0x3FA4] =	sst s1  }
0xa: {  	[smem:$0x3FA5] =	sst s2  }
0xb: {  	[smem:$0x3FA6] =	sst s3  }
0xc: {  	[smem:$0x3FA7] =	sst s4  }
0xd: {  	[smem:$0x3FA8] =	sst s5  }
0xe: {  	[smem:$0x3FA9] =	sst s6  }
0xf: {  	[smem:$0x3FAA] =	sst s7  }
0x10: {  	[smem:$0x3FAB] =	sst s8  }
0x11: {  	[smem:$0x3FAC] =	sst s9;
	s0 =	simm.s32 @!p0 $0x0  }
0x12: {  	s1 =	sld [smem:$0x3F92];
	s0 =	simm.s32 @p0 $0x1  }
0x13: {  	[smem:$0x3FAD] =	sst s0;
	s0 =	simm.s32 @!p1 $0x0  }
0x14: {  	s2 =	sld [smem:$0x3F91];
	s0 =	simm.s32 @p1 $0x1  }
0x15: {  	[smem:$0x3FAE] =	sst s0;
	s0 =	simm.s32 @!p2 $0x0  }
0x16: {  	s3 =	sld [smem:$0x3FDB];
	s0 =	simm.s32 @p2 $0x1  }
0x17: {  	s4 =	simm.s32 $0x1BF5;
	[smem:$0x3FB0] =	sst s0  }
0x18: {  	s0 =	sld [smem:$0x3F93];
	_ =	swait.ge [sflag:s4], $0x0  }
0x19: {  	s7 =	sld [smem:$0x3F94]  }
0x1a: {  	s8 =	sadd.s32 $0xFFFFE003, lr  }
0x1b: {  	s9 =	sadd.s32 $0xFFFFFEF7, lr;
	s5 =	simm.s32 $0xFFFFFFFF;
	p2 =	slt.u32 s8, $0xFFFFF086  }
0x1c: {  	p1 =	slt.u32 s9, $0xF7A;
	s5 =	simm.s32 @!p2 $0x0  }
0x1d: {  	s5 =	simm.s32 @p1 $0x1;
	p0 =	seq.s32 s7, s2  }
0x1e: {  	s7 =	smul.u32 @!p0 $0xF7A, s2;
	p2 =	seq.s32 @!p0 s5, $0x0  }
0x1f: {  	s9 =	smul.u32 $0xF7A, s1;
	s8 =	simm.s32 @!p0 $0x1BF5;
	p2 =	por !p2, p0  }
0x20: {  	[sflag:s8] =	ssyncset.s32 @!p0 $0xFFFFF086;
	s6 =	sadd.s32 @!p0 s3, s7;
	s7 =	simm.s32 @!p0 $0x108  }
0x21: {  	s3 =	sadd.s32 s3, s9;
	s6 =	sadd.s32 @!p0 $0x88, s6;
	s7 =	simm.s32 @p2 $0x1082  }
0x22: {  	[simem:s7], [sflag:s8] =	dma.local @!p0 [hbm:s6], $0xF7A  }
0x23: {  	s9 =	sor.u32 $0xD0000000, s2;
	s6 =	simm.s32 $0x108;
	_ =	swait.ge @!p0 [sflag:s8], $0x0  }
0x24: {  	s3 =	sadd.s32 $0x88, s3;
	s6 =	simm.s32 @!p1 $0x1082;
	[sflag:s4] =	ssyncset.s32 $0xFFFFF086  }
0x25: {  	[simem:s6], [sflag:s4] =	dma.local [hbm:s3], $0xF7A  }
0x26: {  	[smem:$0x3F94] =	sst s1;
	(tag) =	ssettag s2;
	_ =	strace s9  }
0x27: {  	s1 =	sld [smem:$0x3FA4]  }
0x28: {  	s2 =	sld [smem:$0x3FA5]  }
0x29: {  	s4 =	sld [smem:$0x3FA7]  }
0x2a: {  	p0 =	seq.s32 s5, $0x0;
	s5 =	sld [smem:$0x3FA8]  }
0x2b: {  	s6 =	sld [smem:$0x3FA9]  }
0x2c: {  	s7 =	sld [smem:$0x3FAA]  }
0x2d: {  	s3 =	simm.s32 $0x108;
	s8 =	sld [smem:$0x3FAB]  }
0x2e: {  	s3 =	simm.s32 @!p0 $0x1082;
	s9 =	sld [smem:$0x3FAC]  }
0x2f: {  	lr =	sadd.s32 s0, s3;
	s0 =	sld [smem:$0x3FA3]  }
0x30: {  	s3 =	sld [smem:$0x3FA6]  }
0x31: {  	[smem:$0x3FAF] =	sst s10  }
0x32: {  	s10 =	sld [smem:$0x3FAD];
	_ =	sdelay $0x3  }
0x33: {  	p0 =	seq.s32 s10, $0x1;
	s10 =	sld [smem:$0x3FAF];
	_ =	sdelay $0x3  }
0x34: {  	[smem:$0x3FAF] =	sst s10  }
0x35: {  	s10 =	sld [smem:$0x3FAE];
	_ =	sdelay $0x3  }
0x36: {  	p1 =	seq.s32 s10, $0x1;
	s10 =	sld [smem:$0x3FAF];
	_ =	sdelay $0x3  }
0x37: {  	[smem:$0x3FAF] =	sst s10  }
0x38: {  	s10 =	sld [smem:$0x3FB0]  }
0x39: {  	_ = 	snop;
	(pc) =	sbr.ind lr, $3  }
0x3a: {  	_ = 	snop  }
0x3b: {  	_ = 	snop  }
0x3c: {  	p2 =	seq.s32 s10, $0x1;
	s10 =	sld [smem:$0x3FAF]  }
0x3d: {  	_ =	shalt  }
0x3e: {  	_ =	shalt  }
0x3f: {  	_ =	shalt  }
0x40: {  	_ =	shalt  }
0x41: {  	_ =	shalt  }
0x42: {  	_ =	shalt  }
0x43: {  	_ =	shalt  }
0x44: {  	_ =	shalt  }
0x45: {  	_ =	shalt  }
0x46: {  	_ =	shalt  }
0x47: {  	_ =	shalt  }
0x48: {  	_ =	shalt  }
0x49: {  	_ =	shalt  }
0x4a: {  	_ =	shalt  }
0x4b: {  	_ =	shalt  }
0x4c: {  	_ =	shalt  }
0x4d: {  	_ =	shalt  }
0x4e: {  	_ =	shalt  }
0x4f: {  	_ =	shalt  }
0x50: {  	_ =	shalt  }
0x51: {  	_ =	shalt  }
0x52: {  	_ =	shalt  }
0x53: {  	_ =	shalt  }
0x54: {  	_ =	shalt  }
0x55: {  	_ =	shalt  }
0x56: {  	_ =	shalt  }
0x57: {  	_ =	shalt  }
0x58: {  	_ =	shalt  }
0x59: {  	_ =	shalt  }
0x5a: {  	_ =	shalt  }
0x5b: {  	_ =	shalt  }
0x5c: {  	_ =	shalt  }
0x5d: {  	_ =	shalt  }
0x5e: {  	_ =	shalt  }
0x5f: {  	_ =	shalt  }
0x60: {  	_ =	shalt  }
0x61: {  	_ =	shalt  }
0x62: {  	_ =	shalt  }
0x63: {  	_ =	shalt  }
0x64: {  	_ =	shalt  }
0x65: {  	_ =	shalt  }
0x66: {  	_ =	shalt  }
0x67: {  	_ =	shalt  }
0x68: {  	_ =	shalt  }
0x69: {  	_ =	shalt  }
0x6a: {  	_ =	shalt  }
0x6b: {  	_ =	shalt  }
0x6c: {  	_ =	shalt  }
0x6d: {  	_ =	shalt  }
0x6e: {  	_ =	shalt  }
0x6f: {  	_ =	shalt  }
0x70: {  	_ =	shalt  }
0x71: {  	_ =	shalt  }
0x72: {  	_ =	shalt  }
0x73: {  	_ =	shalt  }
0x74: {  	_ =	shalt  }
0x75: {  	_ =	shalt  }
0x76: {  	_ =	shalt  }
0x77: {  	_ =	shalt  }
0x78: {  	_ =	shalt  }
0x79: {  	_ =	shalt  }
0x7a: {  	_ =	shalt  }
0x7b: {  	_ =	shalt  }
0x7c: {  	_ =	shalt  }
0x7d: {  	_ =	shalt  }
0x7e: {  	_ =	shalt  }
0x7f: {  	_ =	shalt  }
0x80: {  	_ =	shalt  }
0x81: {  	_ =	shalt  }
0x82: {  	_ =	shalt  }
0x83: {  	_ =	shalt  }
0x84: {  	_ =	shalt  }
0x85: {  	_ =	shalt  }
0x86: {  	_ =	shalt  }
0x87: {  	_ =	shalt  }
.Lfunc_end0:
.L_simem_size_0:
called_computation.2_lowered:
.L_overlay_start_0:
0x88: {  	s2 =	sld [smem:$0x3FD9]  }
0x89: {  	s3 =	sld [smem:$0x3FFE];
	_ =	sdelay $0x1  }
0x8a: {  	s1 =	srdreg.scid  }
0x8b: {  	s0 =	sand.u32 $0x1, s1  }
0x8c: {  	s16 =	sshll.u32 s0, $0xA;
	s2 =	sadd.s32 s3, s2  }
0x8d: {  	s2 =	sadd.s32 s2, s16  }
0x8e: {  	[smem:$0x3FBB] =	sst s2  }
0x8f: {  	_ = 	snop  }
0x90: {  	(tm) =	ssettm $0x1  }
0x91: {  	s17 =	sld [smem:$0x3FFB];
	_ =	sdelay $0x3  }
0x92: {  	_ =	strace s17  }
0x93: {  	s2 =	sld [smem:$0x3FFC];
	_ =	sdelay $0x3  }
0x94: {  	_ =	strace s2  }
0x95: {  	s2 =	sld [smem:$0x3FFD];
	_ =	sdelay $0x3  }
0x96: {  	_ =	strace s2  }
0x97: {  	_ =	strace $0x8FFFFFFF  }
0x98: {  	s18 =	sld [smem:$0x3FDB];
	_ =	sdelay $0x1  }
0x99: {  	s19 =	simm.s32 $_scs_section_size  }
0x9a: {  	s4 =	simm.s32 $_size__tile_overlayer_lowered;
	s5 =	simm.s32 $_tile_overlayer_lowered  }
0x9b: {  	s22 =	simm.s32 $0x1BFF;
	s21 =	sshll.u32 s5, $0x1;
	s2 =	sadd.s32 s19, s18  }
0x9c: {  	s6 =	simm.s32 $0x0;
	s20 =	sshll.u32 s4, $0x1;
	s4 =	sadd.s32 s21, s2  }
0x9d: {  	[timem:s6], [sflag:s22] =	dma.local [hbm:s4], s20  }
0x9e: {  	_ =	swait.ge [sflag:s22], s20  }
0x9f: {  	s3 =	ssub.s32 $0x0, s20;
	[sflag:s22] =	ssyncset.done $0x0  }
0xa0: {  	[sflag:s22] =	ssyncadd.s32 s3;
	_ =	sdelay $0x1  }
0xa1: {  	s23 =	simm.s32 $0x1B8B  }
0xa2: {  	_ =	swait.ge [sflag:s23], $0x1  }
0xa3: {  	[sflag:s23] =	ssyncset.done $0x0  }
0xa4: {  	s25 =	simm.s32 $0x1B8E;
	s24 =	sld [smem:$0x3FFE];
	[sflag:s23] =	ssyncadd.s32 $0xFFFFFFFF  }
0xa5: {  	s26 =	simm.s32 $execute0_lowered;
	[smem:$0x3FD2] =	sst s25  }
0xa6: {  	s4 =	sshll.u32 s26, $0x1;
	_ =	strace $0x8000004C;
	[dreg:$0x1] =	wrdreg $0xFFFFFFFF  }
0xa7: {  	s28 =	simm.s32 $_size_execute0_lowered;
	s2 =	sadd.s32 s2, s4;
	[dreg:$0x0] =	wrdreg $0x0  }
0xa8: {  	s4 =	sshll.u32 s28, $0x1;
	[dreg:$0x2] =	wrdreg s2  }
0xa9: {  	[dreg:$0x3] =	wrdreg s4  }
0xaa: {  	[dreg:$0x4] =	wrdreg $0xC0  }
0xab: {  	_ =	task [dreg:s6], $0x5FFFF  }
0xac: {  	[dreg:$0x1] =	wrdreg $0xFFFFFFFF  }
0xad: {  	[dreg:$0x0] =	wrdreg $0x60  }
0xae: {  	[dreg:$0x2] =	wrdreg s24  }
0xaf: {  	[dreg:$0x3] =	wrdreg $0x69800  }
0xb0: {  	[dreg:$0x4] =	wrdreg $0x9  }
0xb1: {  	_ =	task.clear_ibuf [dreg:s6], $0x5FFFF;
	_ =	strace $0x9000004C  }
0xb2: {  	s29 =	simm.s32 $0x9;
	_ =	strace $0x8000004E  }
0xb3: {  	_ =	swait.ge [sflag:s29], $0x1  }
0xb4: {  	[sflag:s29] =	ssyncadd.s32 $0xFFFFFFFF  }
0xb5: {  	_ =	strace $0x9000004E  }
0xb6: {  	_ =	sfence  }
0xb7: {  	s30 =	sld [smem:$0x0];
	_ =	sdelay $0x2  }
0xb8: {  	s31 =	sshll.u32 s1, $0xD;
	s1 =	sshrl.u32 s1, $0x2  }
0xb9: {  	s3 =	sand.u32 $0x4000, s31;
	s1 =	sadd.s32 s1, s30  }
0xba: {  	s0 =	sor.u32 s3, s0;
	s1 =	sshll.u32 s1, $0x11  }
0xbb: {  	s0 =	sor.u32 s1, s0  }
0xbc: {  	s0 =	sadd.s32 $0x8F2B, s0  }
0xbd: {  	[sflag:s0] =	ssyncadd.remote.s32 $0x1  }
0xbe: {  	_ =	sfence.sel $0xFFFF  }
0xbf: {  	[dreg:$0x0] =	wrdreg $0xFFFFFFFF;
	(pc) =	sbr.abs _section_cstart, $3  }
0xc0: {  	[dreg:$0x1] =	wrdreg $0xFFFFFFFF  }
0xc1: {  	_ =	task.clear_ibuf [dreg:s6], $0x2FFFF;
	_ =	strace $0x9FFFFFFF  }
0xc2: {  	(tm) =	ssettm $0x7FFFFFFF  }
0xc3: {  	_ =	shalt  }
tec
execute0_lowered:
.L_overlay_start_1:
0x0: {  	(tag) =	ssettag $0x1  }
0x1: {  	s0 =	rddreg [dreg:$0x0]  }
0x2: {  	s1 =	rddreg [dreg:$0x1];
	s2 =	simm.s32 $0x0  }
0x3: {  	s3 =	srdreg.scid;
	s12 =	stileid.u32;
	s28 =	simm.s32 $0x100  }
0x4: {  	s29 =	simm.s32 $0x50;
	s30 =	simm.s32 $0x180;
	s31 =	simm.s32 $0x1  }
0x5: {  	[smem:$0x7FF] =	sst s2;
	s4 =	sadd.s32 $0x2D600, s0;
	s5 =	sadd.s32 $0x17200, s0  }
0x6: {  	s3 =	sand.u32 $0x1, s3;
	s6 =	sadd.s32 $0x3600, s0;
	s9 =	smul.u32 $0x50000, s12  }
0x7: {  	s7 =	sadd.s32 $0x23800, s0;
	s0 =	sadd.s32 $0x165E00, s0;
	s11 =	smul.u32 $0x280, s12  }
0x8: {  	s23 =	sshll.u32 s12, $0x1;
	_ =	strace $0x8000004D;
	s8 =	ssub.s32 $0x2, s3  }
0x9: {  	s12 =	smul.u32 $0x2800, s3;
	s3 =	sor.u32 s3, s23;
	s10 =	sshrl.u32 s8, $0x1  }
0xa: {  	s22 =	sshrl.u32 s9, $0x2;
	s16 =	sadd.s32 $0x80, s11;
	s18 =	sadd.s32 $0x100, s11  }
0xb: {  	s21 =	sadd.s32 $0x180, s11;
	s10 =	ssub.s32 s8, s10;
	s8 =	sadd.s32 s22, s1  }
0xc: {  	s14 =	sadd.s32 s12, s11;
	s17 =	sadd.s32 s12, s16;
	s9 =	sshll.u32 s16, $0x7  }
0xd: {  	s19 =	sadd.s32 s12, s18;
	s20 =	sshll.u32 s18, $0x7;
	s22 =	sshll.u32 s21, $0x7  }
0xe: {  	s23 =	sadd.s32 s12, s21;
	s24 =	sadd.s32 $0x4000, s8;
	s25 =	sadd.s32 $0x8000, s8  }
0xf: {  	s26 =	sadd.s32 $0xC000, s8;
	s13 =	sadd.s32 $0x10000, s8;
	[dreg:$0x3] =	wrdreg s24  }
0x10: {  	s15 =	sshll.u32 s14, $0x4;
	s10 =	smax.u32 s10, $0x1;
	[dreg:$0x4] =	wrdreg s25  }
0x11: {  	s16 =	sadd.s32 s9, s1;
	s18 =	sadd.s32 s20, s1;
	[dreg:$0x5] =	wrdreg s26  }
0x12: {  	s20 =	sadd.s32 s22, s1;
	[dreg:$0x6] =	wrdreg s13;
	s13 =	smul.u32 $0x2710, s3  }
0x13: {  	[dreg:$0x7] =	wrdreg s10;
	s15 =	sadd.s32 s0, s15;
	s3 =	sshll.u32 s17, $0x4  }
0x14: {  	s24 =	sadd.s32 $0x200, s11;
	s17 =	sadd.s32 s0, s3;
	s3 =	sshll.u32 s19, $0x4  }
0x15: {  	s25 =	sshll.u32 s24, $0x7;
	s9 =	sadd.s32 s12, s24;
	s24 =	simm.s32 $0x2980  }
0x16: {  	s19 =	sadd.s32 s0, s3;
	s3 =	sshll.u32 s23, $0x4;
	s22 =	sadd.s32 s25, s1  }
0x17: {  	s26 =	sshll.u32 s9, $0x4;
	s25 =	simm.s32 $0x2;
	s21 =	sadd.s32 s0, s3  }
0x18: {  	v0 =	vimm.f32 $0.0e+00;
	s23 =	sadd.s32 s0, s26;
	s26 =	simm.s32 $0x80;
	s0 =	simm.s32 $0x0  }
.LBB2_1:
0x19: {  	s3 =	sand.u32 $0xFE00, s2  }
0x1a: {  	s9 =	sand.u32 $0x70, s2;
	s10 =	sshrl.u32 s3, $0x2  }
0x1b: {  	s3 =	simm.s32 $0x40;
	s10 =	sor.u32 s9, s10;
	s9 =	simm.s32 $0x0  }
.LBB2_2:
0x1c: {  	p0 =	sne.s32 s3, $0xFFC0  }
0x1d: {  	[tilespmem:s10+$0x2980] =	vst v0;
	s9 =	sadd.s32 $0x10, s9;
	s10 =	smov.u32 s3;
	s3 =	sadd.s32 $0x40, s3  }
.Ltmp0:
0x1e: {  	(pc) =	sbr.rel @p0 .LBB2_2-.Ltmp0, $4  }
0x1f: {  	_ = 	snop  }
0x20: {  	s10 =	sand.u32 $0xFE00, s10  }
0x21: {  	s11 =	sand.u32 $0x70, s9;
	s10 =	sshrl.u32 s10, $0x2  }
0x22: {  	s10 =	sor.u32 s11, s10  }
0x23: {  	[tilespmem:s10+$0x2980] =	vst v0  }
0x24: {  	[spmem:s8] =	stream.linear.scatter [tilespmem:s24], [sflag:$0x2], $0x4000, $0x38;
	[tilespmem:$0x1A980] =	vst v63  }
0x25: {  	_ =	swait.ge [sflag:s25], $0x4000  }
0x26: {  	[sflag:s25] =	ssyncset.done $0x0  }
0x27: {  	s3 =	rddreg [dreg:$0x3];
	[sflag:s25] =	ssyncadd.s32 $0xFFFFC000  }
0x28: {  	[spmem:s3] =	stream.linear.scatter [tilespmem:s24], [sflag:$0x2], $0x4000, $0x38;
	[tilespmem:$0x1A980] =	vst v63  }
0x29: {  	_ =	swait.ge [sflag:s25], $0x4000  }
0x2a: {  	[sflag:s25] =	ssyncset.done $0x0  }
0x2b: {  	s11 =	rddreg [dreg:$0x4];
	[sflag:s25] =	ssyncadd.s32 $0xFFFFC000  }
0x2c: {  	[spmem:s11] =	stream.linear.scatter [tilespmem:s24], [sflag:$0x2], $0x4000, $0x38;
	[tilespmem:$0x1A980] =	vst v63  }
0x2d: {  	_ =	swait.ge [sflag:s25], $0x4000  }
0x2e: {  	[sflag:s25] =	ssyncset.done $0x0  }
0x2f: {  	s12 =	rddreg [dreg:$0x5];
	[sflag:s25] =	ssyncadd.s32 $0xFFFFC000  }
0x30: {  	[spmem:s12] =	stream.linear.scatter [tilespmem:s24], [sflag:$0x2], $0x4000, $0x38;
	[tilespmem:$0x1A980] =	vst v63  }
0x31: {  	_ =	swait.ge [sflag:s25], $0x4000  }
0x32: {  	[sflag:s25] =	ssyncset.done $0x0  }
0x33: {  	s14 =	rddreg [dreg:$0x6];
	[sflag:s25] =	ssyncadd.s32 $0xFFFFC000  }
0x34: {  	[spmem:s14] =	stream.linear.scatter [tilespmem:s24], [sflag:$0x2], $0x4000, $0x38;
	[tilespmem:$0x1A980] =	vst v63  }
0x35: {  	_ =	swait.ge [sflag:s25], $0x4000  }
0x36: {  	[sflag:s25] =	ssyncset.done $0x0  }
0x37: {  	[sflag:s25] =	ssyncadd.s32 $0xFFFFC000  }
0x38: {  	s9 =	simm.s32 $0x0;
	s3 =	simm.s32 $0x0;
	[bflag:$0x0] =	sbarrier.arrive $0xFFFF  }
.LBB2_4:
0x39: {  	s10 =	smul.u32 $0x50, s9;
	_ =	sdelay $0x1  }
0x3a: {  	s10 =	sadd.s32 s13, s10  }
0x3b: {  	s10 =	sshrl.u32 s10, $0x3  }
0x3c: {  	s11 =	sadd.s32 s5, s10  }
0x3d: {  	[tilespmem:s3], [sflag:$0x2] =	stream.linear.gather [hbm4b:s11+s3], $0x50, $0x38;
	[tilespmem:$0x1A980] =	vst v63  }
0x3e: {  	_ =	swait.ge [sflag:s25], $0x50  }
0x3f: {  	[sflag:s25] =	ssyncset.done $0x0  }
0x40: {  	s14 =	sadd.s32 s6, s10;
	[sflag:s25] =	ssyncadd.s32 $0xFFFFFFB0  }
0x41: {  	[tilespmem:s26], [sflag:$0x2] =	stream.linear.gather [hbm4b:s14+s3], $0x50, $0x38;
	[tilespmem:$0x1A980] =	vst v63  }
0x42: {  	_ =	swait.ge [sflag:s25], $0x50  }
0x43: {  	[sflag:s25] =	ssyncset.done $0x0  }
0x44: {  	s10 =	sadd.s32 s7, s10;
	[sflag:s25] =	ssyncadd.s32 $0xFFFFFFB0  }
0x45: {  	[tilespmem:s28], [sflag:$0x2] =	stream.linear.gather [hbm4b:s10+s3], $0x50, $0x38;
	[tilespmem:$0x1A980] =	vst v63  }
0x46: {  	_ =	swait.ge [sflag:s25], $0x50  }
0x47: {  	[sflag:s25] =	ssyncset.done $0x0  }
0x48: {  	[sflag:s25] =	ssyncadd.s32 $0xFFFFFFB0  }
0x49: {  	[tilespmem:s30], [sflag:$0x1] =	stream.indirect.gather [hbm4b:s4+s29], $0x80, s3, s29, $0xb8;
	[tilespmem:$0x1A980] =	vst v63  }
0x4a: {  	_ =	swait.ge [sflag:s31], $0x2800  }
0x4b: {  	v1 =	vmov s3;
	[sflag:s31] =	ssyncset.done $0x0  }
0x4c: {  	s10 =	simm.s32 $0x1C0;
	[sflag:s31] =	ssyncadd.s32 $0xFFFFD800  }
0x4d: {  	v5 =	vld [tilespmem:s10+$0x30]  }
0x4e: {  	v8 =	vld [tilespmem:s10+$0x10]  }
0x4f: {  	v6 =	vld [tilespmem:s10+$0xFFFFFFC0]  }
0x50: {  	v2 =	vld.idx.msk [tilespmem:v1+s28+$0x0], $0xffff  }
0x51: {  	v10 =	vld [tilespmem:s10+$0xFFFFFFE0]  }
0x52: {  	v1 =	vld [tilespmem:s10+$0xFFFFFFF0]  }
0x53: {  	v3 =	vld [tilespmem:s10+$0x20]  }
0x54: {  	v4 =	vld [tilespmem:s10+$0xFFFFFFD0]  }
0x55: {  	v9 =	vmul.f32 v5, v2;
	v5 =	vld [tilespmem:s10+$0x0]  }
0x56: {  	v7 =	vmul.f32 v6, v2  }
0x57: {  	s12 =	simm.s32 $0x1C0;
	s11 =	simm.s32 $0x1;
	v6 =	vmul.f32 v10, v2;
	v8 =	vmul.f32 v8, v2  }
.LBB2_5:
0x58: {  	p0 =	sne.s32 s11, $0x4F  }
0x59: {  	v4 =	vmul.f32 v4, v2;
	v3 =	vmul.f32 v3, v2;
	[tilespmem:s10+$0x30] =	vst v9;
	s12 =	sadd.s32 $0x80, s12;
	s14 =	smov.u32 s11;
	s11 =	sadd.s32 $0x1, s11  }
0x5a: {  	[tilespmem:s10+$0xFFFFFFC0] =	vst v7;
	v7 =	vmul.f32 v1, v2;
	v2 =	vmul.f32 v5, v2  }
0x5b: {  	[tilespmem:s10+$0x10] =	vst v8  }
0x5c: {  	v5 =	vmov s14;
	[tilespmem:s10+$0xFFFFFFE0] =	vst v6  }
0x5d: {  	v1 =	vld [tilespmem:s12+$0xFFFFFFF0];
	[tilespmem:s10+$0xFFFFFFF0] =	vst v7  }
0x5e: {  	v6 =	vld [tilespmem:s12+$0x30];
	[tilespmem:s10+$0x0] =	vst v2  }
0x5f: {  	v8 =	vld [tilespmem:s12+$0x10];
	[tilespmem:s10+$0x20] =	vst v3  }
0x60: {  	v7 =	vld [tilespmem:s12+$0xFFFFFFC0];
	[tilespmem:s10+$0xFFFFFFD0] =	vst v4;
	s10 =	smov.u32 s12  }
0x61: {  	v2 =	vld.idx.msk [tilespmem:v5+s28+$0x0], $0xffff  }
0x62: {  	v10 =	vld [tilespmem:s12+$0xFFFFFFE0]  }
0x63: {  	v3 =	vld [tilespmem:s12+$0x20]  }
.Ltmp1:
0x64: {  	v4 =	vld [tilespmem:s12+$0xFFFFFFD0];
	(pc) =	sbr.rel @p0 .LBB2_5-.Ltmp1, $3  }
0x65: {  	v5 =	vld [tilespmem:s12+$0x0];
	_ =	sdelay $0x1  }
0x66: {  	v7 =	vmul.f32 v7, v2;
	v9 =	vmul.f32 v6, v2  }
0x67: {  	v8 =	vmul.f32 v8, v2;
	v6 =	vmul.f32 v10, v2  }
0x68: {  	[tilespmem:s10+$0x30] =	vst v9  }
0x69: {  	[tilespmem:s10+$0xFFFFFFC0] =	vst v7  }
0x6a: {  	v1 =	vmul.f32 v1, v2;
	[tilespmem:s10+$0x10] =	vst v8  }
0x6b: {  	v3 =	vmul.f32 v3, v2;
	[tilespmem:s10+$0xFFFFFFE0] =	vst v6  }
0x6c: {  	v5 =	vmul.f32 v5, v2;
	[tilespmem:s10+$0xFFFFFFF0] =	vst v1  }
0x6d: {  	s9 =	sadd.s32 $0x1, s9;
	v1 =	vmul.f32 v4, v2;
	[tilespmem:s10+$0x20] =	vst v3  }
0x6e: {  	p0 =	sne.s32 s9, $0x7D;
	[tilespmem:s10+$0x0] =	vst v5  }
.Ltmp2:
0x6f: {  	[tilespmem:s10+$0xFFFFFFD0] =	vst v1;
	(pc) =	sbr.rel @p0 .LBB2_4-.Ltmp2, $4  }
0x70: {  	[spmem:s1] =	stream.indirect.scatter.add.f32 [tilespmem:s30], [sflag:$0x2], $0x80, s26, s29, $0xb8;
	[tilespmem:$0x1A980] =	vst v63  }
0x71: {  	_ =	swait.ge [sflag:s25], $0x2800  }
0x72: {  	[sflag:s25] =	ssyncset.done $0x0  }
0x73: {  	[sflag:s25] =	ssyncadd.s32 $0xFFFFD800  }
0x74: {  	[bflag:$0x0] =	sbarrier.arrive $0xFFFF  }
0x75: {  	[tilespmem:s24], [sflag:$0x2] =	stream.linear.gather [spmem:s8], $0x4000, $0x38;
	[tilespmem:$0x1A980] =	vst v63  }
0x76: {  	_ =	swait.ge [sflag:s25], $0x4000  }
0x77: {  	[sflag:s25] =	ssyncset.done $0x0  }
0x78: {  	[sflag:s25] =	ssyncadd.s32 $0xFFFFC000  }
0x79: {  	[hbm4b:s15+s2] =	stream.linear.scatter [tilespmem:s24], [sflag:$0x2], $0x4000, $0x38;
	[tilespmem:$0x1A980] =	vst v63  }
0x7a: {  	_ =	swait.ge [sflag:s25], $0x4000  }
0x7b: {  	[sflag:s25] =	ssyncset.done $0x0  }
0x7c: {  	[sflag:s25] =	ssyncadd.s32 $0xFFFFC000  }
0x7d: {  	[tilespmem:s24], [sflag:$0x2] =	stream.linear.gather [spmem:s16], $0x4000, $0x38;
	[tilespmem:$0x1A980] =	vst v63  }
0x7e: {  	_ =	swait.ge [sflag:s25], $0x4000  }
0x7f: {  	[sflag:s25] =	ssyncset.done $0x0  }
0x80: {  	[sflag:s25] =	ssyncadd.s32 $0xFFFFC000  }
0x81: {  	[hbm4b:s17+s2] =	stream.linear.scatter [tilespmem:s24], [sflag:$0x2], $0x4000, $0x38;
	[tilespmem:$0x1A980] =	vst v63  }
0x82: {  	_ =	swait.ge [sflag:s25], $0x4000  }
0x83: {  	[sflag:s25] =	ssyncset.done $0x0  }
0x84: {  	[sflag:s25] =	ssyncadd.s32 $0xFFFFC000  }
0x85: {  	[tilespmem:s24], [sflag:$0x2] =	stream.linear.gather [spmem:s18], $0x4000, $0x38;
	[tilespmem:$0x1A980] =	vst v63  }
0x86: {  	_ =	swait.ge [sflag:s25], $0x4000  }
0x87: {  	[sflag:s25] =	ssyncset.done $0x0  }
0x88: {  	[sflag:s25] =	ssyncadd.s32 $0xFFFFC000  }
0x89: {  	[hbm4b:s19+s2] =	stream.linear.scatter [tilespmem:s24], [sflag:$0x2], $0x4000, $0x38;
	[tilespmem:$0x1A980] =	vst v63  }
0x8a: {  	_ =	swait.ge [sflag:s25], $0x4000  }
0x8b: {  	[sflag:s25] =	ssyncset.done $0x0  }
0x8c: {  	[sflag:s25] =	ssyncadd.s32 $0xFFFFC000  }
0x8d: {  	[tilespmem:s24], [sflag:$0x2] =	stream.linear.gather [spmem:s20], $0x4000, $0x38;
	[tilespmem:$0x1A980] =	vst v63  }
0x8e: {  	_ =	swait.ge [sflag:s25], $0x4000  }
0x8f: {  	[sflag:s25] =	ssyncset.done $0x0  }
0x90: {  	[sflag:s25] =	ssyncadd.s32 $0xFFFFC000  }
0x91: {  	[hbm4b:s21+s2] =	stream.linear.scatter [tilespmem:s24], [sflag:$0x2], $0x4000, $0x38;
	[tilespmem:$0x1A980] =	vst v63  }
0x92: {  	_ =	swait.ge [sflag:s25], $0x4000  }
0x93: {  	[sflag:s25] =	ssyncset.done $0x0  }
0x94: {  	[sflag:s25] =	ssyncadd.s32 $0xFFFFC000  }
0x95: {  	[tilespmem:s24], [sflag:$0x2] =	stream.linear.gather [spmem:s22], $0x4000, $0x38;
	[tilespmem:$0x1A980] =	vst v63  }
0x96: {  	_ =	swait.ge [sflag:s25], $0x4000  }
0x97: {  	[sflag:s25] =	ssyncset.done $0x0  }
0x98: {  	[sflag:s25] =	ssyncadd.s32 $0xFFFFC000  }
0x99: {  	[hbm4b:s23+s2] =	stream.linear.scatter [tilespmem:s24], [sflag:$0x2], $0x4000, $0x38;
	[tilespmem:$0x1A980] =	vst v63  }
0x9a: {  	_ =	swait.ge [sflag:s25], $0x4000  }
0x9b: {  	s0 =	sadd.s32 $0x1, s0;
	s3 =	rddreg [dreg:$0x7]  }
0x9c: {  	p0 =	sne.s32 s0, s3  }
.Ltmp3:
0x9d: {  	_ = 	snop;
	(pc) =	sbr.rel @p0 .LBB2_1-.Ltmp3, $3  }
0x9e: {  	_ =	sdelay $0x1  }
0x9f: {  	[sflag:s25] =	ssyncset.done $0x0  }
0xa0: {  	[sflag:s25] =	ssyncadd.s32 $0xFFFFC000  }
0xa1: {  	_ =	sfence.sel $0x180000  }
0xa2: {  	[bflag:$0x0] =	sbarrier.arrive $0xFFFF  }
0xa3: {  	_ =	strace $0x9000004D  }
0xa4: {  	s0 =	stileid.u32;
	[bflag:$0x2] =	sbarrier.arrive $0xFFFF  }
0xa5: {  	p0 =	sne.s32 s0, $0x0;
	s0 =	rddreg [dreg:$0x2]  }
0xa6: {  	s0 =	sadd.s32 @!p0 $0x100000, s0  }
0xa7: {  	[sflag:s0] =	ssyncadd.tile.s32 @!p0 $0x1;
	_ =	shalt  }
.Lfunc_end2:
_tile_overlayer_lowered:
.L_overlay_start_2:
0xa8: {  	(tag) =	ssettag $0x2  }
0xa9: {  	s0 =	rddreg [dreg:$0x0];
	s2 =	stileid.u32  }
0xaa: {  	s1 =	rddreg [dreg:$0x1];
	p0 =	sne.s32 s2, $0x0  }
0xab: {  	s3 =	rddreg [dreg:$0x2];
	[bflag:$0x3] =	sbarrier.arrive $0xFFFF;
	s2 =	simm.s32 @!p0 $0x1C02  }
0xac: {  	[timem:s3], [sflag:s2] =	dma.local @!p0 [hbm:s0], s1  }
0xad: {  	s0 =	simm.s32 @!p0 $0x2  }
0xae: {  	_ =	swait.ge @!p0 [sflag:s0], s1  }
0xaf: {  	s1 =	ssub.s32 @!p0 $0x0, s1;
	[sflag:s0] =	ssyncset.done @!p0 $0x0  }
0xb0: {  	[sflag:s0] =	ssyncadd.s32 @!p0 s1  }
0xb1: {  	[bflag:$0x3] =	sbarrier.arrive $0xFFFF  }
0xb2: {  	_ =	shalt  }

// kernel: kernel.18.cloned.1.call-start
scs
__scs_entry_jumppad:
0x0: {  	(pc) =	sbr.rel $0x88, $3  }
0x1: {  	(tag) =	ssettag $0x0;
	lr =	simm.s32 $0x1  }
0x2: {  	[smem:$0x3F94] =	sst lr;
	_ =	strace $0xD0000000  }
0x3: {  	_ = 	snop  }
0x4: {  	_ = 	snop  }
0x5: {  	_ = 	snop  }
0x6: {  	_ = 	snop  }
0x7: {  	_ = 	snop  }
__scs_overlays_trampoline_lowered:
0x8: {  	[smem:$0x3FA3] =	sst s0  }
0x9: {  	[smem:$0x3FA4] =	sst s1  }
0xa: {  	[smem:$0x3FA5] =	sst s2  }
0xb: {  	[smem:$0x3FA6] =	sst s3  }
0xc: {  	[smem:$0x3FA7] =	sst s4  }
0xd: {  	[smem:$0x3FA8] =	sst s5  }
0xe: {  	[smem:$0x3FA9] =	sst s6  }
0xf: {  	[smem:$0x3FAA] =	sst s7  }
0x10: {  	[smem:$0x3FAB] =	sst s8  }
0x11: {  	[smem:$0x3FAC] =	sst s9;
	s0 =	simm.s32 @!p0 $0x0  }
0x12: {  	s1 =	sld [smem:$0x3F92];
	s0 =	simm.s32 @p0 $0x1  }
0x13: {  	[smem:$0x3FAD] =	sst s0;
	s0 =	simm.s32 @!p1 $0x0  }
0x14: {  	s2 =	sld [smem:$0x3F91];
	s0 =	simm.s32 @p1 $0x1  }
0x15: {  	[smem:$0x3FAE] =	sst s0;
	s0 =	simm.s32 @!p2 $0x0  }
0x16: {  	s3 =	sld [smem:$0x3FDB];
	s0 =	simm.s32 @p2 $0x1  }
0x17: {  	s4 =	simm.s32 $0x1BF5;
	[smem:$0x3FB0] =	sst s0  }
0x18: {  	s0 =	sld [smem:$0x3F93];
	_ =	swait.ge [sflag:s4], $0x0  }
0x19: {  	s7 =	sld [smem:$0x3F94]  }
0x1a: {  	s8 =	sadd.s32 $0xFFFFE003, lr  }
0x1b: {  	s9 =	sadd.s32 $0xFFFFFEF7, lr;
	s5 =	simm.s32 $0xFFFFFFFF;
	p2 =	slt.u32 s8, $0xFFFFF086  }
0x1c: {  	p1 =	slt.u32 s9, $0xF7A;
	s5 =	simm.s32 @!p2 $0x0  }
0x1d: {  	s5 =	simm.s32 @p1 $0x1;
	p0 =	seq.s32 s7, s2  }
0x1e: {  	s7 =	smul.u32 @!p0 $0xF7A, s2;
	p2 =	seq.s32 @!p0 s5, $0x0  }
0x1f: {  	s9 =	smul.u32 $0xF7A, s1;
	s8 =	simm.s32 @!p0 $0x1BF5;
	p2 =	por !p2, p0  }
0x20: {  	[sflag:s8] =	ssyncset.s32 @!p0 $0xFFFFF086;
	s6 =	sadd.s32 @!p0 s3, s7;
	s7 =	simm.s32 @!p0 $0x108  }
0x21: {  	s3 =	sadd.s32 s3, s9;
	s6 =	sadd.s32 @!p0 $0x88, s6;
	s7 =	simm.s32 @p2 $0x1082  }
0x22: {  	[simem:s7], [sflag:s8] =	dma.local @!p0 [hbm:s6], $0xF7A  }
0x23: {  	s9 =	sor.u32 $0xD0000000, s2;
	s6 =	simm.s32 $0x108;
	_ =	swait.ge @!p0 [sflag:s8], $0x0  }
0x24: {  	s3 =	sadd.s32 $0x88, s3;
	s6 =	simm.s32 @!p1 $0x1082;
	[sflag:s4] =	ssyncset.s32 $0xFFFFF086  }
0x25: {  	[simem:s6], [sflag:s4] =	dma.local [hbm:s3], $0xF7A  }
0x26: {  	[smem:$0x3F94] =	sst s1;
	(tag) =	ssettag s2;
	_ =	strace s9  }
0x27: {  	s1 =	sld [smem:$0x3FA4]  }
0x28: {  	s2 =	sld [smem:$0x3FA5]  }
0x29: {  	s4 =	sld [smem:$0x3FA7]  }
0x2a: {  	p0 =	seq.s32 s5, $0x0;
	s5 =	sld [smem:$0x3FA8]  }
0x2b: {  	s6 =	sld [smem:$0x3FA9]  }
0x2c: {  	s7 =	sld [smem:$0x3FAA]  }
0x2d: {  	s3 =	simm.s32 $0x108;
	s8 =	sld [smem:$0x3FAB]  }
0x2e: {  	s3 =	simm.s32 @!p0 $0x1082;
	s9 =	sld [smem:$0x3FAC]  }
0x2f: {  	lr =	sadd.s32 s0, s3;
	s0 =	sld [smem:$0x3FA3]  }
0x30: {  	s3 =	sld [smem:$0x3FA6]  }
0x31: {  	[smem:$0x3FAF] =	sst s10  }
0x32: {  	s10 =	sld [smem:$0x3FAD];
	_ =	sdelay $0x3  }
0x33: {  	p0 =	seq.s32 s10, $0x1;
	s10 =	sld [smem:$0x3FAF];
	_ =	sdelay $0x3  }
0x34: {  	[smem:$0x3FAF] =	sst s10  }
0x35: {  	s10 =	sld [smem:$0x3FAE];
	_ =	sdelay $0x3  }
0x36: {  	p1 =	seq.s32 s10, $0x1;
	s10 =	sld [smem:$0x3FAF];
	_ =	sdelay $0x3  }
0x37: {  	[smem:$0x3FAF] =	sst s10  }
0x38: {  	s10 =	sld [smem:$0x3FB0]  }
0x39: {  	_ = 	snop;
	(pc) =	sbr.ind lr, $3  }
0x3a: {  	_ = 	snop  }
0x3b: {  	_ = 	snop  }
0x3c: {  	p2 =	seq.s32 s10, $0x1;
	s10 =	sld [smem:$0x3FAF]  }
0x3d: {  	_ =	shalt  }
0x3e: {  	_ =	shalt  }
0x3f: {  	_ =	shalt  }
0x40: {  	_ =	shalt  }
0x41: {  	_ =	shalt  }
0x42: {  	_ =	shalt  }
0x43: {  	_ =	shalt  }
0x44: {  	_ =	shalt  }
0x45: {  	_ =	shalt  }
0x46: {  	_ =	shalt  }
0x47: {  	_ =	shalt  }
0x48: {  	_ =	shalt  }
0x49: {  	_ =	shalt  }
0x4a: {  	_ =	shalt  }
0x4b: {  	_ =	shalt  }
0x4c: {  	_ =	shalt  }
0x4d: {  	_ =	shalt  }
0x4e: {  	_ =	shalt  }
0x4f: {  	_ =	shalt  }
0x50: {  	_ =	shalt  }
0x51: {  	_ =	shalt  }
0x52: {  	_ =	shalt  }
0x53: {  	_ =	shalt  }
0x54: {  	_ =	shalt  }
0x55: {  	_ =	shalt  }
0x56: {  	_ =	shalt  }
0x57: {  	_ =	shalt  }
0x58: {  	_ =	shalt  }
0x59: {  	_ =	shalt  }
0x5a: {  	_ =	shalt  }
0x5b: {  	_ =	shalt  }
0x5c: {  	_ =	shalt  }
0x5d: {  	_ =	shalt  }
0x5e: {  	_ =	shalt  }
0x5f: {  	_ =	shalt  }
0x60: {  	_ =	shalt  }
0x61: {  	_ =	shalt  }
0x62: {  	_ =	shalt  }
0x63: {  	_ =	shalt  }
0x64: {  	_ =	shalt  }
0x65: {  	_ =	shalt  }
0x66: {  	_ =	shalt  }
0x67: {  	_ =	shalt  }
0x68: {  	_ =	shalt  }
0x69: {  	_ =	shalt  }
0x6a: {  	_ =	shalt  }
0x6b: {  	_ =	shalt  }
0x6c: {  	_ =	shalt  }
0x6d: {  	_ =	shalt  }
0x6e: {  	_ =	shalt  }
0x6f: {  	_ =	shalt  }
0x70: {  	_ =	shalt  }
0x71: {  	_ =	shalt  }
0x72: {  	_ =	shalt  }
0x73: {  	_ =	shalt  }
0x74: {  	_ =	shalt  }
0x75: {  	_ =	shalt  }
0x76: {  	_ =	shalt  }
0x77: {  	_ =	shalt  }
0x78: {  	_ =	shalt  }
0x79: {  	_ =	shalt  }
0x7a: {  	_ =	shalt  }
0x7b: {  	_ =	shalt  }
0x7c: {  	_ =	shalt  }
0x7d: {  	_ =	shalt  }
0x7e: {  	_ =	shalt  }
0x7f: {  	_ =	shalt  }
0x80: {  	_ =	shalt  }
0x81: {  	_ =	shalt  }
0x82: {  	_ =	shalt  }
0x83: {  	_ =	shalt  }
0x84: {  	_ =	shalt  }
0x85: {  	_ =	shalt  }
0x86: {  	_ =	shalt  }
0x87: {  	_ =	shalt  }
.Lfunc_end0:
.L_simem_size_0:
called_computation.3_lowered:
.L_overlay_start_0:
0x88: {  	s2 =	sld [smem:$0x3FD9]  }
0x89: {  	s3 =	sld [smem:$0x3FFE];
	_ =	sdelay $0x1  }
0x8a: {  	s1 =	srdreg.scid  }
0x8b: {  	s0 =	sand.u32 $0x1, s1  }
0x8c: {  	s16 =	sshll.u32 s0, $0xA;
	s2 =	sadd.s32 s3, s2  }
0x8d: {  	s2 =	sadd.s32 s2, s16  }
0x8e: {  	[smem:$0x3FBB] =	sst s2  }
0x8f: {  	_ = 	snop  }
0x90: {  	(tm) =	ssettm $0x1  }
0x91: {  	s17 =	sld [smem:$0x3FFB];
	_ =	sdelay $0x3  }
0x92: {  	_ =	strace s17  }
0x93: {  	s2 =	sld [smem:$0x3FFC];
	_ =	sdelay $0x3  }
0x94: {  	_ =	strace s2  }
0x95: {  	s2 =	sld [smem:$0x3FFD];
	_ =	sdelay $0x3  }
0x96: {  	_ =	strace s2  }
0x97: {  	_ =	strace $0x8FFFFFFF  }
0x98: {  	s18 =	sld [smem:$0x3FDB];
	_ =	sdelay $0x1  }
0x99: {  	s19 =	simm.s32 $_scs_section_size  }
0x9a: {  	s4 =	simm.s32 $_size__tile_overlayer_lowered;
	s5 =	simm.s32 $_tile_overlayer_lowered  }
0x9b: {  	s22 =	simm.s32 $0x1BFF;
	s21 =	sshll.u32 s5, $0x1;
	s2 =	sadd.s32 s19, s18  }
0x9c: {  	s6 =	simm.s32 $0x0;
	s20 =	sshll.u32 s4, $0x1;
	s4 =	sadd.s32 s21, s2  }
0x9d: {  	[timem:s6], [sflag:s22] =	dma.local [hbm:s4], s20  }
0x9e: {  	_ =	swait.ge [sflag:s22], s20  }
0x9f: {  	s3 =	ssub.s32 $0x0, s20;
	[sflag:s22] =	ssyncset.done $0x0  }
0xa0: {  	[sflag:s22] =	ssyncadd.s32 s3;
	_ =	sdelay $0x1  }
0xa1: {  	s23 =	simm.s32 $0x1B8B  }
0xa2: {  	_ =	swait.ge [sflag:s23], $0x1  }
0xa3: {  	[sflag:s23] =	ssyncset.done $0x0  }
0xa4: {  	s25 =	simm.s32 $0x1B8E;
	s24 =	sld [smem:$0x3FFE];
	[sflag:s23] =	ssyncadd.s32 $0xFFFFFFFF  }
0xa5: {  	s26 =	simm.s32 $execute0_lowered;
	[smem:$0x3FD2] =	sst s25  }
0xa6: {  	s4 =	sshll.u32 s26, $0x1;
	_ =	strace $0x8000004F;
	[dreg:$0x1] =	wrdreg $0xFFFFFFFF  }
0xa7: {  	s28 =	simm.s32 $_size_execute0_lowered;
	s2 =	sadd.s32 s2, s4;
	[dreg:$0x0] =	wrdreg $0x0  }
0xa8: {  	s4 =	sshll.u32 s28, $0x1;
	[dreg:$0x2] =	wrdreg s2  }
0xa9: {  	[dreg:$0x3] =	wrdreg s4  }
0xaa: {  	[dreg:$0x4] =	wrdreg $0xC0  }
0xab: {  	_ =	task [dreg:s6], $0x5FFFF  }
0xac: {  	[dreg:$0x1] =	wrdreg $0xFFFFFFFF  }
0xad: {  	[dreg:$0x0] =	wrdreg $0x60  }
0xae: {  	[dreg:$0x2] =	wrdreg s24  }
0xaf: {  	[dreg:$0x3] =	wrdreg $0x69800  }
0xb0: {  	[dreg:$0x4] =	wrdreg $0x9  }
0xb1: {  	_ =	task.clear_ibuf [dreg:s6], $0x5FFFF;
	_ =	strace $0x9000004F  }
0xb2: {  	s29 =	simm.s32 $0x9;
	_ =	strace $0x80000051  }
0xb3: {  	_ =	swait.ge [sflag:s29], $0x1  }
0xb4: {  	[sflag:s29] =	ssyncadd.s32 $0xFFFFFFFF  }
0xb5: {  	_ =	strace $0x90000051  }
0xb6: {  	_ =	sfence  }
0xb7: {  	s30 =	sld [smem:$0x0];
	_ =	sdelay $0x2  }
0xb8: {  	s31 =	sshll.u32 s1, $0xD;
	s1 =	sshrl.u32 s1, $0x2  }
0xb9: {  	s3 =	sand.u32 $0x4000, s31;
	s1 =	sadd.s32 s1, s30  }
0xba: {  	s0 =	sor.u32 s3, s0;
	s1 =	sshll.u32 s1, $0x11  }
0xbb: {  	s0 =	sor.u32 s1, s0  }
0xbc: {  	s0 =	sadd.s32 $0x8F2B, s0  }
0xbd: {  	[sflag:s0] =	ssyncadd.remote.s32 $0x1  }
0xbe: {  	_ =	sfence.sel $0xFFFF  }
0xbf: {  	[dreg:$0x0] =	wrdreg $0xFFFFFFFF;
	(pc) =	sbr.abs _section_cstart, $3  }
0xc0: {  	[dreg:$0x1] =	wrdreg $0xFFFFFFFF  }
0xc1: {  	_ =	task.clear_ibuf [dreg:s6], $0x2FFFF;
	_ =	strace $0x9FFFFFFF  }
0xc2: {  	(tm) =	ssettm $0x7FFFFFFF  }
0xc3: {  	_ =	shalt  }
tec
execute0_lowered:
.L_overlay_start_1:
0x0: {  	(tag) =	ssettag $0x1  }
0x1: {  	s0 =	rddreg [dreg:$0x0]  }
0x2: {  	s1 =	rddreg [dreg:$0x1];
	s2 =	simm.s32 $0x0  }
0x3: {  	s3 =	srdreg.scid;
	s12 =	stileid.u32;
	s28 =	simm.s32 $0x100  }
0x4: {  	s29 =	simm.s32 $0x50;
	s30 =	simm.s32 $0x180;
	s31 =	simm.s32 $0x1  }
0x5: {  	[smem:$0x7FF] =	sst s2;
	s4 =	sadd.s32 $0x2D600, s0;
	s5 =	sadd.s32 $0x17200, s0  }
0x6: {  	s3 =	sand.u32 $0x1, s3;
	s6 =	sadd.s32 $0x3600, s0;
	s9 =	smul.u32 $0x50000, s12  }
0x7: {  	s7 =	sadd.s32 $0x23800, s0;
	s0 =	sadd.s32 $0x165E00, s0;
	s11 =	smul.u32 $0x280, s12  }
0x8: {  	s23 =	sshll.u32 s12, $0x1;
	_ =	strace $0x80000050;
	s8 =	ssub.s32 $0x2, s3  }
0x9: {  	s12 =	smul.u32 $0x2800, s3;
	s3 =	sor.u32 s3, s23;
	s10 =	sshrl.u32 s8, $0x1  }
0xa: {  	s22 =	sshrl.u32 s9, $0x2;
	s16 =	sadd.s32 $0x80, s11;
	s18 =	sadd.s32 $0x100, s11  }
0xb: {  	s21 =	sadd.s32 $0x180, s11;
	s10 =	ssub.s32 s8, s10;
	s8 =	sadd.s32 s22, s1  }
0xc: {  	s14 =	sadd.s32 s12, s11;
	s17 =	sadd.s32 s12, s16;
	s9 =	sshll.u32 s16, $0x7  }
0xd: {  	s19 =	sadd.s32 s12, s18;
	s20 =	sshll.u32 s18, $0x7;
	s22 =	sshll.u32 s21, $0x7  }
0xe: {  	s23 =	sadd.s32 s12, s21;
	s24 =	sadd.s32 $0x4000, s8;
	s25 =	sadd.s32 $0x8000, s8  }
0xf: {  	s26 =	sadd.s32 $0xC000, s8;
	s13 =	sadd.s32 $0x10000, s8;
	[dreg:$0x3] =	wrdreg s24  }
0x10: {  	s15 =	sshll.u32 s14, $0x4;
	s10 =	smax.u32 s10, $0x1;
	[dreg:$0x4] =	wrdreg s25  }
0x11: {  	s16 =	sadd.s32 s9, s1;
	s18 =	sadd.s32 s20, s1;
	[dreg:$0x5] =	wrdreg s26  }
0x12: {  	s20 =	sadd.s32 s22, s1;
	[dreg:$0x6] =	wrdreg s13;
	s13 =	smul.u32 $0x2710, s3  }
0x13: {  	[dreg:$0x7] =	wrdreg s10;
	s15 =	sadd.s32 s0, s15;
	s3 =	sshll.u32 s17, $0x4  }
0x14: {  	s24 =	sadd.s32 $0x200, s11;
	s17 =	sadd.s32 s0, s3;
	s3 =	sshll.u32 s19, $0x4  }
0x15: {  	s25 =	sshll.u32 s24, $0x7;
	s9 =	sadd.s32 s12, s24;
	s24 =	simm.s32 $0x2980  }
0x16: {  	s19 =	sadd.s32 s0, s3;
	s3 =	sshll.u32 s23, $0x4;
	s22 =	sadd.s32 s25, s1  }
0x17: {  	s26 =	sshll.u32 s9, $0x4;
	s25 =	simm.s32 $0x2;
	s21 =	sadd.s32 s0, s3  }
0x18: {  	v0 =	vimm.f32 $0.0e+00;
	s23 =	sadd.s32 s0, s26;
	s26 =	simm.s32 $0x80;
	s0 =	simm.s32 $0x0  }
.LBB2_1:
0x19: {  	s3 =	sand.u32 $0xFE00, s2  }
0x1a: {  	s9 =	sand.u32 $0x70, s2;
	s10 =	sshrl.u32 s3, $0x2  }
0x1b: {  	s3 =	simm.s32 $0x40;
	s10 =	sor.u32 s9, s10;
	s9 =	simm.s32 $0x0  }
.LBB2_2:
0x1c: {  	p0 =	sne.s32 s3, $0xFFC0  }
0x1d: {  	[tilespmem:s10+$0x2980] =	vst v0;
	s9 =	sadd.s32 $0x10, s9;
	s10 =	smov.u32 s3;
	s3 =	sadd.s32 $0x40, s3  }
.Ltmp0:
0x1e: {  	(pc) =	sbr.rel @p0 .LBB2_2-.Ltmp0, $4  }
0x1f: {  	_ = 	snop  }
0x20: {  	s10 =	sand.u32 $0xFE00, s10  }
0x21: {  	s11 =	sand.u32 $0x70, s9;
	s10 =	sshrl.u32 s10, $0x2  }
0x22: {  	s10 =	sor.u32 s11, s10  }
0x23: {  	[tilespmem:s10+$0x2980] =	vst v0  }
0x24: {  	[spmem:s8] =	stream.linear.scatter [tilespmem:s24], [sflag:$0x2], $0x4000, $0x38;
	[tilespmem:$0x1A980] =	vst v63  }
0x25: {  	_ =	swait.ge [sflag:s25], $0x4000  }
0x26: {  	[sflag:s25] =	ssyncset.done $0x0  }
0x27: {  	s3 =	rddreg [dreg:$0x3];
	[sflag:s25] =	ssyncadd.s32 $0xFFFFC000  }
0x28: {  	[spmem:s3] =	stream.linear.scatter [tilespmem:s24], [sflag:$0x2], $0x4000, $0x38;
	[tilespmem:$0x1A980] =	vst v63  }
0x29: {  	_ =	swait.ge [sflag:s25], $0x4000  }
0x2a: {  	[sflag:s25] =	ssyncset.done $0x0  }
0x2b: {  	s11 =	rddreg [dreg:$0x4];
	[sflag:s25] =	ssyncadd.s32 $0xFFFFC000  }
0x2c: {  	[spmem:s11] =	stream.linear.scatter [tilespmem:s24], [sflag:$0x2], $0x4000, $0x38;
	[tilespmem:$0x1A980] =	vst v63  }
0x2d: {  	_ =	swait.ge [sflag:s25], $0x4000  }
0x2e: {  	[sflag:s25] =	ssyncset.done $0x0  }
0x2f: {  	s12 =	rddreg [dreg:$0x5];
	[sflag:s25] =	ssyncadd.s32 $0xFFFFC000  }
0x30: {  	[spmem:s12] =	stream.linear.scatter [tilespmem:s24], [sflag:$0x2], $0x4000, $0x38;
	[tilespmem:$0x1A980] =	vst v63  }
0x31: {  	_ =	swait.ge [sflag:s25], $0x4000  }
0x32: {  	[sflag:s25] =	ssyncset.done $0x0  }
0x33: {  	s14 =	rddreg [dreg:$0x6];
	[sflag:s25] =	ssyncadd.s32 $0xFFFFC000  }
0x34: {  	[spmem:s14] =	stream.linear.scatter [tilespmem:s24], [sflag:$0x2], $0x4000, $0x38;
	[tilespmem:$0x1A980] =	vst v63  }
0x35: {  	_ =	swait.ge [sflag:s25], $0x4000  }
0x36: {  	[sflag:s25] =	ssyncset.done $0x0  }
0x37: {  	[sflag:s25] =	ssyncadd.s32 $0xFFFFC000  }
0x38: {  	s9 =	simm.s32 $0x0;
	s3 =	simm.s32 $0x0;
	[bflag:$0x0] =	sbarrier.arrive $0xFFFF  }
.LBB2_4:
0x39: {  	s10 =	smul.u32 $0x50, s9;
	_ =	sdelay $0x1  }
0x3a: {  	s10 =	sadd.s32 s13, s10  }
0x3b: {  	s10 =	sshrl.u32 s10, $0x3  }
0x3c: {  	s11 =	sadd.s32 s5, s10  }
0x3d: {  	[tilespmem:s3], [sflag:$0x2] =	stream.linear.gather [hbm4b:s11+s3], $0x50, $0x38;
	[tilespmem:$0x1A980] =	vst v63  }
0x3e: {  	_ =	swait.ge [sflag:s25], $0x50  }
0x3f: {  	[sflag:s25] =	ssyncset.done $0x0  }
0x40: {  	s14 =	sadd.s32 s6, s10;
	[sflag:s25] =	ssyncadd.s32 $0xFFFFFFB0  }
0x41: {  	[tilespmem:s26], [sflag:$0x2] =	stream.linear.gather [hbm4b:s14+s3], $0x50, $0x38;
	[tilespmem:$0x1A980] =	vst v63  }
0x42: {  	_ =	swait.ge [sflag:s25], $0x50  }
0x43: {  	[sflag:s25] =	ssyncset.done $0x0  }
0x44: {  	s10 =	sadd.s32 s7, s10;
	[sflag:s25] =	ssyncadd.s32 $0xFFFFFFB0  }
0x45: {  	[tilespmem:s28], [sflag:$0x2] =	stream.linear.gather [hbm4b:s10+s3], $0x50, $0x38;
	[tilespmem:$0x1A980] =	vst v63  }
0x46: {  	_ =	swait.ge [sflag:s25], $0x50  }
0x47: {  	[sflag:s25] =	ssyncset.done $0x0  }
0x48: {  	[sflag:s25] =	ssyncadd.s32 $0xFFFFFFB0  }
0x49: {  	[tilespmem:s30], [sflag:$0x1] =	stream.indirect.gather [hbm4b:s4+s29], $0x80, s3, s29, $0xb8;
	[tilespmem:$0x1A980] =	vst v63  }
0x4a: {  	_ =	swait.ge [sflag:s31], $0x2800  }
0x4b: {  	v1 =	vmov s3;
	[sflag:s31] =	ssyncset.done $0x0  }
0x4c: {  	s10 =	simm.s32 $0x1C0;
	[sflag:s31] =	ssyncadd.s32 $0xFFFFD800  }
0x4d: {  	v5 =	vld [tilespmem:s10+$0x30]  }
0x4e: {  	v8 =	vld [tilespmem:s10+$0x10]  }
0x4f: {  	v6 =	vld [tilespmem:s10+$0xFFFFFFC0]  }
0x50: {  	v2 =	vld.idx.msk [tilespmem:v1+s28+$0x0], $0xffff  }
0x51: {  	v10 =	vld [tilespmem:s10+$0xFFFFFFE0]  }
0x52: {  	v1 =	vld [tilespmem:s10+$0xFFFFFFF0]  }
0x53: {  	v3 =	vld [tilespmem:s10+$0x20]  }
0x54: {  	v4 =	vld [tilespmem:s10+$0xFFFFFFD0]  }
0x55: {  	v9 =	vmul.f32 v5, v2;
	v5 =	vld [tilespmem:s10+$0x0]  }
0x56: {  	v7 =	vmul.f32 v6, v2  }
0x57: {  	s12 =	simm.s32 $0x1C0;
	s11 =	simm.s32 $0x1;
	v6 =	vmul.f32 v10, v2;
	v8 =	vmul.f32 v8, v2  }
.LBB2_5:
0x58: {  	p0 =	sne.s32 s11, $0x4F  }
0x59: {  	v4 =	vmul.f32 v4, v2;
	v3 =	vmul.f32 v3, v2;
	[tilespmem:s10+$0x30] =	vst v9;
	s12 =	sadd.s32 $0x80, s12;
	s14 =	smov.u32 s11;
	s11 =	sadd.s32 $0x1, s11  }
0x5a: {  	[tilespmem:s10+$0xFFFFFFC0] =	vst v7;
	v7 =	vmul.f32 v1, v2;
	v2 =	vmul.f32 v5, v2  }
0x5b: {  	[tilespmem:s10+$0x10] =	vst v8  }
0x5c: {  	v5 =	vmov s14;
	[tilespmem:s10+$0xFFFFFFE0] =	vst v6  }
0x5d: {  	v1 =	vld [tilespmem:s12+$0xFFFFFFF0];
	[tilespmem:s10+$0xFFFFFFF0] =	vst v7  }
0x5e: {  	v6 =	vld [tilespmem:s12+$0x30];
	[tilespmem:s10+$0x0] =	vst v2  }
0x5f: {  	v8 =	vld [tilespmem:s12+$0x10];
	[tilespmem:s10+$0x20] =	vst v3  }
0x60: {  	v7 =	vld [tilespmem:s12+$0xFFFFFFC0];
	[tilespmem:s10+$0xFFFFFFD0] =	vst v4;
	s10 =	smov.u32 s12  }
0x61: {  	v2 =	vld.idx.msk [tilespmem:v5+s28+$0x0], $0xffff  }
0x62: {  	v10 =	vld [tilespmem:s12+$0xFFFFFFE0]  }
0x63: {  	v3 =	vld [tilespmem:s12+$0x20]  }
.Ltmp1:
0x64: {  	v4 =	vld [tilespmem:s12+$0xFFFFFFD0];
	(pc) =	sbr.rel @p0 .LBB2_5-.Ltmp1, $3  }
0x65: {  	v5 =	vld [tilespmem:s12+$0x0];
	_ =	sdelay $0x1  }
0x66: {  	v7 =	vmul.f32 v7, v2;
	v9 =	vmul.f32 v6, v2  }
0x67: {  	v8 =	vmul.f32 v8, v2;
	v6 =	vmul.f32 v10, v2  }
0x68: {  	[tilespmem:s10+$0x30] =	vst v9  }
0x69: {  	[tilespmem:s10+$0xFFFFFFC0] =	vst v7  }
0x6a: {  	v1 =	vmul.f32 v1, v2;
	[tilespmem:s10+$0x10] =	vst v8  }
0x6b: {  	v3 =	vmul.f32 v3, v2;
	[tilespmem:s10+$0xFFFFFFE0] =	vst v6  }
0x6c: {  	v5 =	vmul.f32 v5, v2;
	[tilespmem:s10+$0xFFFFFFF0] =	vst v1  }
0x6d: {  	s9 =	sadd.s32 $0x1, s9;
	v1 =	vmul.f32 v4, v2;
	[tilespmem:s10+$0x20] =	vst v3  }
0x6e: {  	p0 =	sne.s32 s9, $0x7D;
	[tilespmem:s10+$0x0] =	vst v5  }
.Ltmp2:
0x6f: {  	[tilespmem:s10+$0xFFFFFFD0] =	vst v1;
	(pc) =	sbr.rel @p0 .LBB2_4-.Ltmp2, $4  }
0x70: {  	[spmem:s1] =	stream.indirect.scatter.add.f32 [tilespmem:s30], [sflag:$0x2], $0x80, s26, s29, $0xb8;
	[tilespmem:$0x1A980] =	vst v63  }
0x71: {  	_ =	swait.ge [sflag:s25], $0x2800  }
0x72: {  	[sflag:s25] =	ssyncset.done $0x0  }
0x73: {  	[sflag:s25] =	ssyncadd.s32 $0xFFFFD800  }
0x74: {  	[bflag:$0x0] =	sbarrier.arrive $0xFFFF  }
0x75: {  	[tilespmem:s24], [sflag:$0x2] =	stream.linear.gather [spmem:s8], $0x4000, $0x38;
	[tilespmem:$0x1A980] =	vst v63  }
0x76: {  	_ =	swait.ge [sflag:s25], $0x4000  }
0x77: {  	[sflag:s25] =	ssyncset.done $0x0  }
0x78: {  	[sflag:s25] =	ssyncadd.s32 $0xFFFFC000  }
0x79: {  	[hbm4b:s15+s2] =	stream.linear.scatter [tilespmem:s24], [sflag:$0x2], $0x4000, $0x38;
	[tilespmem:$0x1A980] =	vst v63  }
0x7a: {  	_ =	swait.ge [sflag:s25], $0x4000  }
0x7b: {  	[sflag:s25] =	ssyncset.done $0x0  }
0x7c: {  	[sflag:s25] =	ssyncadd.s32 $0xFFFFC000  }
0x7d: {  	[tilespmem:s24], [sflag:$0x2] =	stream.linear.gather [spmem:s16], $0x4000, $0x38;
	[tilespmem:$0x1A980] =	vst v63  }
0x7e: {  	_ =	swait.ge [sflag:s25], $0x4000  }
0x7f: {  	[sflag:s25] =	ssyncset.done $0x0  }
0x80: {  	[sflag:s25] =	ssyncadd.s32 $0xFFFFC000  }
0x81: {  	[hbm4b:s17+s2] =	stream.linear.scatter [tilespmem:s24], [sflag:$0x2], $0x4000, $0x38;
	[tilespmem:$0x1A980] =	vst v63  }
0x82: {  	_ =	swait.ge [sflag:s25], $0x4000  }
0x83: {  	[sflag:s25] =	ssyncset.done $0x0  }
0x84: {  	[sflag:s25] =	ssyncadd.s32 $0xFFFFC000  }
0x85: {  	[tilespmem:s24], [sflag:$0x2] =	stream.linear.gather [spmem:s18], $0x4000, $0x38;
	[tilespmem:$0x1A980] =	vst v63  }
0x86: {  	_ =	swait.ge [sflag:s25], $0x4000  }
0x87: {  	[sflag:s25] =	ssyncset.done $0x0  }
0x88: {  	[sflag:s25] =	ssyncadd.s32 $0xFFFFC000  }
0x89: {  	[hbm4b:s19+s2] =	stream.linear.scatter [tilespmem:s24], [sflag:$0x2], $0x4000, $0x38;
	[tilespmem:$0x1A980] =	vst v63  }
0x8a: {  	_ =	swait.ge [sflag:s25], $0x4000  }
0x8b: {  	[sflag:s25] =	ssyncset.done $0x0  }
0x8c: {  	[sflag:s25] =	ssyncadd.s32 $0xFFFFC000  }
0x8d: {  	[tilespmem:s24], [sflag:$0x2] =	stream.linear.gather [spmem:s20], $0x4000, $0x38;
	[tilespmem:$0x1A980] =	vst v63  }
0x8e: {  	_ =	swait.ge [sflag:s25], $0x4000  }
0x8f: {  	[sflag:s25] =	ssyncset.done $0x0  }
0x90: {  	[sflag:s25] =	ssyncadd.s32 $0xFFFFC000  }
0x91: {  	[hbm4b:s21+s2] =	stream.linear.scatter [tilespmem:s24], [sflag:$0x2], $0x4000, $0x38;
	[tilespmem:$0x1A980] =	vst v63  }
0x92: {  	_ =	swait.ge [sflag:s25], $0x4000  }
0x93: {  	[sflag:s25] =	ssyncset.done $0x0  }
0x94: {  	[sflag:s25] =	ssyncadd.s32 $0xFFFFC000  }
0x95: {  	[tilespmem:s24], [sflag:$0x2] =	stream.linear.gather [spmem:s22], $0x4000, $0x38;
	[tilespmem:$0x1A980] =	vst v63  }
0x96: {  	_ =	swait.ge [sflag:s25], $0x4000  }
0x97: {  	[sflag:s25] =	ssyncset.done $0x0  }
0x98: {  	[sflag:s25] =	ssyncadd.s32 $0xFFFFC000  }
0x99: {  	[hbm4b:s23+s2] =	stream.linear.scatter [tilespmem:s24], [sflag:$0x2], $0x4000, $0x38;
	[tilespmem:$0x1A980] =	vst v63  }
0x9a: {  	_ =	swait.ge [sflag:s25], $0x4000  }
0x9b: {  	s0 =	sadd.s32 $0x1, s0;
	s3 =	rddreg [dreg:$0x7]  }
0x9c: {  	p0 =	sne.s32 s0, s3  }
.Ltmp3:
0x9d: {  	_ = 	snop;
	(pc) =	sbr.rel @p0 .LBB2_1-.Ltmp3, $3  }
0x9e: {  	_ =	sdelay $0x1  }
0x9f: {  	[sflag:s25] =	ssyncset.done $0x0  }
0xa0: {  	[sflag:s25] =	ssyncadd.s32 $0xFFFFC000  }
0xa1: {  	_ =	sfence.sel $0x180000  }
0xa2: {  	[bflag:$0x0] =	sbarrier.arrive $0xFFFF  }
0xa3: {  	_ =	strace $0x90000050  }
0xa4: {  	s0 =	stileid.u32;
	[bflag:$0x2] =	sbarrier.arrive $0xFFFF  }
0xa5: {  	p0 =	sne.s32 s0, $0x0;
	s0 =	rddreg [dreg:$0x2]  }
0xa6: {  	s0 =	sadd.s32 @!p0 $0x100000, s0  }
0xa7: {  	[sflag:s0] =	ssyncadd.tile.s32 @!p0 $0x1;
	_ =	shalt  }
.Lfunc_end2:
_tile_overlayer_lowered:
.L_overlay_start_2:
0xa8: {  	(tag) =	ssettag $0x2  }
0xa9: {  	s0 =	rddreg [dreg:$0x0];
	s2 =	stileid.u32  }
0xaa: {  	s1 =	rddreg [dreg:$0x1];
	p0 =	sne.s32 s2, $0x0  }
0xab: {  	s3 =	rddreg [dreg:$0x2];
	[bflag:$0x3] =	sbarrier.arrive $0xFFFF;
	s2 =	simm.s32 @!p0 $0x1C02  }
0xac: {  	[timem:s3], [sflag:s2] =	dma.local @!p0 [hbm:s0], s1  }
0xad: {  	s0 =	simm.s32 @!p0 $0x2  }
0xae: {  	_ =	swait.ge @!p0 [sflag:s0], s1  }
0xaf: {  	s1 =	ssub.s32 @!p0 $0x0, s1;
	[sflag:s0] =	ssyncset.done @!p0 $0x0  }
0xb0: {  	[sflag:s0] =	ssyncadd.s32 @!p0 s1  }
0xb1: {  	[bflag:$0x3] =	sbarrier.arrive $0xFFFF  }
0xb2: {  	_ =	shalt  }

// kernel: kernel.9.cloned.1.call-start
scs
__scs_entry_jumppad:
0x0: {  	(pc) =	sbr.rel $0x88, $3  }
0x1: {  	(tag) =	ssettag $0x0;
	lr =	simm.s32 $0x1  }
0x2: {  	[smem:$0x3F94] =	sst lr;
	_ =	strace $0xD0000000  }
0x3: {  	_ = 	snop  }
0x4: {  	_ = 	snop  }
0x5: {  	_ = 	snop  }
0x6: {  	_ = 	snop  }
0x7: {  	_ = 	snop  }
__scs_overlays_trampoline_lowered:
0x8: {  	[smem:$0x3FA3] =	sst s0  }
0x9: {  	[smem:$0x3FA4] =	sst s1  }
0xa: {  	[smem:$0x3FA5] =	sst s2  }
0xb: {  	[smem:$0x3FA6] =	sst s3  }
0xc: {  	[smem:$0x3FA7] =	sst s4  }
0xd: {  	[smem:$0x3FA8] =	sst s5  }
0xe: {  	[smem:$0x3FA9] =	sst s6  }
0xf: {  	[smem:$0x3FAA] =	sst s7  }
0x10: {  	[smem:$0x3FAB] =	sst s8  }
0x11: {  	[smem:$0x3FAC] =	sst s9;
	s0 =	simm.s32 @!p0 $0x0  }
0x12: {  	s1 =	sld [smem:$0x3F92];
	s0 =	simm.s32 @p0 $0x1  }
0x13: {  	[smem:$0x3FAD] =	sst s0;
	s0 =	simm.s32 @!p1 $0x0  }
0x14: {  	s2 =	sld [smem:$0x3F91];
	s0 =	simm.s32 @p1 $0x1  }
0x15: {  	[smem:$0x3FAE] =	sst s0;
	s0 =	simm.s32 @!p2 $0x0  }
0x16: {  	s3 =	sld [smem:$0x3FDB];
	s0 =	simm.s32 @p2 $0x1  }
0x17: {  	s4 =	simm.s32 $0x1BF5;
	[smem:$0x3FB0] =	sst s0  }
0x18: {  	s0 =	sld [smem:$0x3F93];
	_ =	swait.ge [sflag:s4], $0x0  }
0x19: {  	s7 =	sld [smem:$0x3F94]  }
0x1a: {  	s8 =	sadd.s32 $0xFFFFE003, lr  }
0x1b: {  	s9 =	sadd.s32 $0xFFFFFEF7, lr;
	s5 =	simm.s32 $0xFFFFFFFF;
	p2 =	slt.u32 s8, $0xFFFFF086  }
0x1c: {  	p1 =	slt.u32 s9, $0xF7A;
	s5 =	simm.s32 @!p2 $0x0  }
0x1d: {  	s5 =	simm.s32 @p1 $0x1;
	p0 =	seq.s32 s7, s2  }
0x1e: {  	s7 =	smul.u32 @!p0 $0xF7A, s2;
	p2 =	seq.s32 @!p0 s5, $0x0  }
0x1f: {  	s9 =	smul.u32 $0xF7A, s1;
	s8 =	simm.s32 @!p0 $0x1BF5;
	p2 =	por !p2, p0  }
0x20: {  	[sflag:s8] =	ssyncset.s32 @!p0 $0xFFFFF086;
	s6 =	sadd.s32 @!p0 s3, s7;
	s7 =	simm.s32 @!p0 $0x108  }
0x21: {  	s3 =	sadd.s32 s3, s9;
	s6 =	sadd.s32 @!p0 $0x88, s6;
	s7 =	simm.s32 @p2 $0x1082  }
0x22: {  	[simem:s7], [sflag:s8] =	dma.local @!p0 [hbm:s6], $0xF7A  }
0x23: {  	s9 =	sor.u32 $0xD0000000, s2;
	s6 =	simm.s32 $0x108;
	_ =	swait.ge @!p0 [sflag:s8], $0x0  }
0x24: {  	s3 =	sadd.s32 $0x88, s3;
	s6 =	simm.s32 @!p1 $0x1082;
	[sflag:s4] =	ssyncset.s32 $0xFFFFF086  }
0x25: {  	[simem:s6], [sflag:s4] =	dma.local [hbm:s3], $0xF7A  }
0x26: {  	[smem:$0x3F94] =	sst s1;
	(tag) =	ssettag s2;
	_ =	strace s9  }
0x27: {  	s1 =	sld [smem:$0x3FA4]  }
0x28: {  	s2 =	sld [smem:$0x3FA5]  }
0x29: {  	s4 =	sld [smem:$0x3FA7]  }
0x2a: {  	p0 =	seq.s32 s5, $0x0;
	s5 =	sld [smem:$0x3FA8]  }
0x2b: {  	s6 =	sld [smem:$0x3FA9]  }
0x2c: {  	s7 =	sld [smem:$0x3FAA]  }
0x2d: {  	s3 =	simm.s32 $0x108;
	s8 =	sld [smem:$0x3FAB]  }
0x2e: {  	s3 =	simm.s32 @!p0 $0x1082;
	s9 =	sld [smem:$0x3FAC]  }
0x2f: {  	lr =	sadd.s32 s0, s3;
	s0 =	sld [smem:$0x3FA3]  }
0x30: {  	s3 =	sld [smem:$0x3FA6]  }
0x31: {  	[smem:$0x3FAF] =	sst s10  }
0x32: {  	s10 =	sld [smem:$0x3FAD];
	_ =	sdelay $0x3  }
0x33: {  	p0 =	seq.s32 s10, $0x1;
	s10 =	sld [smem:$0x3FAF];
	_ =	sdelay $0x3  }
0x34: {  	[smem:$0x3FAF] =	sst s10  }
0x35: {  	s10 =	sld [smem:$0x3FAE];
	_ =	sdelay $0x3  }
0x36: {  	p1 =	seq.s32 s10, $0x1;
	s10 =	sld [smem:$0x3FAF];
	_ =	sdelay $0x3  }
0x37: {  	[smem:$0x3FAF] =	sst s10  }
0x38: {  	s10 =	sld [smem:$0x3FB0]  }
0x39: {  	_ = 	snop;
	(pc) =	sbr.ind lr, $3  }
0x3a: {  	_ = 	snop  }
0x3b: {  	_ = 	snop  }
0x3c: {  	p2 =	seq.s32 s10, $0x1;
	s10 =	sld [smem:$0x3FAF]  }
0x3d: {  	_ =	shalt  }
0x3e: {  	_ =	shalt  }
0x3f: {  	_ =	shalt  }
0x40: {  	_ =	shalt  }
0x41: {  	_ =	shalt  }
0x42: {  	_ =	shalt  }
0x43: {  	_ =	shalt  }
0x44: {  	_ =	shalt  }
0x45: {  	_ =	shalt  }
0x46: {  	_ =	shalt  }
0x47: {  	_ =	shalt  }
0x48: {  	_ =	shalt  }
0x49: {  	_ =	shalt  }
0x4a: {  	_ =	shalt  }
0x4b: {  	_ =	shalt  }
0x4c: {  	_ =	shalt  }
0x4d: {  	_ =	shalt  }
0x4e: {  	_ =	shalt  }
0x4f: {  	_ =	shalt  }
0x50: {  	_ =	shalt  }
0x51: {  	_ =	shalt  }
0x52: {  	_ =	shalt  }
0x53: {  	_ =	shalt  }
0x54: {  	_ =	shalt  }
0x55: {  	_ =	shalt  }
0x56: {  	_ =	shalt  }
0x57: {  	_ =	shalt  }
0x58: {  	_ =	shalt  }
0x59: {  	_ =	shalt  }
0x5a: {  	_ =	shalt  }
0x5b: {  	_ =	shalt  }
0x5c: {  	_ =	shalt  }
0x5d: {  	_ =	shalt  }
0x5e: {  	_ =	shalt  }
0x5f: {  	_ =	shalt  }
0x60: {  	_ =	shalt  }
0x61: {  	_ =	shalt  }
0x62: {  	_ =	shalt  }
0x63: {  	_ =	shalt  }
0x64: {  	_ =	shalt  }
0x65: {  	_ =	shalt  }
0x66: {  	_ =	shalt  }
0x67: {  	_ =	shalt  }
0x68: {  	_ =	shalt  }
0x69: {  	_ =	shalt  }
0x6a: {  	_ =	shalt  }
0x6b: {  	_ =	shalt  }
0x6c: {  	_ =	shalt  }
0x6d: {  	_ =	shalt  }
0x6e: {  	_ =	shalt  }
0x6f: {  	_ =	shalt  }
0x70: {  	_ =	shalt  }
0x71: {  	_ =	shalt  }
0x72: {  	_ =	shalt  }
0x73: {  	_ =	shalt  }
0x74: {  	_ =	shalt  }
0x75: {  	_ =	shalt  }
0x76: {  	_ =	shalt  }
0x77: {  	_ =	shalt  }
0x78: {  	_ =	shalt  }
0x79: {  	_ =	shalt  }
0x7a: {  	_ =	shalt  }
0x7b: {  	_ =	shalt  }
0x7c: {  	_ =	shalt  }
0x7d: {  	_ =	shalt  }
0x7e: {  	_ =	shalt  }
0x7f: {  	_ =	shalt  }
0x80: {  	_ =	shalt  }
0x81: {  	_ =	shalt  }
0x82: {  	_ =	shalt  }
0x83: {  	_ =	shalt  }
0x84: {  	_ =	shalt  }
0x85: {  	_ =	shalt  }
0x86: {  	_ =	shalt  }
0x87: {  	_ =	shalt  }
.Lfunc_end0:
.L_simem_size_0:
called_computation_lowered:
.L_overlay_start_0:
0x88: {  	s2 =	sld [smem:$0x3FD9]  }
0x89: {  	s3 =	sld [smem:$0x3FFE];
	_ =	sdelay $0x1  }
0x8a: {  	s1 =	srdreg.scid  }
0x8b: {  	s0 =	sand.u32 $0x1, s1  }
0x8c: {  	s16 =	sshll.u32 s0, $0xA;
	s2 =	sadd.s32 s3, s2  }
0x8d: {  	s2 =	sadd.s32 s2, s16  }
0x8e: {  	[smem:$0x3FBB] =	sst s2  }
0x8f: {  	_ = 	snop  }
0x90: {  	(tm) =	ssettm $0x1  }
0x91: {  	s17 =	sld [smem:$0x3FFB];
	_ =	sdelay $0x3  }
0x92: {  	_ =	strace s17  }
0x93: {  	s2 =	sld [smem:$0x3FFC];
	_ =	sdelay $0x3  }
0x94: {  	_ =	strace s2  }
0x95: {  	s2 =	sld [smem:$0x3FFD];
	_ =	sdelay $0x3  }
0x96: {  	_ =	strace s2  }
0x97: {  	_ =	strace $0x8FFFFFFF  }
0x98: {  	s18 =	sld [smem:$0x3FDB];
	_ =	sdelay $0x1  }
0x99: {  	s19 =	simm.s32 $_scs_section_size  }
0x9a: {  	s4 =	simm.s32 $_size__tile_overlayer_lowered;
	s5 =	simm.s32 $_tile_overlayer_lowered  }
0x9b: {  	s22 =	simm.s32 $0x1BFF;
	s21 =	sshll.u32 s5, $0x1;
	s2 =	sadd.s32 s19, s18  }
0x9c: {  	s6 =	simm.s32 $0x0;
	s20 =	sshll.u32 s4, $0x1;
	s4 =	sadd.s32 s21, s2  }
0x9d: {  	[timem:s6], [sflag:s22] =	dma.local [hbm:s4], s20  }
0x9e: {  	_ =	swait.ge [sflag:s22], s20  }
0x9f: {  	s3 =	ssub.s32 $0x0, s20;
	[sflag:s22] =	ssyncset.done $0x0  }
0xa0: {  	[sflag:s22] =	ssyncadd.s32 s3;
	_ =	sdelay $0x1  }
0xa1: {  	s23 =	simm.s32 $0x1B8B  }
0xa2: {  	_ =	swait.ge [sflag:s23], $0x1  }
0xa3: {  	[sflag:s23] =	ssyncset.done $0x0  }
0xa4: {  	s25 =	simm.s32 $0x1B8E;
	s24 =	sld [smem:$0x3FFE];
	[sflag:s23] =	ssyncadd.s32 $0xFFFFFFFF  }
0xa5: {  	s26 =	simm.s32 $execute0_lowered;
	[smem:$0x3FD2] =	sst s25  }
0xa6: {  	s4 =	sshll.u32 s26, $0x1;
	_ =	strace $0x80000046;
	[dreg:$0x1] =	wrdreg $0xFFFFFFFF  }
0xa7: {  	s28 =	simm.s32 $_size_execute0_lowered;
	s2 =	sadd.s32 s2, s4;
	[dreg:$0x0] =	wrdreg $0x0  }
0xa8: {  	s4 =	sshll.u32 s28, $0x1;
	[dreg:$0x2] =	wrdreg s2  }
0xa9: {  	[dreg:$0x3] =	wrdreg s4  }
0xaa: {  	[dreg:$0x4] =	wrdreg $0xC0  }
0xab: {  	_ =	task [dreg:s6], $0x5FFFF  }
0xac: {  	[dreg:$0x1] =	wrdreg $0xFFFFFFFF  }
0xad: {  	[dreg:$0x0] =	wrdreg $0x60  }
0xae: {  	[dreg:$0x2] =	wrdreg s24  }
0xaf: {  	[dreg:$0x3] =	wrdreg $0x6000  }
0xb0: {  	[dreg:$0x4] =	wrdreg $0x9  }
0xb1: {  	_ =	task.clear_ibuf [dreg:s6], $0x5FFFF;
	_ =	strace $0x90000046  }
0xb2: {  	s29 =	simm.s32 $0x9;
	_ =	strace $0x80000048  }
0xb3: {  	_ =	swait.ge [sflag:s29], $0x1  }
0xb4: {  	[sflag:s29] =	ssyncadd.s32 $0xFFFFFFFF  }
0xb5: {  	_ =	strace $0x90000048  }
0xb6: {  	_ =	sfence  }
0xb7: {  	s30 =	sld [smem:$0x0];
	_ =	sdelay $0x2  }
0xb8: {  	s31 =	sshll.u32 s1, $0xD;
	s1 =	sshrl.u32 s1, $0x2  }
0xb9: {  	s3 =	sand.u32 $0x4000, s31;
	s1 =	sadd.s32 s1, s30  }
0xba: {  	s0 =	sor.u32 s3, s0;
	s1 =	sshll.u32 s1, $0x11  }
0xbb: {  	s0 =	sor.u32 s1, s0  }
0xbc: {  	s0 =	sadd.s32 $0x8F2B, s0  }
0xbd: {  	[sflag:s0] =	ssyncadd.remote.s32 $0x1  }
0xbe: {  	_ =	sfence.sel $0xFFFF  }
0xbf: {  	[dreg:$0x0] =	wrdreg $0xFFFFFFFF;
	(pc) =	sbr.abs _section_cstart, $3  }
0xc0: {  	[dreg:$0x1] =	wrdreg $0xFFFFFFFF  }
0xc1: {  	_ =	task.clear_ibuf [dreg:s6], $0x2FFFF;
	_ =	strace $0x9FFFFFFF  }
0xc2: {  	(tm) =	ssettm $0x7FFFFFFF  }
0xc3: {  	_ =	shalt  }
tec
execute0_lowered:
.L_overlay_start_1:
0x0: {  	(tag) =	ssettag $0x1  }
0x1: {  	s4 =	rddreg [dreg:$0x0]  }
0x2: {  	s2 =	rddreg [dreg:$0x1]  }
0x3: {  	s0 =	rddreg [dreg:$0x2];
	s3 =	simm.s32 $0x0  }
0x4: {  	s1 =	stileid.u32;
	s6 =	srdreg.scid;
	s21 =	simm.s32 $0x80  }
0x5: {  	s22 =	simm.s32 $0x0;
	[smem:$0x7FF] =	sst s3;
	s5 =	smul.u32 $0x9C4, s1  }
0x6: {  	s7 =	smul.u32 $0x5000, s1;
	s18 =	sand.u32 $0x1, s6;
	s16 =	sadd.s32 $0x21000, s4  }
0x7: {  	s13 =	smul.u32 $0x1400, s1;
	_ =	strace $0x80000047;
	s29 =	ssub.s32 $0x2, s18  }
0x8: {  	p0 =	sne.s32 s18, $0x0;
	s18 =	simm.s32 $0x100;
	s17 =	sadd.s32 s5, s4  }
0x9: {  	s30 =	sshrl.u32 s7, $0x2;
	s31 =	sshrl.u32 s29, $0x1;
	s10 =	sshrl.u32 s13, $0x3  }
0xa: {  	s9 =	sadd.s32 s13, s2;
	s12 =	sadd.s32 $0x500, s13;
	s14 =	sadd.s32 $0xA00, s13  }
0xb: {  	s19 =	sadd.s32 $0xF00, s13;
	s4 =	sadd.s32 s30, s2;
	s8 =	ssub.s32 s29, s31  }
0xc: {  	s10 =	sadd.s32 s16, s10;
	s11 =	sadd.s32 s12, s2;
	s12 =	sshrl.u32 s12, $0x3  }
.Ltmp0:
0xd: {  	s15 =	sshrl.u32 s14, $0x3;
	s13 =	sadd.s32 s14, s2;
	(pc) =	sbr.rel .LBB2_1-.Ltmp0, $4  }
0xe: {  	s20 =	sshrl.u32 s19, $0x3;
	s17 =	sadd.s32 $0xD400, s17;
	s5 =	sadd.s32 $0x500, s4  }
0xf: {  	s6 =	sadd.s32 $0xA00, s4;
	s7 =	sadd.s32 $0xF00, s4;
	s8 =	smax.u32 s8, $0x1  }
0x10: {  	s12 =	sadd.s32 s16, s12;
	s14 =	sadd.s32 s16, s15;
	s15 =	sadd.s32 s19, s2  }
0x11: {  	v0 =	vimm.f32 $1.000000000e+00;
	v1 =	vimm.f32 $0.0e+00;
	s16 =	sadd.s32 s16, s20;
	s19 =	simm.s32 $0x1;
	s20 =	simm.s32 $0x50  }
.LBB2_9:
0x12: {  	[bflag:$0x0] =	sbarrier.arrive $0xFFFF  }
0x13: {  	[bflag:$0x0] =	sbarrier.arrive $0xFFFF  }
.LBB2_7:
0x14: {  	s22 =	sadd.s32 $0x1, s22  }
0x15: {  	p1 =	sne.s32 s22, s8  }
.Ltmp1:
0x16: {  	_ = 	snop;
	(pc) =	sbr.rel @!p1 .LBB2_8-.Ltmp1, $1  }
0x17: {  	_ =	sdelay $0x3  }
.LBB2_1:
0x18: {  	[tilespmem:$0x80] =	vst v0  }
0x19: {  	[tilespmem:$0x90] =	vst v0  }
0x1a: {  	[tilespmem:$0xA0] =	vst v0  }
0x1b: {  	[tilespmem:$0xB0] =	vst v0  }
0x1c: {  	[tilespmem:$0xC0] =	vst v0;
	s23 =	simm.s32 $0x40;
	s24 =	simm.s32 $0x0  }
.LBB2_2:
0x1d: {  	p1 =	sne.s32 s23, $0x13C0;
	[tilespmem:s24+$0x100] =	vst v1;
	s24 =	smov.u32 s23;
	s23 =	sadd.s32 $0x40, s23  }
.Ltmp2:
0x1e: {  	(pc) =	sbr.rel @p1 .LBB2_2-.Ltmp2, $2  }
0x1f: {  	_ =	sdelay $0x2  }
0x20: {  	s24 =	sshra.s32 s24, $0x2  }
.Ltmp3:
0x21: {  	(pc) =	sbr.rel @p0 .LBB2_9-.Ltmp3, $2  }
0x22: {  	_ =	sdelay $0x2  }
0x23: {  	[tilespmem:s24+$0x100] =	vst v1  }
0x24: {  	[spmem:s4] =	stream.linear.scatter [tilespmem:s18], [sflag:$0x1], $0x500, $0x38;
	[tilespmem:$0x1A00] =	vst v63  }
0x25: {  	_ =	swait.ge [sflag:s19], $0x500  }
0x26: {  	[sflag:s19] =	ssyncset.done $0x0  }
0x27: {  	[sflag:s19] =	ssyncadd.s32 $0xFFFFFB00  }
0x28: {  	[spmem:s5] =	stream.linear.scatter [tilespmem:s18], [sflag:$0x1], $0x500, $0x38;
	[tilespmem:$0x1A00] =	vst v63  }
0x29: {  	_ =	swait.ge [sflag:s19], $0x500  }
0x2a: {  	[sflag:s19] =	ssyncset.done $0x0  }
0x2b: {  	[sflag:s19] =	ssyncadd.s32 $0xFFFFFB00  }
0x2c: {  	[spmem:s6] =	stream.linear.scatter [tilespmem:s18], [sflag:$0x1], $0x500, $0x38;
	[tilespmem:$0x1A00] =	vst v63  }
0x2d: {  	_ =	swait.ge [sflag:s19], $0x500  }
0x2e: {  	[sflag:s19] =	ssyncset.done $0x0  }
0x2f: {  	[sflag:s19] =	ssyncadd.s32 $0xFFFFFB00  }
0x30: {  	[spmem:s7] =	stream.linear.scatter [tilespmem:s18], [sflag:$0x1], $0x500, $0x38;
	[tilespmem:$0x1A00] =	vst v63  }
0x31: {  	_ =	swait.ge [sflag:s19], $0x500  }
0x32: {  	[sflag:s19] =	ssyncset.done $0x0  }
0x33: {  	[sflag:s19] =	ssyncadd.s32 $0xFFFFFB00  }
0x34: {  	s23 =	sadd.s32 $0x0, s17;
	[bflag:$0x0] =	sbarrier.arrive $0xFFFF  }
0x35: {  	[tilespmem:s3], [sflag:$0x1] =	stream.linear.gather [hbm4b:s23+s3], $0x50, $0x38;
	[tilespmem:$0x1A00] =	vst v63  }
0x36: {  	_ =	swait.ge [sflag:s19], $0x50  }
0x37: {  	[sflag:s19] =	ssyncset.done $0x0  }
0x38: {  	[sflag:s19] =	ssyncadd.s32 $0xFFFFFFB0  }
0x39: {  	[spmem:s2] =	stream.indirect.scatter.add.f32 [tilespmem:s21], [sflag:$0x1], $0x1, s3, s20, $0xb8;
	[tilespmem:$0x1A00] =	vst v63  }
0x3a: {  	_ =	swait.ge [sflag:s19], $0x50  }
0x3b: {  	s24 =	simm.s32 $0x14;
	s23 =	simm.s32 $0xA;
	[sflag:s19] =	ssyncset.done $0x0  }
.LBB2_5:
0x3c: {  	s25 =	sadd.s32 s23, s17  }
0x3d: {  	[sflag:s19] =	ssyncadd.s32 $0xFFFFFFB0;
	s23 =	smov.u32 s24;
	s26 =	sadd.s32 $0xA, s24  }
0x3e: {  	[tilespmem:s3], [sflag:$0x1] =	stream.linear.gather [hbm4b:s25+s3], $0x50, $0x38;
	[tilespmem:$0x1A00] =	vst v63  }
0x3f: {  	p1 =	seq.s32 s24, $0x9BA;
	_ =	swait.ge [sflag:s19], $0x50  }
.Ltmp4:
0x40: {  	[sflag:s19] =	ssyncset.done $0x0;
	(pc) =	sbr.rel @!p1 .LBB2_5-.Ltmp4, $4  }
0x41: {  	[sflag:s19] =	ssyncadd.s32 $0xFFFFFFB0  }
0x42: {  	[spmem:s2] =	stream.indirect.scatter.add.f32 [tilespmem:s21], [sflag:$0x1], $0x1, s3, s20, $0xb8;
	[tilespmem:$0x1A00] =	vst v63  }
0x43: {  	_ =	swait.ge [sflag:s19], $0x50  }
0x44: {  	s24 =	smov.u32 s26;
	[sflag:s19] =	ssyncset.done $0x0  }
0x45: {  	s23 =	sadd.s32 s23, s17;
	[sflag:s19] =	ssyncadd.s32 $0xFFFFFFB0  }
0x46: {  	[tilespmem:s3], [sflag:$0x1] =	stream.linear.gather [hbm4b:s23+s3], $0x50, $0x38;
	[tilespmem:$0x1A00] =	vst v63  }
0x47: {  	_ =	swait.ge [sflag:s19], $0x50  }
0x48: {  	[sflag:s19] =	ssyncset.done $0x0  }
0x49: {  	[sflag:s19] =	ssyncadd.s32 $0xFFFFFFB0  }
0x4a: {  	[spmem:s2] =	stream.indirect.scatter.add.f32 [tilespmem:s21], [sflag:$0x1], $0x1, s3, s20, $0xb8;
	[tilespmem:$0x1A00] =	vst v63  }
0x4b: {  	_ =	swait.ge [sflag:s19], $0x50  }
0x4c: {  	[sflag:s19] =	ssyncset.done $0x0  }
0x4d: {  	[sflag:s19] =	ssyncadd.s32 $0xFFFFFFB0  }
0x4e: {  	[bflag:$0x0] =	sbarrier.arrive $0xFFFF  }
0x4f: {  	[tilespmem:s18], [sflag:$0x1] =	stream.linear.gather [spmem:s9], $0x500, $0x38;
	[tilespmem:$0x1A00] =	vst v63  }
0x50: {  	_ =	swait.ge [sflag:s19], $0x500  }
0x51: {  	[sflag:s19] =	ssyncset.done $0x0  }
0x52: {  	[sflag:s19] =	ssyncadd.s32 $0xFFFFFB00  }
0x53: {  	[hbm4b:s10+s3] =	stream.linear.scatter [tilespmem:s18], [sflag:$0x1], $0x500, $0x38;
	[tilespmem:$0x1A00] =	vst v63  }
0x54: {  	_ =	swait.ge [sflag:s19], $0x500  }
0x55: {  	[sflag:s19] =	ssyncset.done $0x0  }
0x56: {  	[sflag:s19] =	ssyncadd.s32 $0xFFFFFB00  }
0x57: {  	[tilespmem:s18], [sflag:$0x1] =	stream.linear.gather [spmem:s11], $0x500, $0x38;
	[tilespmem:$0x1A00] =	vst v63  }
0x58: {  	_ =	swait.ge [sflag:s19], $0x500  }
0x59: {  	[sflag:s19] =	ssyncset.done $0x0  }
0x5a: {  	[sflag:s19] =	ssyncadd.s32 $0xFFFFFB00  }
0x5b: {  	[hbm4b:s12+s3] =	stream.linear.scatter [tilespmem:s18], [sflag:$0x1], $0x500, $0x38;
	[tilespmem:$0x1A00] =	vst v63  }
0x5c: {  	_ =	swait.ge [sflag:s19], $0x500  }
0x5d: {  	[sflag:s19] =	ssyncset.done $0x0  }
0x5e: {  	[sflag:s19] =	ssyncadd.s32 $0xFFFFFB00  }
0x5f: {  	[tilespmem:s18], [sflag:$0x1] =	stream.linear.gather [spmem:s13], $0x500, $0x38;
	[tilespmem:$0x1A00] =	vst v63  }
0x60: {  	_ =	swait.ge [sflag:s19], $0x500  }
0x61: {  	[sflag:s19] =	ssyncset.done $0x0  }
0x62: {  	[sflag:s19] =	ssyncadd.s32 $0xFFFFFB00  }
0x63: {  	[hbm4b:s14+s3] =	stream.linear.scatter [tilespmem:s18], [sflag:$0x1], $0x500, $0x38;
	[tilespmem:$0x1A00] =	vst v63  }
0x64: {  	_ =	swait.ge [sflag:s19], $0x500  }
0x65: {  	[sflag:s19] =	ssyncset.done $0x0  }
0x66: {  	[sflag:s19] =	ssyncadd.s32 $0xFFFFFB00  }
0x67: {  	[tilespmem:s18], [sflag:$0x1] =	stream.linear.gather [spmem:s15], $0x500, $0x38;
	[tilespmem:$0x1A00] =	vst v63  }
0x68: {  	_ =	swait.ge [sflag:s19], $0x500  }
0x69: {  	[sflag:s19] =	ssyncset.done $0x0  }
.Ltmp5:
0x6a: {  	[sflag:s19] =	ssyncadd.s32 $0xFFFFFB00;
	(pc) =	sbr.rel .LBB2_7-.Ltmp5, $4  }
0x6b: {  	[hbm4b:s16+s3] =	stream.linear.scatter [tilespmem:s18], [sflag:$0x1], $0x500, $0x38;
	[tilespmem:$0x1A00] =	vst v63  }
0x6c: {  	_ =	swait.ge [sflag:s19], $0x500  }
0x6d: {  	[sflag:s19] =	ssyncset.done $0x0  }
0x6e: {  	[sflag:s19] =	ssyncadd.s32 $0xFFFFFB00  }
.LBB2_8:
0x6f: {  	_ =	sfence.sel $0x180000  }
0x70: {  	[bflag:$0x0] =	sbarrier.arrive $0xFFFF  }
0x71: {  	p0 =	sne.s32 s1, $0x0;
	_ =	strace $0x90000047  }
0x72: {  	s0 =	sadd.s32 @!p0 $0x100000, s0;
	[bflag:$0x2] =	sbarrier.arrive $0xFFFF  }
0x73: {  	[sflag:s0] =	ssyncadd.tile.s32 @!p0 $0x1;
	_ =	shalt  }
.Lfunc_end2:
_tile_overlayer_lowered:
.L_overlay_start_2:
0x74: {  	(tag) =	ssettag $0x2  }
0x75: {  	s0 =	rddreg [dreg:$0x0];
	s2 =	stileid.u32  }
0x76: {  	s1 =	rddreg [dreg:$0x1];
	p0 =	sne.s32 s2, $0x0  }
0x77: {  	s3 =	rddreg [dreg:$0x2];
	[bflag:$0x3] =	sbarrier.arrive $0xFFFF;
	s2 =	simm.s32 @!p0 $0x1C01  }
0x78: {  	[timem:s3], [sflag:s2] =	dma.local @!p0 [hbm:s0], s1  }
0x79: {  	s0 =	simm.s32 @!p0 $0x1  }
0x7a: {  	_ =	swait.ge @!p0 [sflag:s0], s1  }
0x7b: {  	s1 =	ssub.s32 @!p0 $0x0, s1;
	[sflag:s0] =	ssyncset.done @!p0 $0x0  }
0x7c: {  	[sflag:s0] =	ssyncadd.s32 @!p0 s1  }
0x7d: {  	[bflag:$0x3] =	sbarrier.arrive $0xFFFF  }
0x7e: {  	_ =	shalt  }

</sc_bundles>
